<compile_context>
chip_gen: v7x
topology: tpu7x:2x2x1
jax: 0.10.2.dev20260603
libtpu: 0.0.44.dev20260713+nightly
codegen_flags: <defaults>
</compile_context>

<pallas_src>
import functools

import jax
import jax.numpy as jnp
from jax import lax
from jax.experimental import pallas as pl
from jax.experimental.pallas import tpu as pltpu
from jax.experimental.pallas import tpu_sc as plsc

_N_S = 5000
_N_D = 5000
_E = 320000
_D = 128

_B = 128
_RP = 5120
_RPT = _RP // 16
_SS = 16
_CP = 160
_SP = _CP // _SS
_CN = 80
_SN = _CN // _SS
_TRASH = _RP - 1

_COPY_PIECES = ((0, 128), (128, 128), (256, _RPT - 256))


def _prelu(x, a):
    return jnp.where(x > 0, x, a * x)


def _tc_norm_body(x_ref, w_ref, b_ref, a_ref, t_ref):
    x = x_ref[...]
    h = jnp.dot(x, w_ref[...], preferred_element_type=jnp.float32)
    h = _prelu(h + b_ref[...], a_ref[0, 0])
    n2 = jnp.sum(h * h, axis=1, keepdims=True)
    t_ref[:_N_S, :] = x
    t_ref[_N_S:, :] = h * lax.rsqrt(jnp.maximum(n2, 1e-16))


def _tc_norm(x, w, b2, a2):
    return pl.pallas_call(
        _tc_norm_body,
        out_shape=jax.ShapeDtypeStruct((2 * _N_S, _D), jnp.float32),
    )(x, w, b2, a2)


_sc_mesh = plsc.VectorSubcoreMesh(core_axis_name="c", subcore_axis_name="s")


@functools.partial(
    pl.kernel,
    out_type=(
        jax.ShapeDtypeStruct((2, _RP, _D), jnp.float32),
        jax.ShapeDtypeStruct((2, _RP, _D), jnp.float32),
        jax.ShapeDtypeStruct((_RP,), jnp.float32),
        jax.ShapeDtypeStruct((_RP,), jnp.float32),
    ),
    mesh=_sc_mesh,
    scratch_types=[
        pltpu.VMEM_SHARED((_RP, _D), jnp.float32),
        pltpu.VMEM_SHARED((_RP, _D), jnp.float32),
        pltpu.VMEM_SHARED((_RP,), jnp.float32),
        pltpu.VMEM_SHARED((_RP,), jnp.float32),
        pltpu.VMEM((2, _SS, _B), jnp.int32),
        pltpu.VMEM((2, _SS, _B), jnp.int32),
        pltpu.VMEM((2, _B, _D), jnp.float32),
        pltpu.VMEM((_B,), jnp.float32),
        pltpu.SemaphoreType.DMA,
        pltpu.SemaphoreType.DMA,
        pltpu.SemaphoreType.DMA,
        pltpu.SemaphoreType.DMA,
    ],
)
def _sc_segsum(srcp, dstp, srcn, dstn, table,
               z128, z1, ones_h,
               sump_o, sumn_o, dp_o, dn_o,
               acc0, acc1, dacc0, dacc1, idxs, idxd, rows, ones_v,
               sem_g, sem_s, sem_d, sem_i):
    c = lax.axis_index("c")
    s = lax.axis_index("s")
    r0 = s * _RPT

    pltpu.sync_copy(z128, rows.at[0])
    pltpu.sync_copy(z1, ones_v)
    for off, sz in _COPY_PIECES:
        pltpu.sync_copy(rows.at[0, pl.ds(0, sz)], acc0.at[pl.ds(r0 + off, sz)])
        pltpu.sync_copy(rows.at[0, pl.ds(0, sz)], acc1.at[pl.ds(r0 + off, sz)])
        pltpu.sync_copy(ones_v.at[pl.ds(0, sz)], dacc0.at[pl.ds(r0 + off, sz)])
        pltpu.sync_copy(ones_v.at[pl.ds(0, sz)], dacc1.at[pl.ds(r0 + off, sz)])
    pltpu.sync_copy(ones_h, ones_v)
    plsc.subcore_barrier()

    def run_pass(src_h, dst_h, nstages, accum, daccum):
        pltpu.sync_copy(src_h.at[c, s, pl.ds(0, _SS)], idxs.at[0])
        pltpu.sync_copy(dst_h.at[s, pl.ds(0, _SS)], idxd.at[0])

        def stage(t, carry):
            tb = lax.rem(t, 2)
            nb = lax.rem(t + 1, 2)

            @pl.when(t + 1 < nstages)
            def _():
                pltpu.async_copy(
                    src_h.at[c, s, pl.ds((t + 1) * _SS, _SS)], idxs.at[nb], sem_i)
                pltpu.async_copy(
                    dst_h.at[s, pl.ds((t + 1) * _SS, _SS)], idxd.at[nb], sem_i)

            pltpu.async_copy(table.at[idxs.at[tb, 0]], rows.at[0], sem_g)

            def chunk(j, cc):
                pb = lax.rem(j, 2)
                qb = lax.rem(j + 1, 2)
                pltpu.make_async_copy(
                    table.at[idxs.at[tb, j]], rows.at[pb], sem_g).wait()
                pltpu.async_copy(
                    rows.at[pb], accum.at[idxd.at[tb, j]], sem_s, add=True)

                @pl.when(c == 0)
                def _():
                    pltpu.async_copy(
                        ones_v, daccum.at[idxd.at[tb, j]], sem_d, add=True)

                @pl.when(j > 0)
                def _():
                    pltpu.make_async_copy(
                        z128, accum.at[pl.ds(0, _B)], sem_s).wait()

                @pl.when(jnp.logical_and(c == 0, j > 0))
                def _():
                    pltpu.make_async_copy(
                        z1, daccum.at[pl.ds(0, _B)], sem_d).wait()

                @pl.when(j + 1 < _SS)
                def _():
                    pltpu.async_copy(
                        table.at[idxs.at[tb, j + 1]], rows.at[qb], sem_g)

                return cc

            lax.fori_loop(0, _SS, chunk, 0)
            pltpu.make_async_copy(z128, accum.at[pl.ds(0, _B)], sem_s).wait()

            @pl.when(c == 0)
            def _():
                pltpu.make_async_copy(z1, daccum.at[pl.ds(0, _B)], sem_d).wait()

            @pl.when(t + 1 < nstages)
            def _():
                pltpu.make_async_copy(
                    src_h.at[c, s, pl.ds((t + 1) * _SS, _SS)],
                    idxs.at[nb], sem_i).wait()
                pltpu.make_async_copy(
                    dst_h.at[s, pl.ds((t + 1) * _SS, _SS)],
                    idxd.at[nb], sem_i).wait()

            return carry

        lax.fori_loop(0, nstages, stage, 0)

    run_pass(srcp, dstp, _SP, acc0, dacc0)
    run_pass(srcn, dstn, _SN, acc1, dacc1)
    plsc.subcore_barrier()

    def copy_out(accum, out):
        for off, sz in _COPY_PIECES:
            pltpu.sync_copy(accum.at[pl.ds(r0 + off, sz)],
                            rows.at[0, pl.ds(0, sz)])
            pltpu.sync_copy(rows.at[0, pl.ds(0, sz)],
                            out.at[c, pl.ds(r0 + off, sz)])

    copy_out(acc0, sump_o)
    copy_out(acc1, sumn_o)

    @pl.when(c == 0)
    def _():
        for daccum, out in ((dacc0, dp_o), (dacc1, dn_o)):
            for off, sz in _COPY_PIECES:
                pltpu.sync_copy(daccum.at[pl.ds(r0 + off, sz)],
                                ones_v.at[pl.ds(0, sz)])
                pltpu.sync_copy(ones_v.at[pl.ds(0, sz)],
                                out.at[pl.ds(r0 + off, sz)])


def _tc_final_body(ap_ref, an_ref, gp_ref, gn_ref, dp_ref, dn_ref, fd_ref,
                   w_ref, b_ref, a_ref, z_ref, loss_ref):
    fd = fd_ref[...]
    wm = w_ref[...]
    bb = b_ref[...]
    aa = a_ref[0, 0]
    mp = (ap_ref[...] + fd) / (dp_ref[...] + 1.0)
    hp = _prelu(jnp.dot(mp, wm, preferred_element_type=jnp.float32) + bb, aa)
    mn = (an_ref[...] + fd) / (dn_ref[...] + 1.0)
    hn = _prelu(jnp.dot(mn, wm, preferred_element_type=jnp.float32) + bb, aa)
    npn = jnp.sqrt(jnp.sum(hp * hp, axis=1, keepdims=True))
    nnn = jnp.sqrt(jnp.sum(hn * hn, axis=1, keepdims=True))
    pos = jnp.sum(hp * hn, axis=1, keepdims=True) / jnp.maximum(npn * nnn, 1e-8)
    neg1 = jnp.sum(hp * gn_ref[...], axis=1, keepdims=True) \
        / jnp.maximum(npn, 1e-20) + pos
    neg2 = jnp.sum(hn * gp_ref[...], axis=1, keepdims=True) \
        / jnp.maximum(nnn, 1e-20) + pos
    stot = jnp.sum(jnp.exp(pos)) + jnp.sum(jnp.exp(neg1)) + jnp.sum(jnp.exp(neg2))
    loss_ref[...] = (jnp.log(stot) - jnp.sum(pos)).reshape(1, 1)
    z_ref[...] = hp


def _tc_final(ap, an, gp, gn, dp, dn, fd, w, b2, a2):
    return pl.pallas_call(
        _tc_final_body,
        out_shape=(
            jax.ShapeDtypeStruct((_N_D, _D), jnp.float32),
            jax.ShapeDtypeStruct((1, 1), jnp.float32),
        ),
    )(ap, an, gp, gn, dp, dn, fd, w, b2, a2)


def kernel(feat_src, feat_dst, edge_index, W, b, prelu_a, fc_W, fc_b, attn):
    del fc_W, fc_b, attn
    src = edge_index[0]
    dst = edge_index[1]
    b2 = b.reshape(1, _D)
    a2 = prelu_a.reshape(1, 1)

    table = _tc_norm(feat_src, W, b2, a2)

    pad_p = 16 * _CP * _B - _E
    pad_n = 16 * _CN * _B - _E // 2
    i32 = src.dtype
    srcp = jnp.concatenate([src, jnp.zeros((pad_p,), i32)]).reshape(16, _CP, _B)
    dstp = jnp.concatenate([dst, jnp.full((pad_p,), _TRASH, i32)]).reshape(16, _CP, _B)
    se = src[::2]
    de = dst[::2]
    srcn = jnp.concatenate([se, jnp.zeros((pad_n,), i32)]).reshape(16, _CN, _B)
    dstn = jnp.concatenate([de, jnp.full((pad_n,), _TRASH, i32)]).reshape(16, _CN, _B)
    srcp2 = jnp.stack([srcp, srcp + _N_S])
    srcn2 = jnp.stack([srcn, srcn + _N_S])

    z128 = jnp.zeros((_B, _D), jnp.float32)
    z1 = jnp.zeros((_B,), jnp.float32)
    ones = jnp.ones((_B,), jnp.float32)

    sump, sumn, dp, dn = _sc_segsum(
        srcp2, dstp, srcn2, dstn, table, z128, z1, ones)

    z, loss = _tc_final(
        sump[0, :_N_D], sumn[0, :_N_D], sump[1, :_N_D], sumn[1, :_N_D],
        dp[:_N_D, None], dn[:_N_D, None], feat_dst, W, b2, a2)
    return loss[0, 0], z

# --- scband reference (transcript-rebuilt; emitter-appended) ---
"""Pipeline reference for scband-contrast-8108898255227 (READ-ONLY COPY).

The authoritative reference and input builder live on the scoring server;
editing this copy changes nothing except your own understanding.
"""

import jax, jax.numpy as jnp
import numpy as np

N_S = 5000
N_D = 5000
E = 320000
D = 128


def _cosine(a, b):
    num = jnp.sum(a * b, axis=-1)
    den = jnp.linalg.norm(a, axis=-1) * jnp.linalg.norm(b, axis=-1)
    return num / jnp.maximum(den, 1e-8)


def _gconv(feat, src, dst, n, W, b, prelu_a):
    # DGL GraphConv(norm='right'): aggregate-sum over in-edges, divide by in-degree,
    # then linear transform, then PReLU activation.
    agg = jax.ops.segment_sum(feat[src], dst, num_segments=n)
    deg = jax.ops.segment_sum(jnp.ones(src.shape[0], jnp.float32), dst, num_segments=n)
    rst = agg / jnp.maximum(deg, 1.0)[:, None]
    rst = rst @ W + b
    return jnp.where(rst > 0, rst, prelu_a * rst)


def setup_inputs(seed: int = 0) -> dict:
    key = jax.random.key(seed)
    ks = jax.random.split(key, 10)
    feat_src = jax.random.normal(ks[0], (N_S, D), jnp.float32)
    feat_dst = jax.random.normal(ks[1], (N_D, D), jnp.float32)
    src = jax.random.randint(ks[2], (E,), 0, N_S)
    dst = jax.random.randint(ks[3], (E,), 0, N_D)
    edge_index = jnp.stack([src, dst])
    gain = float(np.sqrt(2.0))
    W = jax.random.normal(ks[4], (D, D), jnp.float32) * (gain / np.sqrt(D))
    b = jnp.zeros((D,), jnp.float32)
    prelu_a = jnp.array(0.25, jnp.float32)
    fc_W = jax.random.normal(ks[5], (D, D), jnp.float32) * (gain / np.sqrt(D))
    fc_b = jnp.zeros((D,), jnp.float32)
    attn = jax.random.normal(ks[6], (1, D), jnp.float32) * (gain / np.sqrt(D))
    return {"feat_src": feat_src, "feat_dst": feat_dst, "edge_index": edge_index,
            "W": W, "b": b, "prelu_a": prelu_a, "fc_W": fc_W, "fc_b": fc_b, "attn": attn}


def reference(feat_src, feat_dst, edge_index, W, b, prelu_a, fc_W, fc_b, attn):
    n = N_S + N_D
    x = jnp.concatenate([feat_src, feat_dst], axis=0)
    src = edge_index[0]
    dst = edge_index[1] + N_S  # homogeneous node ids: dst-type nodes offset by N_S
    sl = jnp.arange(n)
    # positive graph with self-loops
    src_p = jnp.concatenate([src, sl])
    dst_p = jnp.concatenate([dst, sl])
    h = _gconv(x, src_p, dst_p, n, W, b, prelu_a)
    # negative graph via deterministic drop-edge (keep every other edge) + self-loops
    src_n = jnp.concatenate([src[::2], sl])
    dst_n = jnp.concatenate([dst[::2], sl])
    h_neg = _gconv(x, src_n, dst_n, n, W, b, prelu_a)
    # contrastive loss over predict-type (dst) nodes
    h_pos_d = h[N_S:]
    h_neg_d = h_neg[N_S:]
    pos_loss = _cosine(h_pos_d, h_neg_d)
    # cross-view neighbor negatives via per-edge cosine + segment-sum per dst node
    c1 = _cosine(h[dst_n], h_neg[src_n])
    neg1 = jax.ops.segment_sum(c1, dst_n, num_segments=n)[N_S:]
    c2 = _cosine(h_neg[dst_p], h[src_p])
    neg2 = jax.ops.segment_sum(c2, dst_p, num_segments=n)[N_S:]
    neg_loss = jnp.concatenate([neg1, neg2])
    all_l = jnp.concatenate([pos_loss, neg_loss])
    total_loss = jnp.log(jnp.sum(jnp.exp(all_l))) - jnp.sum(pos_loss)
    # semantic attention over the (single) etype embedding stack
    hstack = h_pos_d[:, None, :]  # (N_D, M=1, D)
    w = jnp.tanh(hstack @ fc_W.T + fc_b).mean(axis=0) @ attn.T  # (M, 1)
    beta = jax.nn.softmax(w, axis=0)
    z = jnp.sum(beta[None, :, :] * hstack, axis=1)  # (N_D, D)
    return total_loss, z

if __name__ == "__main__":
    import jax
    _d = setup_inputs()
    print(jax.jit(kernel)(*tuple(_d.values())))

</pallas_src>

<mosaic_0001>
#map = affine_map<(d0, d1) -> (0, 0, 0, 0)>
#map1 = affine_map<(d0, d1) -> (0, 0, 0)>
#map2 = affine_map<(d0, d1) -> (0, 0)>
#map3 = affine_map<(d0, d1) -> (0)>
module attributes {stable_mosaic.version = 14 : i64} {
  func.func @_sc_segsum(%arg0: i32, %arg1: i32, %arg2: memref<2x16x160x128xi32, #tpu.memory_space<hbm>>, %arg3: memref<16x160x128xi32, #tpu.memory_space<hbm>>, %arg4: memref<2x16x80x128xi32, #tpu.memory_space<hbm>>, %arg5: memref<16x80x128xi32, #tpu.memory_space<hbm>>, %arg6: memref<10000x128xf32, #tpu.memory_space<hbm>>, %arg7: memref<128x128xf32, #tpu.memory_space<hbm>>, %arg8: memref<128xf32, #tpu.memory_space<hbm>>, %arg9: memref<128xf32, #tpu.memory_space<hbm>>, %arg10: memref<2x5120x128xf32, #tpu.memory_space<hbm>>, %arg11: memref<2x5120x128xf32, #tpu.memory_space<hbm>>, %arg12: memref<5120xf32, #tpu.memory_space<hbm>>, %arg13: memref<5120xf32, #tpu.memory_space<hbm>>, %arg14: memref<5120x128xf32, #tpu.memory_space<vmem_shared>>, %arg15: memref<5120x128xf32, #tpu.memory_space<vmem_shared>>, %arg16: memref<5120xf32, #tpu.memory_space<vmem_shared>>, %arg17: memref<5120xf32, #tpu.memory_space<vmem_shared>>, %arg18: memref<2x16x128xi32, #tpu.memory_space<vmem>>, %arg19: memref<2x16x128xi32, #tpu.memory_space<vmem>>, %arg20: memref<2x128x128xf32, #tpu.memory_space<vmem>>, %arg21: memref<128xf32, #tpu.memory_space<vmem>>, %arg22: memref<!tpu.dma_semaphore, #tpu.memory_space<semaphore_mem>>, %arg23: memref<!tpu.dma_semaphore, #tpu.memory_space<semaphore_mem>>, %arg24: memref<!tpu.dma_semaphore, #tpu.memory_space<semaphore_mem>>, %arg25: memref<!tpu.dma_semaphore, #tpu.memory_space<semaphore_mem>>) attributes {dimension_semantics = [#tpu.dimension_semantics<core_parallel>, #tpu.dimension_semantics<subcore_parallel>], iteration_bounds = array<i64: 2, 16>, scalar_prefetch = 0 : i64, scratch_operands = 12 : i64, tpu.core_type = #tpu.core_type<sc_vector_subcore>, window_params = [{transform_indices = #map}, {transform_indices = #map1}, {transform_indices = #map}, {transform_indices = #map1}, {transform_indices = #map2}, {transform_indices = #map2}, {transform_indices = #map3}, {transform_indices = #map3}, {transform_indices = #map1}, {transform_indices = #map1}, {transform_indices = #map3}, {transform_indices = #map3}]} {
    %mul3A = arith.constant 320 : i32
    %mul3A_0 = arith.muli %arg1, %mul3A : i32
    %run_scoped3A = arith.constant 0 : i32
    "tpu.region"() ({
      %run_scoped3A_84 = tpu.sem_alloc : memref<!tpu.dma_semaphore, #tpu.memory_space<semaphore_mem>>
      %dma_start3A = arith.constant 0 : i32
      %dma_start3A_85 = arith.constant 0 : i32
      %dma_start3A_86 = tpu.memref_slice %arg20[%run_scoped3A, %dma_start3A, %dma_start3A_85] : memref<2x128x128xf32, #tpu.memory_space<vmem>> -> memref<1x128x128xf32, #tpu.memory_space<vmem>>
      %dma_start3A_87 = tpu.memref_squeeze %dma_start3A_86 : memref<1x128x128xf32, #tpu.memory_space<vmem>> -> memref<128x128xf32, #tpu.memory_space<vmem>>
      %dma_start3A_88 = arith.constant 0 : i32
      %dma_start3A_89 = arith.constant 0 : i32
      %dma_start3A_90 = tpu.memref_slice %arg20[%run_scoped3A, %dma_start3A_88, %dma_start3A_89] : memref<2x128x128xf32, #tpu.memory_space<vmem>> -> memref<1x128x128xf32, #tpu.memory_space<vmem>>
      %dma_start3A_91 = tpu.memref_squeeze %dma_start3A_90 : memref<1x128x128xf32, #tpu.memory_space<vmem>> -> memref<128x128xf32, #tpu.memory_space<vmem>>
      tpu.enqueue_dma source(%arg7 : memref<128x128xf32, #tpu.memory_space<hbm>>) target(%dma_start3A_91 : memref<128x128xf32, #tpu.memory_space<vmem>>) target_semaphore(%run_scoped3A_84 : memref<!tpu.dma_semaphore, #tpu.memory_space<semaphore_mem>>)
      %dma_wait3A = arith.constant 0 : i32
      %dma_wait3A_92 = arith.constant 0 : i32
      %dma_wait3A_93 = tpu.memref_slice %arg20[%run_scoped3A, %dma_wait3A, %dma_wait3A_92] : memref<2x128x128xf32, #tpu.memory_space<vmem>> -> memref<1x128x128xf32, #tpu.memory_space<vmem>>
      %dma_wait3A_94 = tpu.memref_squeeze %dma_wait3A_93 : memref<1x128x128xf32, #tpu.memory_space<vmem>> -> memref<128x128xf32, #tpu.memory_space<vmem>>
      %dma_wait3A_95 = arith.constant 0 : i32
      %dma_wait3A_96 = arith.constant 0 : i32
      %dma_wait3A_97 = tpu.memref_slice %arg20[%run_scoped3A, %dma_wait3A_95, %dma_wait3A_96] : memref<2x128x128xf32, #tpu.memory_space<vmem>> -> memref<1x128x128xf32, #tpu.memory_space<vmem>>
      %dma_wait3A_98 = tpu.memref_squeeze %dma_wait3A_97 : memref<1x128x128xf32, #tpu.memory_space<vmem>> -> memref<128x128xf32, #tpu.memory_space<vmem>>
      tpu.wait_dma2 semaphore(%run_scoped3A_84 : memref<!tpu.dma_semaphore, #tpu.memory_space<semaphore_mem>>) src(%arg7 : memref<128x128xf32, #tpu.memory_space<hbm>>) dst(%dma_wait3A_98 : memref<128x128xf32, #tpu.memory_space<vmem>>)
      tpu.yield
    }) : () -> ()
    "tpu.region"() ({
      %run_scoped3A_84 = tpu.sem_alloc : memref<!tpu.dma_semaphore, #tpu.memory_space<semaphore_mem>>
      tpu.enqueue_dma source(%arg8 : memref<128xf32, #tpu.memory_space<hbm>>) target(%arg21 : memref<128xf32, #tpu.memory_space<vmem>>) target_semaphore(%run_scoped3A_84 : memref<!tpu.dma_semaphore, #tpu.memory_space<semaphore_mem>>)
      tpu.wait_dma2 semaphore(%run_scoped3A_84 : memref<!tpu.dma_semaphore, #tpu.memory_space<semaphore_mem>>) src(%arg8 : memref<128xf32, #tpu.memory_space<hbm>>) dst(%arg21 : memref<128xf32, #tpu.memory_space<vmem>>)
      tpu.yield
    }) : () -> ()
    %add3A = arith.constant 0 : i32
    %add3A_1 = arith.addi %mul3A_0, %add3A : i32
    %run_scoped3A_2 = arith.constant 0 : i32
    "tpu.region"() ({
      %run_scoped3A_84 = tpu.sem_alloc : memref<!tpu.dma_semaphore, #tpu.memory_space<semaphore_mem>>
      %dma_start3A = arith.constant 0 : i32
      %dma_start3A_85 = arith.constant 0 : i32
      %dma_start3A_86 = tpu.memref_slice %arg20[%run_scoped3A_2, %dma_start3A, %dma_start3A_85] : memref<2x128x128xf32, #tpu.memory_space<vmem>> -> memref<1x128x128xf32, #tpu.memory_space<vmem>>
      %dma_start3A_87 = tpu.memref_squeeze %dma_start3A_86 : memref<1x128x128xf32, #tpu.memory_space<vmem>> -> memref<128x128xf32, #tpu.memory_space<vmem>>
      %dma_start3A_88 = arith.constant 0 : i32
      %dma_start3A_89 = tpu.memref_slice %arg14[%add3A_1, %dma_start3A_88] : memref<5120x128xf32, #tpu.memory_space<vmem_shared>> -> memref<128x128xf32, #tpu.memory_space<vmem_shared>>
      %dma_start3A_90 = arith.constant 0 : i32
      %dma_start3A_91 = tpu.memref_slice %arg14[%add3A_1, %dma_start3A_90] : memref<5120x128xf32, #tpu.memory_space<vmem_shared>> -> memref<128x128xf32, #tpu.memory_space<vmem_shared>>
      %dma_start3A_92 = arith.constant 0 : i32
      %dma_start3A_93 = arith.constant 0 : i32
      %dma_start3A_94 = tpu.memref_slice %arg20[%run_scoped3A_2, %dma_start3A_92, %dma_start3A_93] : memref<2x128x128xf32, #tpu.memory_space<vmem>> -> memref<1x128x128xf32, #tpu.memory_space<vmem>>
      %dma_start3A_95 = tpu.memref_squeeze %dma_start3A_94 : memref<1x128x128xf32, #tpu.memory_space<vmem>> -> memref<128x128xf32, #tpu.memory_space<vmem>>
      tpu.enqueue_dma source(%dma_start3A_95 : memref<128x128xf32, #tpu.memory_space<vmem>>) target(%dma_start3A_91 : memref<128x128xf32, #tpu.memory_space<vmem_shared>>) target_semaphore(%run_scoped3A_84 : memref<!tpu.dma_semaphore, #tpu.memory_space<semaphore_mem>>)
      %dma_wait3A = arith.constant 0 : i32
      %dma_wait3A_96 = arith.constant 0 : i32
      %dma_wait3A_97 = tpu.memref_slice %arg20[%run_scoped3A_2, %dma_wait3A, %dma_wait3A_96] : memref<2x128x128xf32, #tpu.memory_space<vmem>> -> memref<1x128x128xf32, #tpu.memory_space<vmem>>
      %dma_wait3A_98 = tpu.memref_squeeze %dma_wait3A_97 : memref<1x128x128xf32, #tpu.memory_space<vmem>> -> memref<128x128xf32, #tpu.memory_space<vmem>>
      %dma_wait3A_99 = arith.constant 0 : i32
      %dma_wait3A_100 = tpu.memref_slice %arg14[%add3A_1, %dma_wait3A_99] : memref<5120x128xf32, #tpu.memory_space<vmem_shared>> -> memref<128x128xf32, #tpu.memory_space<vmem_shared>>
      %dma_wait3A_101 = arith.constant 0 : i32
      %dma_wait3A_102 = tpu.memref_slice %arg14[%add3A_1, %dma_wait3A_101] : memref<5120x128xf32, #tpu.memory_space<vmem_shared>> -> memref<128x128xf32, #tpu.memory_space<vmem_shared>>
      %dma_wait3A_103 = arith.constant 0 : i32
      %dma_wait3A_104 = arith.constant 0 : i32
      %dma_wait3A_105 = tpu.memref_slice %arg20[%run_scoped3A_2, %dma_wait3A_103, %dma_wait3A_104] : memref<2x128x128xf32, #tpu.memory_space<vmem>> -> memref<1x128x128xf32, #tpu.memory_space<vmem>>
      %dma_wait3A_106 = tpu.memref_squeeze %dma_wait3A_105 : memref<1x128x128xf32, #tpu.memory_space<vmem>> -> memref<128x128xf32, #tpu.memory_space<vmem>>
      tpu.wait_dma2 semaphore(%run_scoped3A_84 : memref<!tpu.dma_semaphore, #tpu.memory_space<semaphore_mem>>) src(%dma_wait3A_106 : memref<128x128xf32, #tpu.memory_space<vmem>>) dst(%dma_wait3A_102 : memref<128x128xf32, #tpu.memory_space<vmem_shared>>)
      tpu.yield
    }) : () -> ()
    %add3A_3 = arith.constant 0 : i32
    %add3A_4 = arith.addi %mul3A_0, %add3A_3 : i32
    %run_scoped3A_5 = arith.constant 0 : i32
    "tpu.region"() ({
      %run_scoped3A_84 = tpu.sem_alloc : memref<!tpu.dma_semaphore, #tpu.memory_space<semaphore_mem>>
      %dma_start3A = arith.constant 0 : i32
      %dma_start3A_85 = arith.constant 0 : i32
      %dma_start3A_86 = tpu.memref_slice %arg20[%run_scoped3A_5, %dma_start3A, %dma_start3A_85] : memref<2x128x128xf32, #tpu.memory_space<vmem>> -> memref<1x128x128xf32, #tpu.memory_space<vmem>>
      %dma_start3A_87 = tpu.memref_squeeze %dma_start3A_86 : memref<1x128x128xf32, #tpu.memory_space<vmem>> -> memref<128x128xf32, #tpu.memory_space<vmem>>
      %dma_start3A_88 = arith.constant 0 : i32
      %dma_start3A_89 = tpu.memref_slice %arg15[%add3A_4, %dma_start3A_88] : memref<5120x128xf32, #tpu.memory_space<vmem_shared>> -> memref<128x128xf32, #tpu.memory_space<vmem_shared>>
      %dma_start3A_90 = arith.constant 0 : i32
      %dma_start3A_91 = tpu.memref_slice %arg15[%add3A_4, %dma_start3A_90] : memref<5120x128xf32, #tpu.memory_space<vmem_shared>> -> memref<128x128xf32, #tpu.memory_space<vmem_shared>>
      %dma_start3A_92 = arith.constant 0 : i32
      %dma_start3A_93 = arith.constant 0 : i32
      %dma_start3A_94 = tpu.memref_slice %arg20[%run_scoped3A_5, %dma_start3A_92, %dma_start3A_93] : memref<2x128x128xf32, #tpu.memory_space<vmem>> -> memref<1x128x128xf32, #tpu.memory_space<vmem>>
      %dma_start3A_95 = tpu.memref_squeeze %dma_start3A_94 : memref<1x128x128xf32, #tpu.memory_space<vmem>> -> memref<128x128xf32, #tpu.memory_space<vmem>>
      tpu.enqueue_dma source(%dma_start3A_95 : memref<128x128xf32, #tpu.memory_space<vmem>>) target(%dma_start3A_91 : memref<128x128xf32, #tpu.memory_space<vmem_shared>>) target_semaphore(%run_scoped3A_84 : memref<!tpu.dma_semaphore, #tpu.memory_space<semaphore_mem>>)
      %dma_wait3A = arith.constant 0 : i32
      %dma_wait3A_96 = arith.constant 0 : i32
      %dma_wait3A_97 = tpu.memref_slice %arg20[%run_scoped3A_5, %dma_wait3A, %dma_wait3A_96] : memref<2x128x128xf32, #tpu.memory_space<vmem>> -> memref<1x128x128xf32, #tpu.memory_space<vmem>>
      %dma_wait3A_98 = tpu.memref_squeeze %dma_wait3A_97 : memref<1x128x128xf32, #tpu.memory_space<vmem>> -> memref<128x128xf32, #tpu.memory_space<vmem>>
      %dma_wait3A_99 = arith.constant 0 : i32
      %dma_wait3A_100 = tpu.memref_slice %arg15[%add3A_4, %dma_wait3A_99] : memref<5120x128xf32, #tpu.memory_space<vmem_shared>> -> memref<128x128xf32, #tpu.memory_space<vmem_shared>>
      %dma_wait3A_101 = arith.constant 0 : i32
      %dma_wait3A_102 = tpu.memref_slice %arg15[%add3A_4, %dma_wait3A_101] : memref<5120x128xf32, #tpu.memory_space<vmem_shared>> -> memref<128x128xf32, #tpu.memory_space<vmem_shared>>
      %dma_wait3A_103 = arith.constant 0 : i32
      %dma_wait3A_104 = arith.constant 0 : i32
      %dma_wait3A_105 = tpu.memref_slice %arg20[%run_scoped3A_5, %dma_wait3A_103, %dma_wait3A_104] : memref<2x128x128xf32, #tpu.memory_space<vmem>> -> memref<1x128x128xf32, #tpu.memory_space<vmem>>
      %dma_wait3A_106 = tpu.memref_squeeze %dma_wait3A_105 : memref<1x128x128xf32, #tpu.memory_space<vmem>> -> memref<128x128xf32, #tpu.memory_space<vmem>>
      tpu.wait_dma2 semaphore(%run_scoped3A_84 : memref<!tpu.dma_semaphore, #tpu.memory_space<semaphore_mem>>) src(%dma_wait3A_106 : memref<128x128xf32, #tpu.memory_space<vmem>>) dst(%dma_wait3A_102 : memref<128x128xf32, #tpu.memory_space<vmem_shared>>)
      tpu.yield
    }) : () -> ()
    %add3A_6 = arith.constant 0 : i32
    %add3A_7 = arith.addi %mul3A_0, %add3A_6 : i32
    "tpu.region"() ({
      %run_scoped3A_84 = tpu.sem_alloc : memref<!tpu.dma_semaphore, #tpu.memory_space<semaphore_mem>>
      %dma_start3A = arith.constant 0 : i32
      %dma_start3A_85 = tpu.memref_slice %arg21[%dma_start3A] : memref<128xf32, #tpu.memory_space<vmem>> -> memref<128xf32, #tpu.memory_space<vmem>>
      %dma_start3A_86 = tpu.memref_slice %arg16[%add3A_7] : memref<5120xf32, #tpu.memory_space<vmem_shared>> -> memref<128xf32, #tpu.memory_space<vmem_shared>>
      %dma_start3A_87 = tpu.memref_slice %arg16[%add3A_7] : memref<5120xf32, #tpu.memory_space<vmem_shared>> -> memref<128xf32, #tpu.memory_space<vmem_shared>>
      %dma_start3A_88 = arith.constant 0 : i32
      %dma_start3A_89 = tpu.memref_slice %arg21[%dma_start3A_88] : memref<128xf32, #tpu.memory_space<vmem>> -> memref<128xf32, #tpu.memory_space<vmem>>
      tpu.enqueue_dma source(%dma_start3A_89 : memref<128xf32, #tpu.memory_space<vmem>>) target(%dma_start3A_87 : memref<128xf32, #tpu.memory_space<vmem_shared>>) target_semaphore(%run_scoped3A_84 : memref<!tpu.dma_semaphore, #tpu.memory_space<semaphore_mem>>)
      %dma_wait3A = arith.constant 0 : i32
      %dma_wait3A_90 = tpu.memref_slice %arg21[%dma_wait3A] : memref<128xf32, #tpu.memory_space<vmem>> -> memref<128xf32, #tpu.memory_space<vmem>>
      %dma_wait3A_91 = tpu.memref_slice %arg16[%add3A_7] : memref<5120xf32, #tpu.memory_space<vmem_shared>> -> memref<128xf32, #tpu.memory_space<vmem_shared>>
      %dma_wait3A_92 = tpu.memref_slice %arg16[%add3A_7] : memref<5120xf32, #tpu.memory_space<vmem_shared>> -> memref<128xf32, #tpu.memory_space<vmem_shared>>
      %dma_wait3A_93 = arith.constant 0 : i32
      %dma_wait3A_94 = tpu.memref_slice %arg21[%dma_wait3A_93] : memref<128xf32, #tpu.memory_space<vmem>> -> memref<128xf32, #tpu.memory_space<vmem>>
      tpu.wait_dma2 semaphore(%run_scoped3A_84 : memref<!tpu.dma_semaphore, #tpu.memory_space<semaphore_mem>>) src(%dma_wait3A_94 : memref<128xf32, #tpu.memory_space<vmem>>) dst(%dma_wait3A_92 : memref<128xf32, #tpu.memory_space<vmem_shared>>)
      tpu.yield
    }) : () -> ()
    %add3A_8 = arith.constant 0 : i32
    %add3A_9 = arith.addi %mul3A_0, %add3A_8 : i32
    "tpu.region"() ({
      %run_scoped3A_84 = tpu.sem_alloc : memref<!tpu.dma_semaphore, #tpu.memory_space<semaphore_mem>>
      %dma_start3A = arith.constant 0 : i32
      %dma_start3A_85 = tpu.memref_slice %arg21[%dma_start3A] : memref<128xf32, #tpu.memory_space<vmem>> -> memref<128xf32, #tpu.memory_space<vmem>>
      %dma_start3A_86 = tpu.memref_slice %arg17[%add3A_9] : memref<5120xf32, #tpu.memory_space<vmem_shared>> -> memref<128xf32, #tpu.memory_space<vmem_shared>>
      %dma_start3A_87 = tpu.memref_slice %arg17[%add3A_9] : memref<5120xf32, #tpu.memory_space<vmem_shared>> -> memref<128xf32, #tpu.memory_space<vmem_shared>>
      %dma_start3A_88 = arith.constant 0 : i32
      %dma_start3A_89 = tpu.memref_slice %arg21[%dma_start3A_88] : memref<128xf32, #tpu.memory_space<vmem>> -> memref<128xf32, #tpu.memory_space<vmem>>
      tpu.enqueue_dma source(%dma_start3A_89 : memref<128xf32, #tpu.memory_space<vmem>>) target(%dma_start3A_87 : memref<128xf32, #tpu.memory_space<vmem_shared>>) target_semaphore(%run_scoped3A_84 : memref<!tpu.dma_semaphore, #tpu.memory_space<semaphore_mem>>)
      %dma_wait3A = arith.constant 0 : i32
      %dma_wait3A_90 = tpu.memref_slice %arg21[%dma_wait3A] : memref<128xf32, #tpu.memory_space<vmem>> -> memref<128xf32, #tpu.memory_space<vmem>>
      %dma_wait3A_91 = tpu.memref_slice %arg17[%add3A_9] : memref<5120xf32, #tpu.memory_space<vmem_shared>> -> memref<128xf32, #tpu.memory_space<vmem_shared>>
      %dma_wait3A_92 = tpu.memref_slice %arg17[%add3A_9] : memref<5120xf32, #tpu.memory_space<vmem_shared>> -> memref<128xf32, #tpu.memory_space<vmem_shared>>
      %dma_wait3A_93 = arith.constant 0 : i32
      %dma_wait3A_94 = tpu.memref_slice %arg21[%dma_wait3A_93] : memref<128xf32, #tpu.memory_space<vmem>> -> memref<128xf32, #tpu.memory_space<vmem>>
      tpu.wait_dma2 semaphore(%run_scoped3A_84 : memref<!tpu.dma_semaphore, #tpu.memory_space<semaphore_mem>>) src(%dma_wait3A_94 : memref<128xf32, #tpu.memory_space<vmem>>) dst(%dma_wait3A_92 : memref<128xf32, #tpu.memory_space<vmem_shared>>)
      tpu.yield
    }) : () -> ()
    %add3A_10 = arith.constant 128 : i32
    %add3A_11 = arith.addi %mul3A_0, %add3A_10 : i32
    %run_scoped3A_12 = arith.constant 0 : i32
    "tpu.region"() ({
      %run_scoped3A_84 = tpu.sem_alloc : memref<!tpu.dma_semaphore, #tpu.memory_space<semaphore_mem>>
      %dma_start3A = arith.constant 0 : i32
      %dma_start3A_85 = arith.constant 0 : i32
      %dma_start3A_86 = tpu.memref_slice %arg20[%run_scoped3A_12, %dma_start3A, %dma_start3A_85] : memref<2x128x128xf32, #tpu.memory_space<vmem>> -> memref<1x128x128xf32, #tpu.memory_space<vmem>>
      %dma_start3A_87 = tpu.memref_squeeze %dma_start3A_86 : memref<1x128x128xf32, #tpu.memory_space<vmem>> -> memref<128x128xf32, #tpu.memory_space<vmem>>
      %dma_start3A_88 = arith.constant 0 : i32
      %dma_start3A_89 = tpu.memref_slice %arg14[%add3A_11, %dma_start3A_88] : memref<5120x128xf32, #tpu.memory_space<vmem_shared>> -> memref<128x128xf32, #tpu.memory_space<vmem_shared>>
      %dma_start3A_90 = arith.constant 0 : i32
      %dma_start3A_91 = tpu.memref_slice %arg14[%add3A_11, %dma_start3A_90] : memref<5120x128xf32, #tpu.memory_space<vmem_shared>> -> memref<128x128xf32, #tpu.memory_space<vmem_shared>>
      %dma_start3A_92 = arith.constant 0 : i32
      %dma_start3A_93 = arith.constant 0 : i32
      %dma_start3A_94 = tpu.memref_slice %arg20[%run_scoped3A_12, %dma_start3A_92, %dma_start3A_93] : memref<2x128x128xf32, #tpu.memory_space<vmem>> -> memref<1x128x128xf32, #tpu.memory_space<vmem>>
      %dma_start3A_95 = tpu.memref_squeeze %dma_start3A_94 : memref<1x128x128xf32, #tpu.memory_space<vmem>> -> memref<128x128xf32, #tpu.memory_space<vmem>>
      tpu.enqueue_dma source(%dma_start3A_95 : memref<128x128xf32, #tpu.memory_space<vmem>>) target(%dma_start3A_91 : memref<128x128xf32, #tpu.memory_space<vmem_shared>>) target_semaphore(%run_scoped3A_84 : memref<!tpu.dma_semaphore, #tpu.memory_space<semaphore_mem>>)
      %dma_wait3A = arith.constant 0 : i32
      %dma_wait3A_96 = arith.constant 0 : i32
      %dma_wait3A_97 = tpu.memref_slice %arg20[%run_scoped3A_12, %dma_wait3A, %dma_wait3A_96] : memref<2x128x128xf32, #tpu.memory_space<vmem>> -> memref<1x128x128xf32, #tpu.memory_space<vmem>>
      %dma_wait3A_98 = tpu.memref_squeeze %dma_wait3A_97 : memref<1x128x128xf32, #tpu.memory_space<vmem>> -> memref<128x128xf32, #tpu.memory_space<vmem>>
      %dma_wait3A_99 = arith.constant 0 : i32
      %dma_wait3A_100 = tpu.memref_slice %arg14[%add3A_11, %dma_wait3A_99] : memref<5120x128xf32, #tpu.memory_space<vmem_shared>> -> memref<128x128xf32, #tpu.memory_space<vmem_shared>>
      %dma_wait3A_101 = arith.constant 0 : i32
      %dma_wait3A_102 = tpu.memref_slice %arg14[%add3A_11, %dma_wait3A_101] : memref<5120x128xf32, #tpu.memory_space<vmem_shared>> -> memref<128x128xf32, #tpu.memory_space<vmem_shared>>
      %dma_wait3A_103 = arith.constant 0 : i32
      %dma_wait3A_104 = arith.constant 0 : i32
      %dma_wait3A_105 = tpu.memref_slice %arg20[%run_scoped3A_12, %dma_wait3A_103, %dma_wait3A_104] : memref<2x128x128xf32, #tpu.memory_space<vmem>> -> memref<1x128x128xf32, #tpu.memory_space<vmem>>
      %dma_wait3A_106 = tpu.memref_squeeze %dma_wait3A_105 : memref<1x128x128xf32, #tpu.memory_space<vmem>> -> memref<128x128xf32, #tpu.memory_space<vmem>>
      tpu.wait_dma2 semaphore(%run_scoped3A_84 : memref<!tpu.dma_semaphore, #tpu.memory_space<semaphore_mem>>) src(%dma_wait3A_106 : memref<128x128xf32, #tpu.memory_space<vmem>>) dst(%dma_wait3A_102 : memref<128x128xf32, #tpu.memory_space<vmem_shared>>)
      tpu.yield
    }) : () -> ()
    %add3A_13 = arith.constant 128 : i32
    %add3A_14 = arith.addi %mul3A_0, %add3A_13 : i32
    %run_scoped3A_15 = arith.constant 0 : i32
    "tpu.region"() ({
      %run_scoped3A_84 = tpu.sem_alloc : memref<!tpu.dma_semaphore, #tpu.memory_space<semaphore_mem>>
      %dma_start3A = arith.constant 0 : i32
      %dma_start3A_85 = arith.constant 0 : i32
      %dma_start3A_86 = tpu.memref_slice %arg20[%run_scoped3A_15, %dma_start3A, %dma_start3A_85] : memref<2x128x128xf32, #tpu.memory_space<vmem>> -> memref<1x128x128xf32, #tpu.memory_space<vmem>>
      %dma_start3A_87 = tpu.memref_squeeze %dma_start3A_86 : memref<1x128x128xf32, #tpu.memory_space<vmem>> -> memref<128x128xf32, #tpu.memory_space<vmem>>
      %dma_start3A_88 = arith.constant 0 : i32
      %dma_start3A_89 = tpu.memref_slice %arg15[%add3A_14, %dma_start3A_88] : memref<5120x128xf32, #tpu.memory_space<vmem_shared>> -> memref<128x128xf32, #tpu.memory_space<vmem_shared>>
      %dma_start3A_90 = arith.constant 0 : i32
      %dma_start3A_91 = tpu.memref_slice %arg15[%add3A_14, %dma_start3A_90] : memref<5120x128xf32, #tpu.memory_space<vmem_shared>> -> memref<128x128xf32, #tpu.memory_space<vmem_shared>>
      %dma_start3A_92 = arith.constant 0 : i32
      %dma_start3A_93 = arith.constant 0 : i32
      %dma_start3A_94 = tpu.memref_slice %arg20[%run_scoped3A_15, %dma_start3A_92, %dma_start3A_93] : memref<2x128x128xf32, #tpu.memory_space<vmem>> -> memref<1x128x128xf32, #tpu.memory_space<vmem>>
      %dma_start3A_95 = tpu.memref_squeeze %dma_start3A_94 : memref<1x128x128xf32, #tpu.memory_space<vmem>> -> memref<128x128xf32, #tpu.memory_space<vmem>>
      tpu.enqueue_dma source(%dma_start3A_95 : memref<128x128xf32, #tpu.memory_space<vmem>>) target(%dma_start3A_91 : memref<128x128xf32, #tpu.memory_space<vmem_shared>>) target_semaphore(%run_scoped3A_84 : memref<!tpu.dma_semaphore, #tpu.memory_space<semaphore_mem>>)
      %dma_wait3A = arith.constant 0 : i32
      %dma_wait3A_96 = arith.constant 0 : i32
      %dma_wait3A_97 = tpu.memref_slice %arg20[%run_scoped3A_15, %dma_wait3A, %dma_wait3A_96] : memref<2x128x128xf32, #tpu.memory_space<vmem>> -> memref<1x128x128xf32, #tpu.memory_space<vmem>>
      %dma_wait3A_98 = tpu.memref_squeeze %dma_wait3A_97 : memref<1x128x128xf32, #tpu.memory_space<vmem>> -> memref<128x128xf32, #tpu.memory_space<vmem>>
      %dma_wait3A_99 = arith.constant 0 : i32
      %dma_wait3A_100 = tpu.memref_slice %arg15[%add3A_14, %dma_wait3A_99] : memref<5120x128xf32, #tpu.memory_space<vmem_shared>> -> memref<128x128xf32, #tpu.memory_space<vmem_shared>>
      %dma_wait3A_101 = arith.constant 0 : i32
      %dma_wait3A_102 = tpu.memref_slice %arg15[%add3A_14, %dma_wait3A_101] : memref<5120x128xf32, #tpu.memory_space<vmem_shared>> -> memref<128x128xf32, #tpu.memory_space<vmem_shared>>
      %dma_wait3A_103 = arith.constant 0 : i32
      %dma_wait3A_104 = arith.constant 0 : i32
      %dma_wait3A_105 = tpu.memref_slice %arg20[%run_scoped3A_15, %dma_wait3A_103, %dma_wait3A_104] : memref<2x128x128xf32, #tpu.memory_space<vmem>> -> memref<1x128x128xf32, #tpu.memory_space<vmem>>
      %dma_wait3A_106 = tpu.memref_squeeze %dma_wait3A_105 : memref<1x128x128xf32, #tpu.memory_space<vmem>> -> memref<128x128xf32, #tpu.memory_space<vmem>>
      tpu.wait_dma2 semaphore(%run_scoped3A_84 : memref<!tpu.dma_semaphore, #tpu.memory_space<semaphore_mem>>) src(%dma_wait3A_106 : memref<128x128xf32, #tpu.memory_space<vmem>>) dst(%dma_wait3A_102 : memref<128x128xf32, #tpu.memory_space<vmem_shared>>)
      tpu.yield
    }) : () -> ()
    %add3A_16 = arith.constant 128 : i32
    %add3A_17 = arith.addi %mul3A_0, %add3A_16 : i32
    "tpu.region"() ({
      %run_scoped3A_84 = tpu.sem_alloc : memref<!tpu.dma_semaphore, #tpu.memory_space<semaphore_mem>>
      %dma_start3A = arith.constant 0 : i32
      %dma_start3A_85 = tpu.memref_slice %arg21[%dma_start3A] : memref<128xf32, #tpu.memory_space<vmem>> -> memref<128xf32, #tpu.memory_space<vmem>>
      %dma_start3A_86 = tpu.memref_slice %arg16[%add3A_17] : memref<5120xf32, #tpu.memory_space<vmem_shared>> -> memref<128xf32, #tpu.memory_space<vmem_shared>>
      %dma_start3A_87 = tpu.memref_slice %arg16[%add3A_17] : memref<5120xf32, #tpu.memory_space<vmem_shared>> -> memref<128xf32, #tpu.memory_space<vmem_shared>>
      %dma_start3A_88 = arith.constant 0 : i32
      %dma_start3A_89 = tpu.memref_slice %arg21[%dma_start3A_88] : memref<128xf32, #tpu.memory_space<vmem>> -> memref<128xf32, #tpu.memory_space<vmem>>
      tpu.enqueue_dma source(%dma_start3A_89 : memref<128xf32, #tpu.memory_space<vmem>>) target(%dma_start3A_87 : memref<128xf32, #tpu.memory_space<vmem_shared>>) target_semaphore(%run_scoped3A_84 : memref<!tpu.dma_semaphore, #tpu.memory_space<semaphore_mem>>)
      %dma_wait3A = arith.constant 0 : i32
      %dma_wait3A_90 = tpu.memref_slice %arg21[%dma_wait3A] : memref<128xf32, #tpu.memory_space<vmem>> -> memref<128xf32, #tpu.memory_space<vmem>>
      %dma_wait3A_91 = tpu.memref_slice %arg16[%add3A_17] : memref<5120xf32, #tpu.memory_space<vmem_shared>> -> memref<128xf32, #tpu.memory_space<vmem_shared>>
      %dma_wait3A_92 = tpu.memref_slice %arg16[%add3A_17] : memref<5120xf32, #tpu.memory_space<vmem_shared>> -> memref<128xf32, #tpu.memory_space<vmem_shared>>
      %dma_wait3A_93 = arith.constant 0 : i32
      %dma_wait3A_94 = tpu.memref_slice %arg21[%dma_wait3A_93] : memref<128xf32, #tpu.memory_space<vmem>> -> memref<128xf32, #tpu.memory_space<vmem>>
      tpu.wait_dma2 semaphore(%run_scoped3A_84 : memref<!tpu.dma_semaphore, #tpu.memory_space<semaphore_mem>>) src(%dma_wait3A_94 : memref<128xf32, #tpu.memory_space<vmem>>) dst(%dma_wait3A_92 : memref<128xf32, #tpu.memory_space<vmem_shared>>)
      tpu.yield
    }) : () -> ()
    %add3A_18 = arith.constant 128 : i32
    %add3A_19 = arith.addi %mul3A_0, %add3A_18 : i32
    "tpu.region"() ({
      %run_scoped3A_84 = tpu.sem_alloc : memref<!tpu.dma_semaphore, #tpu.memory_space<semaphore_mem>>
      %dma_start3A = arith.constant 0 : i32
      %dma_start3A_85 = tpu.memref_slice %arg21[%dma_start3A] : memref<128xf32, #tpu.memory_space<vmem>> -> memref<128xf32, #tpu.memory_space<vmem>>
      %dma_start3A_86 = tpu.memref_slice %arg17[%add3A_19] : memref<5120xf32, #tpu.memory_space<vmem_shared>> -> memref<128xf32, #tpu.memory_space<vmem_shared>>
      %dma_start3A_87 = tpu.memref_slice %arg17[%add3A_19] : memref<5120xf32, #tpu.memory_space<vmem_shared>> -> memref<128xf32, #tpu.memory_space<vmem_shared>>
      %dma_start3A_88 = arith.constant 0 : i32
      %dma_start3A_89 = tpu.memref_slice %arg21[%dma_start3A_88] : memref<128xf32, #tpu.memory_space<vmem>> -> memref<128xf32, #tpu.memory_space<vmem>>
      tpu.enqueue_dma source(%dma_start3A_89 : memref<128xf32, #tpu.memory_space<vmem>>) target(%dma_start3A_87 : memref<128xf32, #tpu.memory_space<vmem_shared>>) target_semaphore(%run_scoped3A_84 : memref<!tpu.dma_semaphore, #tpu.memory_space<semaphore_mem>>)
      %dma_wait3A = arith.constant 0 : i32
      %dma_wait3A_90 = tpu.memref_slice %arg21[%dma_wait3A] : memref<128xf32, #tpu.memory_space<vmem>> -> memref<128xf32, #tpu.memory_space<vmem>>
      %dma_wait3A_91 = tpu.memref_slice %arg17[%add3A_19] : memref<5120xf32, #tpu.memory_space<vmem_shared>> -> memref<128xf32, #tpu.memory_space<vmem_shared>>
      %dma_wait3A_92 = tpu.memref_slice %arg17[%add3A_19] : memref<5120xf32, #tpu.memory_space<vmem_shared>> -> memref<128xf32, #tpu.memory_space<vmem_shared>>
      %dma_wait3A_93 = arith.constant 0 : i32
      %dma_wait3A_94 = tpu.memref_slice %arg21[%dma_wait3A_93] : memref<128xf32, #tpu.memory_space<vmem>> -> memref<128xf32, #tpu.memory_space<vmem>>
      tpu.wait_dma2 semaphore(%run_scoped3A_84 : memref<!tpu.dma_semaphore, #tpu.memory_space<semaphore_mem>>) src(%dma_wait3A_94 : memref<128xf32, #tpu.memory_space<vmem>>) dst(%dma_wait3A_92 : memref<128xf32, #tpu.memory_space<vmem_shared>>)
      tpu.yield
    }) : () -> ()
    %add3A_20 = arith.constant 256 : i32
    %add3A_21 = arith.addi %mul3A_0, %add3A_20 : i32
    %run_scoped3A_22 = arith.constant 0 : i32
    "tpu.region"() ({
      %run_scoped3A_84 = tpu.sem_alloc : memref<!tpu.dma_semaphore, #tpu.memory_space<semaphore_mem>>
      %dma_start3A = arith.constant 0 : i32
      %dma_start3A_85 = arith.constant 0 : i32
      %dma_start3A_86 = tpu.memref_slice %arg20[%run_scoped3A_22, %dma_start3A, %dma_start3A_85] : memref<2x128x128xf32, #tpu.memory_space<vmem>> -> memref<1x64x128xf32, #tpu.memory_space<vmem>>
      %dma_start3A_87 = tpu.memref_squeeze %dma_start3A_86 : memref<1x64x128xf32, #tpu.memory_space<vmem>> -> memref<64x128xf32, #tpu.memory_space<vmem>>
      %dma_start3A_88 = arith.constant 0 : i32
      %dma_start3A_89 = tpu.memref_slice %arg14[%add3A_21, %dma_start3A_88] : memref<5120x128xf32, #tpu.memory_space<vmem_shared>> -> memref<64x128xf32, #tpu.memory_space<vmem_shared>>
      %dma_start3A_90 = arith.constant 0 : i32
      %dma_start3A_91 = tpu.memref_slice %arg14[%add3A_21, %dma_start3A_90] : memref<5120x128xf32, #tpu.memory_space<vmem_shared>> -> memref<64x128xf32, #tpu.memory_space<vmem_shared>>
      %dma_start3A_92 = arith.constant 0 : i32
      %dma_start3A_93 = arith.constant 0 : i32
      %dma_start3A_94 = tpu.memref_slice %arg20[%run_scoped3A_22, %dma_start3A_92, %dma_start3A_93] : memref<2x128x128xf32, #tpu.memory_space<vmem>> -> memref<1x64x128xf32, #tpu.memory_space<vmem>>
      %dma_start3A_95 = tpu.memref_squeeze %dma_start3A_94 : memref<1x64x128xf32, #tpu.memory_space<vmem>> -> memref<64x128xf32, #tpu.memory_space<vmem>>
      tpu.enqueue_dma source(%dma_start3A_95 : memref<64x128xf32, #tpu.memory_space<vmem>>) target(%dma_start3A_91 : memref<64x128xf32, #tpu.memory_space<vmem_shared>>) target_semaphore(%run_scoped3A_84 : memref<!tpu.dma_semaphore, #tpu.memory_space<semaphore_mem>>)
      %dma_wait3A = arith.constant 0 : i32
      %dma_wait3A_96 = arith.constant 0 : i32
      %dma_wait3A_97 = tpu.memref_slice %arg20[%run_scoped3A_22, %dma_wait3A, %dma_wait3A_96] : memref<2x128x128xf32, #tpu.memory_space<vmem>> -> memref<1x64x128xf32, #tpu.memory_space<vmem>>
      %dma_wait3A_98 = tpu.memref_squeeze %dma_wait3A_97 : memref<1x64x128xf32, #tpu.memory_space<vmem>> -> memref<64x128xf32, #tpu.memory_space<vmem>>
      %dma_wait3A_99 = arith.constant 0 : i32
      %dma_wait3A_100 = tpu.memref_slice %arg14[%add3A_21, %dma_wait3A_99] : memref<5120x128xf32, #tpu.memory_space<vmem_shared>> -> memref<64x128xf32, #tpu.memory_space<vmem_shared>>
      %dma_wait3A_101 = arith.constant 0 : i32
      %dma_wait3A_102 = tpu.memref_slice %arg14[%add3A_21, %dma_wait3A_101] : memref<5120x128xf32, #tpu.memory_space<vmem_shared>> -> memref<64x128xf32, #tpu.memory_space<vmem_shared>>
      %dma_wait3A_103 = arith.constant 0 : i32
      %dma_wait3A_104 = arith.constant 0 : i32
      %dma_wait3A_105 = tpu.memref_slice %arg20[%run_scoped3A_22, %dma_wait3A_103, %dma_wait3A_104] : memref<2x128x128xf32, #tpu.memory_space<vmem>> -> memref<1x64x128xf32, #tpu.memory_space<vmem>>
      %dma_wait3A_106 = tpu.memref_squeeze %dma_wait3A_105 : memref<1x64x128xf32, #tpu.memory_space<vmem>> -> memref<64x128xf32, #tpu.memory_space<vmem>>
      tpu.wait_dma2 semaphore(%run_scoped3A_84 : memref<!tpu.dma_semaphore, #tpu.memory_space<semaphore_mem>>) src(%dma_wait3A_106 : memref<64x128xf32, #tpu.memory_space<vmem>>) dst(%dma_wait3A_102 : memref<64x128xf32, #tpu.memory_space<vmem_shared>>)
      tpu.yield
    }) : () -> ()
    %add3A_23 = arith.constant 256 : i32
    %add3A_24 = arith.addi %mul3A_0, %add3A_23 : i32
    %run_scoped3A_25 = arith.constant 0 : i32
    "tpu.region"() ({
      %run_scoped3A_84 = tpu.sem_alloc : memref<!tpu.dma_semaphore, #tpu.memory_space<semaphore_mem>>
      %dma_start3A = arith.constant 0 : i32
      %dma_start3A_85 = arith.constant 0 : i32
      %dma_start3A_86 = tpu.memref_slice %arg20[%run_scoped3A_25, %dma_start3A, %dma_start3A_85] : memref<2x128x128xf32, #tpu.memory_space<vmem>> -> memref<1x64x128xf32, #tpu.memory_space<vmem>>
      %dma_start3A_87 = tpu.memref_squeeze %dma_start3A_86 : memref<1x64x128xf32, #tpu.memory_space<vmem>> -> memref<64x128xf32, #tpu.memory_space<vmem>>
      %dma_start3A_88 = arith.constant 0 : i32
      %dma_start3A_89 = tpu.memref_slice %arg15[%add3A_24, %dma_start3A_88] : memref<5120x128xf32, #tpu.memory_space<vmem_shared>> -> memref<64x128xf32, #tpu.memory_space<vmem_shared>>
      %dma_start3A_90 = arith.constant 0 : i32
      %dma_start3A_91 = tpu.memref_slice %arg15[%add3A_24, %dma_start3A_90] : memref<5120x128xf32, #tpu.memory_space<vmem_shared>> -> memref<64x128xf32, #tpu.memory_space<vmem_shared>>
      %dma_start3A_92 = arith.constant 0 : i32
      %dma_start3A_93 = arith.constant 0 : i32
      %dma_start3A_94 = tpu.memref_slice %arg20[%run_scoped3A_25, %dma_start3A_92, %dma_start3A_93] : memref<2x128x128xf32, #tpu.memory_space<vmem>> -> memref<1x64x128xf32, #tpu.memory_space<vmem>>
      %dma_start3A_95 = tpu.memref_squeeze %dma_start3A_94 : memref<1x64x128xf32, #tpu.memory_space<vmem>> -> memref<64x128xf32, #tpu.memory_space<vmem>>
      tpu.enqueue_dma source(%dma_start3A_95 : memref<64x128xf32, #tpu.memory_space<vmem>>) target(%dma_start3A_91 : memref<64x128xf32, #tpu.memory_space<vmem_shared>>) target_semaphore(%run_scoped3A_84 : memref<!tpu.dma_semaphore, #tpu.memory_space<semaphore_mem>>)
      %dma_wait3A = arith.constant 0 : i32
      %dma_wait3A_96 = arith.constant 0 : i32
      %dma_wait3A_97 = tpu.memref_slice %arg20[%run_scoped3A_25, %dma_wait3A, %dma_wait3A_96] : memref<2x128x128xf32, #tpu.memory_space<vmem>> -> memref<1x64x128xf32, #tpu.memory_space<vmem>>
      %dma_wait3A_98 = tpu.memref_squeeze %dma_wait3A_97 : memref<1x64x128xf32, #tpu.memory_space<vmem>> -> memref<64x128xf32, #tpu.memory_space<vmem>>
      %dma_wait3A_99 = arith.constant 0 : i32
      %dma_wait3A_100 = tpu.memref_slice %arg15[%add3A_24, %dma_wait3A_99] : memref<5120x128xf32, #tpu.memory_space<vmem_shared>> -> memref<64x128xf32, #tpu.memory_space<vmem_shared>>
      %dma_wait3A_101 = arith.constant 0 : i32
      %dma_wait3A_102 = tpu.memref_slice %arg15[%add3A_24, %dma_wait3A_101] : memref<5120x128xf32, #tpu.memory_space<vmem_shared>> -> memref<64x128xf32, #tpu.memory_space<vmem_shared>>
      %dma_wait3A_103 = arith.constant 0 : i32
      %dma_wait3A_104 = arith.constant 0 : i32
      %dma_wait3A_105 = tpu.memref_slice %arg20[%run_scoped3A_25, %dma_wait3A_103, %dma_wait3A_104] : memref<2x128x128xf32, #tpu.memory_space<vmem>> -> memref<1x64x128xf32, #tpu.memory_space<vmem>>
      %dma_wait3A_106 = tpu.memref_squeeze %dma_wait3A_105 : memref<1x64x128xf32, #tpu.memory_space<vmem>> -> memref<64x128xf32, #tpu.memory_space<vmem>>
      tpu.wait_dma2 semaphore(%run_scoped3A_84 : memref<!tpu.dma_semaphore, #tpu.memory_space<semaphore_mem>>) src(%dma_wait3A_106 : memref<64x128xf32, #tpu.memory_space<vmem>>) dst(%dma_wait3A_102 : memref<64x128xf32, #tpu.memory_space<vmem_shared>>)
      tpu.yield
    }) : () -> ()
    %add3A_26 = arith.constant 256 : i32
    %add3A_27 = arith.addi %mul3A_0, %add3A_26 : i32
    "tpu.region"() ({
      %run_scoped3A_84 = tpu.sem_alloc : memref<!tpu.dma_semaphore, #tpu.memory_space<semaphore_mem>>
      %dma_start3A = arith.constant 0 : i32
      %dma_start3A_85 = tpu.memref_slice %arg21[%dma_start3A] : memref<128xf32, #tpu.memory_space<vmem>> -> memref<64xf32, #tpu.memory_space<vmem>>
      %dma_start3A_86 = tpu.memref_slice %arg16[%add3A_27] : memref<5120xf32, #tpu.memory_space<vmem_shared>> -> memref<64xf32, #tpu.memory_space<vmem_shared>>
      %dma_start3A_87 = tpu.memref_slice %arg16[%add3A_27] : memref<5120xf32, #tpu.memory_space<vmem_shared>> -> memref<64xf32, #tpu.memory_space<vmem_shared>>
      %dma_start3A_88 = arith.constant 0 : i32
      %dma_start3A_89 = tpu.memref_slice %arg21[%dma_start3A_88] : memref<128xf32, #tpu.memory_space<vmem>> -> memref<64xf32, #tpu.memory_space<vmem>>
      tpu.enqueue_dma source(%dma_start3A_89 : memref<64xf32, #tpu.memory_space<vmem>>) target(%dma_start3A_87 : memref<64xf32, #tpu.memory_space<vmem_shared>>) target_semaphore(%run_scoped3A_84 : memref<!tpu.dma_semaphore, #tpu.memory_space<semaphore_mem>>)
      %dma_wait3A = arith.constant 0 : i32
      %dma_wait3A_90 = tpu.memref_slice %arg21[%dma_wait3A] : memref<128xf32, #tpu.memory_space<vmem>> -> memref<64xf32, #tpu.memory_space<vmem>>
      %dma_wait3A_91 = tpu.memref_slice %arg16[%add3A_27] : memref<5120xf32, #tpu.memory_space<vmem_shared>> -> memref<64xf32, #tpu.memory_space<vmem_shared>>
      %dma_wait3A_92 = tpu.memref_slice %arg16[%add3A_27] : memref<5120xf32, #tpu.memory_space<vmem_shared>> -> memref<64xf32, #tpu.memory_space<vmem_shared>>
      %dma_wait3A_93 = arith.constant 0 : i32
      %dma_wait3A_94 = tpu.memref_slice %arg21[%dma_wait3A_93] : memref<128xf32, #tpu.memory_space<vmem>> -> memref<64xf32, #tpu.memory_space<vmem>>
      tpu.wait_dma2 semaphore(%run_scoped3A_84 : memref<!tpu.dma_semaphore, #tpu.memory_space<semaphore_mem>>) src(%dma_wait3A_94 : memref<64xf32, #tpu.memory_space<vmem>>) dst(%dma_wait3A_92 : memref<64xf32, #tpu.memory_space<vmem_shared>>)
      tpu.yield
    }) : () -> ()
    %add3A_28 = arith.constant 256 : i32
    %add3A_29 = arith.addi %mul3A_0, %add3A_28 : i32
    "tpu.region"() ({
      %run_scoped3A_84 = tpu.sem_alloc : memref<!tpu.dma_semaphore, #tpu.memory_space<semaphore_mem>>
      %dma_start3A = arith.constant 0 : i32
      %dma_start3A_85 = tpu.memref_slice %arg21[%dma_start3A] : memref<128xf32, #tpu.memory_space<vmem>> -> memref<64xf32, #tpu.memory_space<vmem>>
      %dma_start3A_86 = tpu.memref_slice %arg17[%add3A_29] : memref<5120xf32, #tpu.memory_space<vmem_shared>> -> memref<64xf32, #tpu.memory_space<vmem_shared>>
      %dma_start3A_87 = tpu.memref_slice %arg17[%add3A_29] : memref<5120xf32, #tpu.memory_space<vmem_shared>> -> memref<64xf32, #tpu.memory_space<vmem_shared>>
      %dma_start3A_88 = arith.constant 0 : i32
      %dma_start3A_89 = tpu.memref_slice %arg21[%dma_start3A_88] : memref<128xf32, #tpu.memory_space<vmem>> -> memref<64xf32, #tpu.memory_space<vmem>>
      tpu.enqueue_dma source(%dma_start3A_89 : memref<64xf32, #tpu.memory_space<vmem>>) target(%dma_start3A_87 : memref<64xf32, #tpu.memory_space<vmem_shared>>) target_semaphore(%run_scoped3A_84 : memref<!tpu.dma_semaphore, #tpu.memory_space<semaphore_mem>>)
      %dma_wait3A = arith.constant 0 : i32
      %dma_wait3A_90 = tpu.memref_slice %arg21[%dma_wait3A] : memref<128xf32, #tpu.memory_space<vmem>> -> memref<64xf32, #tpu.memory_space<vmem>>
      %dma_wait3A_91 = tpu.memref_slice %arg17[%add3A_29] : memref<5120xf32, #tpu.memory_space<vmem_shared>> -> memref<64xf32, #tpu.memory_space<vmem_shared>>
      %dma_wait3A_92 = tpu.memref_slice %arg17[%add3A_29] : memref<5120xf32, #tpu.memory_space<vmem_shared>> -> memref<64xf32, #tpu.memory_space<vmem_shared>>
      %dma_wait3A_93 = arith.constant 0 : i32
      %dma_wait3A_94 = tpu.memref_slice %arg21[%dma_wait3A_93] : memref<128xf32, #tpu.memory_space<vmem>> -> memref<64xf32, #tpu.memory_space<vmem>>
      tpu.wait_dma2 semaphore(%run_scoped3A_84 : memref<!tpu.dma_semaphore, #tpu.memory_space<semaphore_mem>>) src(%dma_wait3A_94 : memref<64xf32, #tpu.memory_space<vmem>>) dst(%dma_wait3A_92 : memref<64xf32, #tpu.memory_space<vmem_shared>>)
      tpu.yield
    }) : () -> ()
    "tpu.region"() ({
      %run_scoped3A_84 = tpu.sem_alloc : memref<!tpu.dma_semaphore, #tpu.memory_space<semaphore_mem>>
      tpu.enqueue_dma source(%arg9 : memref<128xf32, #tpu.memory_space<hbm>>) target(%arg21 : memref<128xf32, #tpu.memory_space<vmem>>) target_semaphore(%run_scoped3A_84 : memref<!tpu.dma_semaphore, #tpu.memory_space<semaphore_mem>>)
      tpu.wait_dma2 semaphore(%run_scoped3A_84 : memref<!tpu.dma_semaphore, #tpu.memory_space<semaphore_mem>>) src(%arg9 : memref<128xf32, #tpu.memory_space<hbm>>) dst(%arg21 : memref<128xf32, #tpu.memory_space<vmem>>)
      tpu.yield
    }) : () -> ()
    %barrier3A = arith.constant 0 : index
    tpu.barrier barrier_id(%barrier3A)
    %run_scoped3A_30 = arith.constant 0 : i32
    "tpu.region"() ({
      %run_scoped3A_84 = tpu.sem_alloc : memref<!tpu.dma_semaphore, #tpu.memory_space<semaphore_mem>>
      %dma_start3A = arith.constant 0 : i32
      %dma_start3A_85 = arith.constant 0 : i32
      %dma_start3A_86 = tpu.memref_slice %arg18[%run_scoped3A_30, %dma_start3A, %dma_start3A_85] : memref<2x16x128xi32, #tpu.memory_space<vmem>> -> memref<1x16x128xi32, #tpu.memory_space<vmem>>
      %dma_start3A_87 = tpu.memref_squeeze %dma_start3A_86 : memref<1x16x128xi32, #tpu.memory_space<vmem>> -> memref<16x128xi32, #tpu.memory_space<vmem>>
      %dma_start3A_88 = arith.constant 0 : i32
      %dma_start3A_89 = arith.constant 0 : i32
      %dma_start3A_90 = tpu.memref_slice %arg2[%arg0, %arg1, %dma_start3A_88, %dma_start3A_89] : memref<2x16x160x128xi32, #tpu.memory_space<hbm>> -> memref<1x1x16x128xi32, #tpu.memory_space<hbm>>
      %dma_start3A_91 = tpu.memref_squeeze %dma_start3A_90 : memref<1x1x16x128xi32, #tpu.memory_space<hbm>> -> memref<16x128xi32, #tpu.memory_space<hbm>>
      %dma_start3A_92 = arith.constant 0 : i32
      %dma_start3A_93 = arith.constant 0 : i32
      %dma_start3A_94 = tpu.memref_slice %arg18[%run_scoped3A_30, %dma_start3A_92, %dma_start3A_93] : memref<2x16x128xi32, #tpu.memory_space<vmem>> -> memref<1x16x128xi32, #tpu.memory_space<vmem>>
      %dma_start3A_95 = tpu.memref_squeeze %dma_start3A_94 : memref<1x16x128xi32, #tpu.memory_space<vmem>> -> memref<16x128xi32, #tpu.memory_space<vmem>>
      %dma_start3A_96 = arith.constant 0 : i32
      %dma_start3A_97 = arith.constant 0 : i32
      %dma_start3A_98 = tpu.memref_slice %arg2[%arg0, %arg1, %dma_start3A_96, %dma_start3A_97] : memref<2x16x160x128xi32, #tpu.memory_space<hbm>> -> memref<1x1x16x128xi32, #tpu.memory_space<hbm>>
      %dma_start3A_99 = tpu.memref_squeeze %dma_start3A_98 : memref<1x1x16x128xi32, #tpu.memory_space<hbm>> -> memref<16x128xi32, #tpu.memory_space<hbm>>
      tpu.enqueue_dma source(%dma_start3A_99 : memref<16x128xi32, #tpu.memory_space<hbm>>) target(%dma_start3A_95 : memref<16x128xi32, #tpu.memory_space<vmem>>) target_semaphore(%run_scoped3A_84 : memref<!tpu.dma_semaphore, #tpu.memory_space<semaphore_mem>>)
      %dma_wait3A = arith.constant 0 : i32
      %dma_wait3A_100 = arith.constant 0 : i32
      %dma_wait3A_101 = tpu.memref_slice %arg18[%run_scoped3A_30, %dma_wait3A, %dma_wait3A_100] : memref<2x16x128xi32, #tpu.memory_space<vmem>> -> memref<1x16x128xi32, #tpu.memory_space<vmem>>
      %dma_wait3A_102 = tpu.memref_squeeze %dma_wait3A_101 : memref<1x16x128xi32, #tpu.memory_space<vmem>> -> memref<16x128xi32, #tpu.memory_space<vmem>>
      %dma_wait3A_103 = arith.constant 0 : i32
      %dma_wait3A_104 = arith.constant 0 : i32
      %dma_wait3A_105 = tpu.memref_slice %arg2[%arg0, %arg1, %dma_wait3A_103, %dma_wait3A_104] : memref<2x16x160x128xi32, #tpu.memory_space<hbm>> -> memref<1x1x16x128xi32, #tpu.memory_space<hbm>>
      %dma_wait3A_106 = tpu.memref_squeeze %dma_wait3A_105 : memref<1x1x16x128xi32, #tpu.memory_space<hbm>> -> memref<16x128xi32, #tpu.memory_space<hbm>>
      %dma_wait3A_107 = arith.constant 0 : i32
      %dma_wait3A_108 = arith.constant 0 : i32
      %dma_wait3A_109 = tpu.memref_slice %arg18[%run_scoped3A_30, %dma_wait3A_107, %dma_wait3A_108] : memref<2x16x128xi32, #tpu.memory_space<vmem>> -> memref<1x16x128xi32, #tpu.memory_space<vmem>>
      %dma_wait3A_110 = tpu.memref_squeeze %dma_wait3A_109 : memref<1x16x128xi32, #tpu.memory_space<vmem>> -> memref<16x128xi32, #tpu.memory_space<vmem>>
      %dma_wait3A_111 = arith.constant 0 : i32
      %dma_wait3A_112 = arith.constant 0 : i32
      %dma_wait3A_113 = tpu.memref_slice %arg2[%arg0, %arg1, %dma_wait3A_111, %dma_wait3A_112] : memref<2x16x160x128xi32, #tpu.memory_space<hbm>> -> memref<1x1x16x128xi32, #tpu.memory_space<hbm>>
      %dma_wait3A_114 = tpu.memref_squeeze %dma_wait3A_113 : memref<1x1x16x128xi32, #tpu.memory_space<hbm>> -> memref<16x128xi32, #tpu.memory_space<hbm>>
      tpu.wait_dma2 semaphore(%run_scoped3A_84 : memref<!tpu.dma_semaphore, #tpu.memory_space<semaphore_mem>>) src(%dma_wait3A_114 : memref<16x128xi32, #tpu.memory_space<hbm>>) dst(%dma_wait3A_110 : memref<16x128xi32, #tpu.memory_space<vmem>>)
      tpu.yield
    }) : () -> ()
    %run_scoped3A_31 = arith.constant 0 : i32
    "tpu.region"() ({
      %run_scoped3A_84 = tpu.sem_alloc : memref<!tpu.dma_semaphore, #tpu.memory_space<semaphore_mem>>
      %dma_start3A = arith.constant 0 : i32
      %dma_start3A_85 = arith.constant 0 : i32
      %dma_start3A_86 = tpu.memref_slice %arg19[%run_scoped3A_31, %dma_start3A, %dma_start3A_85] : memref<2x16x128xi32, #tpu.memory_space<vmem>> -> memref<1x16x128xi32, #tpu.memory_space<vmem>>
      %dma_start3A_87 = tpu.memref_squeeze %dma_start3A_86 : memref<1x16x128xi32, #tpu.memory_space<vmem>> -> memref<16x128xi32, #tpu.memory_space<vmem>>
      %dma_start3A_88 = arith.constant 0 : i32
      %dma_start3A_89 = arith.constant 0 : i32
      %dma_start3A_90 = tpu.memref_slice %arg3[%arg1, %dma_start3A_88, %dma_start3A_89] : memref<16x160x128xi32, #tpu.memory_space<hbm>> -> memref<1x16x128xi32, #tpu.memory_space<hbm>>
      %dma_start3A_91 = tpu.memref_squeeze %dma_start3A_90 : memref<1x16x128xi32, #tpu.memory_space<hbm>> -> memref<16x128xi32, #tpu.memory_space<hbm>>
      %dma_start3A_92 = arith.constant 0 : i32
      %dma_start3A_93 = arith.constant 0 : i32
      %dma_start3A_94 = tpu.memref_slice %arg19[%run_scoped3A_31, %dma_start3A_92, %dma_start3A_93] : memref<2x16x128xi32, #tpu.memory_space<vmem>> -> memref<1x16x128xi32, #tpu.memory_space<vmem>>
      %dma_start3A_95 = tpu.memref_squeeze %dma_start3A_94 : memref<1x16x128xi32, #tpu.memory_space<vmem>> -> memref<16x128xi32, #tpu.memory_space<vmem>>
      %dma_start3A_96 = arith.constant 0 : i32
      %dma_start3A_97 = arith.constant 0 : i32
      %dma_start3A_98 = tpu.memref_slice %arg3[%arg1, %dma_start3A_96, %dma_start3A_97] : memref<16x160x128xi32, #tpu.memory_space<hbm>> -> memref<1x16x128xi32, #tpu.memory_space<hbm>>
      %dma_start3A_99 = tpu.memref_squeeze %dma_start3A_98 : memref<1x16x128xi32, #tpu.memory_space<hbm>> -> memref<16x128xi32, #tpu.memory_space<hbm>>
      tpu.enqueue_dma source(%dma_start3A_99 : memref<16x128xi32, #tpu.memory_space<hbm>>) target(%dma_start3A_95 : memref<16x128xi32, #tpu.memory_space<vmem>>) target_semaphore(%run_scoped3A_84 : memref<!tpu.dma_semaphore, #tpu.memory_space<semaphore_mem>>)
      %dma_wait3A = arith.constant 0 : i32
      %dma_wait3A_100 = arith.constant 0 : i32
      %dma_wait3A_101 = tpu.memref_slice %arg19[%run_scoped3A_31, %dma_wait3A, %dma_wait3A_100] : memref<2x16x128xi32, #tpu.memory_space<vmem>> -> memref<1x16x128xi32, #tpu.memory_space<vmem>>
      %dma_wait3A_102 = tpu.memref_squeeze %dma_wait3A_101 : memref<1x16x128xi32, #tpu.memory_space<vmem>> -> memref<16x128xi32, #tpu.memory_space<vmem>>
      %dma_wait3A_103 = arith.constant 0 : i32
      %dma_wait3A_104 = arith.constant 0 : i32
      %dma_wait3A_105 = tpu.memref_slice %arg3[%arg1, %dma_wait3A_103, %dma_wait3A_104] : memref<16x160x128xi32, #tpu.memory_space<hbm>> -> memref<1x16x128xi32, #tpu.memory_space<hbm>>
      %dma_wait3A_106 = tpu.memref_squeeze %dma_wait3A_105 : memref<1x16x128xi32, #tpu.memory_space<hbm>> -> memref<16x128xi32, #tpu.memory_space<hbm>>
      %dma_wait3A_107 = arith.constant 0 : i32
      %dma_wait3A_108 = arith.constant 0 : i32
      %dma_wait3A_109 = tpu.memref_slice %arg19[%run_scoped3A_31, %dma_wait3A_107, %dma_wait3A_108] : memref<2x16x128xi32, #tpu.memory_space<vmem>> -> memref<1x16x128xi32, #tpu.memory_space<vmem>>
      %dma_wait3A_110 = tpu.memref_squeeze %dma_wait3A_109 : memref<1x16x128xi32, #tpu.memory_space<vmem>> -> memref<16x128xi32, #tpu.memory_space<vmem>>
      %dma_wait3A_111 = arith.constant 0 : i32
      %dma_wait3A_112 = arith.constant 0 : i32
      %dma_wait3A_113 = tpu.memref_slice %arg3[%arg1, %dma_wait3A_111, %dma_wait3A_112] : memref<16x160x128xi32, #tpu.memory_space<hbm>> -> memref<1x16x128xi32, #tpu.memory_space<hbm>>
      %dma_wait3A_114 = tpu.memref_squeeze %dma_wait3A_113 : memref<1x16x128xi32, #tpu.memory_space<hbm>> -> memref<16x128xi32, #tpu.memory_space<hbm>>
      tpu.wait_dma2 semaphore(%run_scoped3A_84 : memref<!tpu.dma_semaphore, #tpu.memory_space<semaphore_mem>>) src(%dma_wait3A_114 : memref<16x128xi32, #tpu.memory_space<hbm>>) dst(%dma_wait3A_110 : memref<16x128xi32, #tpu.memory_space<vmem>>)
      tpu.yield
    }) : () -> ()
    %scan3A = arith.constant 0 : i32
    %scan3A_32 = arith.constant 0 : i32
    %scan3A_33 = arith.constant 10 : i32
    %scan3A_34 = arith.addi %scan3A_32, %scan3A_33 : i32
    %scan3A_35 = arith.constant 1 : i32
    scf.for %scan3A_84 = %scan3A_32 to %scan3A_34 step %scan3A_35  : i32 {
      %rem3A = arith.constant 2 : i32
      %rem3A_85 = arith.remsi %scan3A_84, %rem3A : i32
      %add3A_86 = arith.constant 1 : i32
      %add3A_87 = arith.addi %scan3A_84, %add3A_86 : i32
      %rem3A_88 = arith.constant 2 : i32
      %rem3A_89 = arith.remsi %add3A_87, %rem3A_88 : i32
      %add3A_90 = arith.constant 1 : i32
      %add3A_91 = arith.addi %scan3A_84, %add3A_90 : i32
      %lt3A = arith.constant 10 : i32
      %lt3A_92 = arith.cmpi slt, %add3A_91, %lt3A : i32
      %convert_element_type3A_93 = arith.extui %lt3A_92 : i1 to i32
      %cond3A_94 = arith.constant 0 : i32
      %cond3A_95 = arith.cmpi ne, %convert_element_type3A_93, %cond3A_94 : i32
      scf.if %cond3A_95 {
        %add3A_127 = arith.constant 1 : i32
        %add3A_128 = arith.addi %scan3A_84, %add3A_127 : i32
        %mul3A_129 = arith.constant 16 : i32
        %mul3A_130 = arith.muli %add3A_128, %mul3A_129 : i32
        %dma_start3A_131 = arith.constant 0 : i32
        %dma_start3A_132 = arith.constant 0 : i32
        %dma_start3A_133 = tpu.memref_slice %arg18[%rem3A_89, %dma_start3A_131, %dma_start3A_132] : memref<2x16x128xi32, #tpu.memory_space<vmem>> -> memref<1x16x128xi32, #tpu.memory_space<vmem>>
        %dma_start3A_134 = tpu.memref_squeeze %dma_start3A_133 : memref<1x16x128xi32, #tpu.memory_space<vmem>> -> memref<16x128xi32, #tpu.memory_space<vmem>>
        %dma_start3A_135 = arith.constant 0 : i32
        %dma_start3A_136 = tpu.memref_slice %arg2[%arg0, %arg1, %mul3A_130, %dma_start3A_135] : memref<2x16x160x128xi32, #tpu.memory_space<hbm>> -> memref<1x1x16x128xi32, #tpu.memory_space<hbm>>
        %dma_start3A_137 = tpu.memref_squeeze %dma_start3A_136 : memref<1x1x16x128xi32, #tpu.memory_space<hbm>> -> memref<16x128xi32, #tpu.memory_space<hbm>>
        %dma_start3A_138 = arith.constant 0 : i32
        %dma_start3A_139 = arith.constant 0 : i32
        %dma_start3A_140 = tpu.memref_slice %arg18[%rem3A_89, %dma_start3A_138, %dma_start3A_139] : memref<2x16x128xi32, #tpu.memory_space<vmem>> -> memref<1x16x128xi32, #tpu.memory_space<vmem>>
        %dma_start3A_141 = tpu.memref_squeeze %dma_start3A_140 : memref<1x16x128xi32, #tpu.memory_space<vmem>> -> memref<16x128xi32, #tpu.memory_space<vmem>>
        %dma_start3A_142 = arith.constant 0 : i32
        %dma_start3A_143 = tpu.memref_slice %arg2[%arg0, %arg1, %mul3A_130, %dma_start3A_142] : memref<2x16x160x128xi32, #tpu.memory_space<hbm>> -> memref<1x1x16x128xi32, #tpu.memory_space<hbm>>
        %dma_start3A_144 = tpu.memref_squeeze %dma_start3A_143 : memref<1x1x16x128xi32, #tpu.memory_space<hbm>> -> memref<16x128xi32, #tpu.memory_space<hbm>>
        tpu.enqueue_dma source(%dma_start3A_144 : memref<16x128xi32, #tpu.memory_space<hbm>>) target(%dma_start3A_141 : memref<16x128xi32, #tpu.memory_space<vmem>>) target_semaphore(%arg25 : memref<!tpu.dma_semaphore, #tpu.memory_space<semaphore_mem>>)
        %add3A_145 = arith.constant 1 : i32
        %add3A_146 = arith.addi %scan3A_84, %add3A_145 : i32
        %mul3A_147 = arith.constant 16 : i32
        %mul3A_148 = arith.muli %add3A_146, %mul3A_147 : i32
        %dma_start3A_149 = arith.constant 0 : i32
        %dma_start3A_150 = arith.constant 0 : i32
        %dma_start3A_151 = tpu.memref_slice %arg19[%rem3A_89, %dma_start3A_149, %dma_start3A_150] : memref<2x16x128xi32, #tpu.memory_space<vmem>> -> memref<1x16x128xi32, #tpu.memory_space<vmem>>
        %dma_start3A_152 = tpu.memref_squeeze %dma_start3A_151 : memref<1x16x128xi32, #tpu.memory_space<vmem>> -> memref<16x128xi32, #tpu.memory_space<vmem>>
        %dma_start3A_153 = arith.constant 0 : i32
        %dma_start3A_154 = tpu.memref_slice %arg3[%arg1, %mul3A_148, %dma_start3A_153] : memref<16x160x128xi32, #tpu.memory_space<hbm>> -> memref<1x16x128xi32, #tpu.memory_space<hbm>>
        %dma_start3A_155 = tpu.memref_squeeze %dma_start3A_154 : memref<1x16x128xi32, #tpu.memory_space<hbm>> -> memref<16x128xi32, #tpu.memory_space<hbm>>
        %dma_start3A_156 = arith.constant 0 : i32
        %dma_start3A_157 = arith.constant 0 : i32
        %dma_start3A_158 = tpu.memref_slice %arg19[%rem3A_89, %dma_start3A_156, %dma_start3A_157] : memref<2x16x128xi32, #tpu.memory_space<vmem>> -> memref<1x16x128xi32, #tpu.memory_space<vmem>>
        %dma_start3A_159 = tpu.memref_squeeze %dma_start3A_158 : memref<1x16x128xi32, #tpu.memory_space<vmem>> -> memref<16x128xi32, #tpu.memory_space<vmem>>
        %dma_start3A_160 = arith.constant 0 : i32
        %dma_start3A_161 = tpu.memref_slice %arg3[%arg1, %mul3A_148, %dma_start3A_160] : memref<16x160x128xi32, #tpu.memory_space<hbm>> -> memref<1x16x128xi32, #tpu.memory_space<hbm>>
        %dma_start3A_162 = tpu.memref_squeeze %dma_start3A_161 : memref<1x16x128xi32, #tpu.memory_space<hbm>> -> memref<16x128xi32, #tpu.memory_space<hbm>>
        tpu.enqueue_dma source(%dma_start3A_162 : memref<16x128xi32, #tpu.memory_space<hbm>>) target(%dma_start3A_159 : memref<16x128xi32, #tpu.memory_space<vmem>>) target_semaphore(%arg25 : memref<!tpu.dma_semaphore, #tpu.memory_space<semaphore_mem>>)
      } else {
      }
      %dma_start3A = arith.constant 0 : i32
      %dma_start3A_96 = arith.constant 0 : i32
      %dma_start3A_97 = arith.constant 0 : i32
      %dma_start3A_98 = arith.constant 0 : i32
      %dma_start3A_99 = tpu.memref_slice %arg20[%dma_start3A_96, %dma_start3A_97, %dma_start3A_98] : memref<2x128x128xf32, #tpu.memory_space<vmem>> -> memref<1x128x128xf32, #tpu.memory_space<vmem>>
      %dma_start3A_100 = tpu.memref_squeeze %dma_start3A_99 : memref<1x128x128xf32, #tpu.memory_space<vmem>> -> memref<128x128xf32, #tpu.memory_space<vmem>>
      %dma_start3A_101 = arith.constant 0 : i32
      %dma_start3A_102 = tpu.memref_slice %arg18[%rem3A_85, %dma_start3A, %dma_start3A_101] : memref<2x16x128xi32, #tpu.memory_space<vmem>> -> memref<1x1x128xi32, #tpu.memory_space<vmem>>
      %dma_start3A_103 = tpu.memref_squeeze %dma_start3A_102 : memref<1x1x128xi32, #tpu.memory_space<vmem>> -> memref<128xi32, #tpu.memory_space<vmem>>
      %dma_start3A_104 = arith.constant 0 : i32
      %dma_start3A_105 = arith.constant 0 : i32
      %dma_start3A_106 = tpu.memref_slice %arg6[%dma_start3A_104, %dma_start3A_105] : memref<10000x128xf32, #tpu.memory_space<hbm>> -> memref<10000x128xf32, #tpu.memory_space<hbm>>
      tpu.enqueue_indirect_dma source(%dma_start3A_106 : memref<10000x128xf32, #tpu.memory_space<hbm>>) target(%dma_start3A_100 : memref<128x128xf32, #tpu.memory_space<vmem>>) offsets(%dma_start3A_103 : memref<128xi32, #tpu.memory_space<vmem>>) semaphore(%arg22 : memref<!tpu.dma_semaphore, #tpu.memory_space<semaphore_mem>>)
      %scan3A_107 = arith.constant 0 : i32
      %scan3A_108 = arith.constant 0 : i32
      %scan3A_109 = arith.constant 16 : i32
      %scan3A_110 = arith.addi %scan3A_108, %scan3A_109 : i32
      %scan3A_111 = arith.constant 1 : i32
      scf.for %scan3A_127 = %scan3A_108 to %scan3A_110 step %scan3A_111  : i32 {
        %rem3A_128 = arith.constant 2 : i32
        %rem3A_129 = arith.remsi %scan3A_127, %rem3A_128 : i32
        %add3A_130 = arith.constant 1 : i32
        %add3A_131 = arith.addi %scan3A_127, %add3A_130 : i32
        %rem3A_132 = arith.constant 2 : i32
        %rem3A_133 = arith.remsi %add3A_131, %rem3A_132 : i32
        %dma_wait3A_134 = arith.constant 0 : i32
        %dma_wait3A_135 = arith.constant 0 : i32
        %dma_wait3A_136 = tpu.memref_slice %arg20[%rem3A_129, %dma_wait3A_134, %dma_wait3A_135] : memref<2x128x128xf32, #tpu.memory_space<vmem>> -> memref<1x128x128xf32, #tpu.memory_space<vmem>>
        %dma_wait3A_137 = tpu.memref_squeeze %dma_wait3A_136 : memref<1x128x128xf32, #tpu.memory_space<vmem>> -> memref<128x128xf32, #tpu.memory_space<vmem>>
        %dma_wait3A_138 = arith.constant 0 : i32
        %dma_wait3A_139 = tpu.memref_slice %arg18[%rem3A_85, %scan3A_127, %dma_wait3A_138] : memref<2x16x128xi32, #tpu.memory_space<vmem>> -> memref<1x1x128xi32, #tpu.memory_space<vmem>>
        %dma_wait3A_140 = tpu.memref_squeeze %dma_wait3A_139 : memref<1x1x128xi32, #tpu.memory_space<vmem>> -> memref<128xi32, #tpu.memory_space<vmem>>
        %dma_wait3A_141 = arith.constant 0 : i32
        %dma_wait3A_142 = arith.constant 0 : i32
        %dma_wait3A_143 = tpu.memref_slice %arg6[%dma_wait3A_141, %dma_wait3A_142] : memref<10000x128xf32, #tpu.memory_space<hbm>> -> memref<10000x128xf32, #tpu.memory_space<hbm>>
        tpu.wait_indirect_dma semaphore(%arg22 : memref<!tpu.dma_semaphore, #tpu.memory_space<semaphore_mem>>) src(%dma_wait3A_143 : memref<10000x128xf32, #tpu.memory_space<hbm>>) dst(%dma_wait3A_137 : memref<128x128xf32, #tpu.memory_space<vmem>>)
        %dma_start3A_144 = arith.constant 0 : i32
        %dma_start3A_145 = arith.constant 0 : i32
        %dma_start3A_146 = tpu.memref_slice %arg20[%rem3A_129, %dma_start3A_144, %dma_start3A_145] : memref<2x128x128xf32, #tpu.memory_space<vmem>> -> memref<1x128x128xf32, #tpu.memory_space<vmem>>
        %dma_start3A_147 = tpu.memref_squeeze %dma_start3A_146 : memref<1x128x128xf32, #tpu.memory_space<vmem>> -> memref<128x128xf32, #tpu.memory_space<vmem>>
        %dma_start3A_148 = arith.constant 0 : i32
        %dma_start3A_149 = tpu.memref_slice %arg19[%rem3A_85, %scan3A_127, %dma_start3A_148] : memref<2x16x128xi32, #tpu.memory_space<vmem>> -> memref<1x1x128xi32, #tpu.memory_space<vmem>>
        %dma_start3A_150 = tpu.memref_squeeze %dma_start3A_149 : memref<1x1x128xi32, #tpu.memory_space<vmem>> -> memref<128xi32, #tpu.memory_space<vmem>>
        %dma_start3A_151 = arith.constant 0 : i32
        %dma_start3A_152 = arith.constant 0 : i32
        %dma_start3A_153 = tpu.memref_slice %arg14[%dma_start3A_151, %dma_start3A_152] : memref<5120x128xf32, #tpu.memory_space<vmem_shared>> -> memref<5120x128xf32, #tpu.memory_space<vmem_shared>>
        tpu.enqueue_indirect_dma source(%dma_start3A_147 : memref<128x128xf32, #tpu.memory_space<vmem>>) target(%dma_start3A_153 : memref<5120x128xf32, #tpu.memory_space<vmem_shared>>) offsets(%dma_start3A_150 : memref<128xi32, #tpu.memory_space<vmem>>) semaphore(%arg23 : memref<!tpu.dma_semaphore, #tpu.memory_space<semaphore_mem>>) {add = true}
        %eq3A_154 = arith.constant 0 : i32
        %eq3A_155 = arith.cmpi eq, %arg0, %eq3A_154 : i32
        %convert_element_type3A_156 = arith.extui %eq3A_155 : i1 to i32
        %cond3A_157 = arith.constant 0 : i32
        %cond3A_158 = arith.cmpi ne, %convert_element_type3A_156, %cond3A_157 : i32
        scf.if %cond3A_158 {
          %dma_start3A_177 = arith.constant 0 : i32
          %dma_start3A_178 = tpu.memref_slice %arg19[%rem3A_85, %scan3A_127, %dma_start3A_177] : memref<2x16x128xi32, #tpu.memory_space<vmem>> -> memref<1x1x128xi32, #tpu.memory_space<vmem>>
          %dma_start3A_179 = tpu.memref_squeeze %dma_start3A_178 : memref<1x1x128xi32, #tpu.memory_space<vmem>> -> memref<128xi32, #tpu.memory_space<vmem>>
          %dma_start3A_180 = arith.constant 0 : i32
          %dma_start3A_181 = tpu.memref_slice %arg16[%dma_start3A_180] : memref<5120xf32, #tpu.memory_space<vmem_shared>> -> memref<5120xf32, #tpu.memory_space<vmem_shared>>
          tpu.enqueue_indirect_dma source(%arg21 : memref<128xf32, #tpu.memory_space<vmem>>) target(%dma_start3A_181 : memref<5120xf32, #tpu.memory_space<vmem_shared>>) offsets(%dma_start3A_179 : memref<128xi32, #tpu.memory_space<vmem>>) semaphore(%arg24 : memref<!tpu.dma_semaphore, #tpu.memory_space<semaphore_mem>>) {add = true}
        } else {
        }
        %gt3A = arith.constant 0 : i32
        %gt3A_159 = arith.cmpi sgt, %scan3A_127, %gt3A : i32
        %convert_element_type3A_160 = arith.extui %gt3A_159 : i1 to i32
        %cond3A_161 = arith.constant 0 : i32
        %cond3A_162 = arith.cmpi ne, %convert_element_type3A_160, %cond3A_161 : i32
        scf.if %cond3A_162 {
          %dma_wait3A_177 = arith.constant 0 : i32
          %dma_wait3A_178 = arith.constant 0 : i32
          %dma_wait3A_179 = tpu.memref_slice %arg14[%dma_wait3A_177, %dma_wait3A_178] : memref<5120x128xf32, #tpu.memory_space<vmem_shared>> -> memref<128x128xf32, #tpu.memory_space<vmem_shared>>
          tpu.wait_dma2 semaphore(%arg23 : memref<!tpu.dma_semaphore, #tpu.memory_space<semaphore_mem>>) src(%arg7 : memref<128x128xf32, #tpu.memory_space<hbm>>) dst(%dma_wait3A_179 : memref<128x128xf32, #tpu.memory_space<vmem_shared>>)
        } else {
        }
        %eq3A_163 = arith.constant 0 : i32
        %eq3A_164 = arith.cmpi eq, %arg0, %eq3A_163 : i32
        %gt3A_165 = arith.constant 0 : i32
        %gt3A_166 = arith.cmpi sgt, %scan3A_127, %gt3A_165 : i32
        %and3A = arith.andi %eq3A_164, %gt3A_166 : i1
        %convert_element_type3A_167 = arith.extui %and3A : i1 to i32
        %cond3A_168 = arith.constant 0 : i32
        %cond3A_169 = arith.cmpi ne, %convert_element_type3A_167, %cond3A_168 : i32
        scf.if %cond3A_169 {
          %dma_wait3A_177 = arith.constant 0 : i32
          %dma_wait3A_178 = tpu.memref_slice %arg16[%dma_wait3A_177] : memref<5120xf32, #tpu.memory_space<vmem_shared>> -> memref<128xf32, #tpu.memory_space<vmem_shared>>
          tpu.wait_dma2 semaphore(%arg24 : memref<!tpu.dma_semaphore, #tpu.memory_space<semaphore_mem>>) src(%arg8 : memref<128xf32, #tpu.memory_space<hbm>>) dst(%dma_wait3A_178 : memref<128xf32, #tpu.memory_space<vmem_shared>>)
        } else {
        }
        %add3A_170 = arith.constant 1 : i32
        %add3A_171 = arith.addi %scan3A_127, %add3A_170 : i32
        %lt3A_172 = arith.constant 16 : i32
        %lt3A_173 = arith.cmpi slt, %add3A_171, %lt3A_172 : i32
        %convert_element_type3A_174 = arith.extui %lt3A_173 : i1 to i32
        %cond3A_175 = arith.constant 0 : i32
        %cond3A_176 = arith.cmpi ne, %convert_element_type3A_174, %cond3A_175 : i32
        scf.if %cond3A_176 {
          %add3A_177 = arith.constant 1 : i32
          %add3A_178 = arith.addi %scan3A_127, %add3A_177 : i32
          %dma_start3A_179 = arith.constant 0 : i32
          %dma_start3A_180 = arith.constant 0 : i32
          %dma_start3A_181 = tpu.memref_slice %arg20[%rem3A_133, %dma_start3A_179, %dma_start3A_180] : memref<2x128x128xf32, #tpu.memory_space<vmem>> -> memref<1x128x128xf32, #tpu.memory_space<vmem>>
          %dma_start3A_182 = tpu.memref_squeeze %dma_start3A_181 : memref<1x128x128xf32, #tpu.memory_space<vmem>> -> memref<128x128xf32, #tpu.memory_space<vmem>>
          %dma_start3A_183 = arith.constant 0 : i32
          %dma_start3A_184 = tpu.memref_slice %arg18[%rem3A_85, %add3A_178, %dma_start3A_183] : memref<2x16x128xi32, #tpu.memory_space<vmem>> -> memref<1x1x128xi32, #tpu.memory_space<vmem>>
          %dma_start3A_185 = tpu.memref_squeeze %dma_start3A_184 : memref<1x1x128xi32, #tpu.memory_space<vmem>> -> memref<128xi32, #tpu.memory_space<vmem>>
          %dma_start3A_186 = arith.constant 0 : i32
          %dma_start3A_187 = arith.constant 0 : i32
          %dma_start3A_188 = tpu.memref_slice %arg6[%dma_start3A_186, %dma_start3A_187] : memref<10000x128xf32, #tpu.memory_space<hbm>> -> memref<10000x128xf32, #tpu.memory_space<hbm>>
          tpu.enqueue_indirect_dma source(%dma_start3A_188 : memref<10000x128xf32, #tpu.memory_space<hbm>>) target(%dma_start3A_182 : memref<128x128xf32, #tpu.memory_space<vmem>>) offsets(%dma_start3A_185 : memref<128xi32, #tpu.memory_space<vmem>>) semaphore(%arg22 : memref<!tpu.dma_semaphore, #tpu.memory_space<semaphore_mem>>)
        } else {
        }
      }
      %scan3A_112 = arith.constant 16 : i32
      %dma_wait3A = arith.constant 0 : i32
      %dma_wait3A_113 = arith.constant 0 : i32
      %dma_wait3A_114 = tpu.memref_slice %arg14[%dma_wait3A, %dma_wait3A_113] : memref<5120x128xf32, #tpu.memory_space<vmem_shared>> -> memref<128x128xf32, #tpu.memory_space<vmem_shared>>
      tpu.wait_dma2 semaphore(%arg23 : memref<!tpu.dma_semaphore, #tpu.memory_space<semaphore_mem>>) src(%arg7 : memref<128x128xf32, #tpu.memory_space<hbm>>) dst(%dma_wait3A_114 : memref<128x128xf32, #tpu.memory_space<vmem_shared>>)
      %eq3A_115 = arith.constant 0 : i32
      %eq3A_116 = arith.cmpi eq, %arg0, %eq3A_115 : i32
      %convert_element_type3A_117 = arith.extui %eq3A_116 : i1 to i32
      %cond3A_118 = arith.constant 0 : i32
      %cond3A_119 = arith.cmpi ne, %convert_element_type3A_117, %cond3A_118 : i32
      scf.if %cond3A_119 {
        %dma_wait3A_127 = arith.constant 0 : i32
        %dma_wait3A_128 = tpu.memref_slice %arg16[%dma_wait3A_127] : memref<5120xf32, #tpu.memory_space<vmem_shared>> -> memref<128xf32, #tpu.memory_space<vmem_shared>>
        tpu.wait_dma2 semaphore(%arg24 : memref<!tpu.dma_semaphore, #tpu.memory_space<semaphore_mem>>) src(%arg8 : memref<128xf32, #tpu.memory_space<hbm>>) dst(%dma_wait3A_128 : memref<128xf32, #tpu.memory_space<vmem_shared>>)
      } else {
      }
      %add3A_120 = arith.constant 1 : i32
      %add3A_121 = arith.addi %scan3A_84, %add3A_120 : i32
      %lt3A_122 = arith.constant 10 : i32
      %lt3A_123 = arith.cmpi slt, %add3A_121, %lt3A_122 : i32
      %convert_element_type3A_124 = arith.extui %lt3A_123 : i1 to i32
      %cond3A_125 = arith.constant 0 : i32
      %cond3A_126 = arith.cmpi ne, %convert_element_type3A_124, %cond3A_125 : i32
      scf.if %cond3A_126 {
        %add3A_127 = arith.constant 1 : i32
        %add3A_128 = arith.addi %scan3A_84, %add3A_127 : i32
        %mul3A_129 = arith.constant 16 : i32
        %mul3A_130 = arith.muli %add3A_128, %mul3A_129 : i32
        %dma_wait3A_131 = arith.constant 0 : i32
        %dma_wait3A_132 = arith.constant 0 : i32
        %dma_wait3A_133 = tpu.memref_slice %arg18[%rem3A_89, %dma_wait3A_131, %dma_wait3A_132] : memref<2x16x128xi32, #tpu.memory_space<vmem>> -> memref<1x16x128xi32, #tpu.memory_space<vmem>>
        %dma_wait3A_134 = tpu.memref_squeeze %dma_wait3A_133 : memref<1x16x128xi32, #tpu.memory_space<vmem>> -> memref<16x128xi32, #tpu.memory_space<vmem>>
        %dma_wait3A_135 = arith.constant 0 : i32
        %dma_wait3A_136 = tpu.memref_slice %arg2[%arg0, %arg1, %mul3A_130, %dma_wait3A_135] : memref<2x16x160x128xi32, #tpu.memory_space<hbm>> -> memref<1x1x16x128xi32, #tpu.memory_space<hbm>>
        %dma_wait3A_137 = tpu.memref_squeeze %dma_wait3A_136 : memref<1x1x16x128xi32, #tpu.memory_space<hbm>> -> memref<16x128xi32, #tpu.memory_space<hbm>>
        %dma_wait3A_138 = arith.constant 0 : i32
        %dma_wait3A_139 = arith.constant 0 : i32
        %dma_wait3A_140 = tpu.memref_slice %arg18[%rem3A_89, %dma_wait3A_138, %dma_wait3A_139] : memref<2x16x128xi32, #tpu.memory_space<vmem>> -> memref<1x16x128xi32, #tpu.memory_space<vmem>>
        %dma_wait3A_141 = tpu.memref_squeeze %dma_wait3A_140 : memref<1x16x128xi32, #tpu.memory_space<vmem>> -> memref<16x128xi32, #tpu.memory_space<vmem>>
        %dma_wait3A_142 = arith.constant 0 : i32
        %dma_wait3A_143 = tpu.memref_slice %arg2[%arg0, %arg1, %mul3A_130, %dma_wait3A_142] : memref<2x16x160x128xi32, #tpu.memory_space<hbm>> -> memref<1x1x16x128xi32, #tpu.memory_space<hbm>>
        %dma_wait3A_144 = tpu.memref_squeeze %dma_wait3A_143 : memref<1x1x16x128xi32, #tpu.memory_space<hbm>> -> memref<16x128xi32, #tpu.memory_space<hbm>>
        tpu.wait_dma2 semaphore(%arg25 : memref<!tpu.dma_semaphore, #tpu.memory_space<semaphore_mem>>) src(%dma_wait3A_144 : memref<16x128xi32, #tpu.memory_space<hbm>>) dst(%dma_wait3A_141 : memref<16x128xi32, #tpu.memory_space<vmem>>)
        %add3A_145 = arith.constant 1 : i32
        %add3A_146 = arith.addi %scan3A_84, %add3A_145 : i32
        %mul3A_147 = arith.constant 16 : i32
        %mul3A_148 = arith.muli %add3A_146, %mul3A_147 : i32
        %dma_wait3A_149 = arith.constant 0 : i32
        %dma_wait3A_150 = arith.constant 0 : i32
        %dma_wait3A_151 = tpu.memref_slice %arg19[%rem3A_89, %dma_wait3A_149, %dma_wait3A_150] : memref<2x16x128xi32, #tpu.memory_space<vmem>> -> memref<1x16x128xi32, #tpu.memory_space<vmem>>
        %dma_wait3A_152 = tpu.memref_squeeze %dma_wait3A_151 : memref<1x16x128xi32, #tpu.memory_space<vmem>> -> memref<16x128xi32, #tpu.memory_space<vmem>>
        %dma_wait3A_153 = arith.constant 0 : i32
        %dma_wait3A_154 = tpu.memref_slice %arg3[%arg1, %mul3A_148, %dma_wait3A_153] : memref<16x160x128xi32, #tpu.memory_space<hbm>> -> memref<1x16x128xi32, #tpu.memory_space<hbm>>
        %dma_wait3A_155 = tpu.memref_squeeze %dma_wait3A_154 : memref<1x16x128xi32, #tpu.memory_space<hbm>> -> memref<16x128xi32, #tpu.memory_space<hbm>>
        %dma_wait3A_156 = arith.constant 0 : i32
        %dma_wait3A_157 = arith.constant 0 : i32
        %dma_wait3A_158 = tpu.memref_slice %arg19[%rem3A_89, %dma_wait3A_156, %dma_wait3A_157] : memref<2x16x128xi32, #tpu.memory_space<vmem>> -> memref<1x16x128xi32, #tpu.memory_space<vmem>>
        %dma_wait3A_159 = tpu.memref_squeeze %dma_wait3A_158 : memref<1x16x128xi32, #tpu.memory_space<vmem>> -> memref<16x128xi32, #tpu.memory_space<vmem>>
        %dma_wait3A_160 = arith.constant 0 : i32
        %dma_wait3A_161 = tpu.memref_slice %arg3[%arg1, %mul3A_148, %dma_wait3A_160] : memref<16x160x128xi32, #tpu.memory_space<hbm>> -> memref<1x16x128xi32, #tpu.memory_space<hbm>>
        %dma_wait3A_162 = tpu.memref_squeeze %dma_wait3A_161 : memref<1x16x128xi32, #tpu.memory_space<hbm>> -> memref<16x128xi32, #tpu.memory_space<hbm>>
        tpu.wait_dma2 semaphore(%arg25 : memref<!tpu.dma_semaphore, #tpu.memory_space<semaphore_mem>>) src(%dma_wait3A_162 : memref<16x128xi32, #tpu.memory_space<hbm>>) dst(%dma_wait3A_159 : memref<16x128xi32, #tpu.memory_space<vmem>>)
      } else {
      }
    }
    %scan3A_36 = arith.constant 10 : i32
    %run_scoped3A_37 = arith.constant 0 : i32
    "tpu.region"() ({
      %run_scoped3A_84 = tpu.sem_alloc : memref<!tpu.dma_semaphore, #tpu.memory_space<semaphore_mem>>
      %dma_start3A = arith.constant 0 : i32
      %dma_start3A_85 = arith.constant 0 : i32
      %dma_start3A_86 = tpu.memref_slice %arg18[%run_scoped3A_37, %dma_start3A, %dma_start3A_85] : memref<2x16x128xi32, #tpu.memory_space<vmem>> -> memref<1x16x128xi32, #tpu.memory_space<vmem>>
      %dma_start3A_87 = tpu.memref_squeeze %dma_start3A_86 : memref<1x16x128xi32, #tpu.memory_space<vmem>> -> memref<16x128xi32, #tpu.memory_space<vmem>>
      %dma_start3A_88 = arith.constant 0 : i32
      %dma_start3A_89 = arith.constant 0 : i32
      %dma_start3A_90 = tpu.memref_slice %arg4[%arg0, %arg1, %dma_start3A_88, %dma_start3A_89] : memref<2x16x80x128xi32, #tpu.memory_space<hbm>> -> memref<1x1x16x128xi32, #tpu.memory_space<hbm>>
      %dma_start3A_91 = tpu.memref_squeeze %dma_start3A_90 : memref<1x1x16x128xi32, #tpu.memory_space<hbm>> -> memref<16x128xi32, #tpu.memory_space<hbm>>
      %dma_start3A_92 = arith.constant 0 : i32
      %dma_start3A_93 = arith.constant 0 : i32
      %dma_start3A_94 = tpu.memref_slice %arg18[%run_scoped3A_37, %dma_start3A_92, %dma_start3A_93] : memref<2x16x128xi32, #tpu.memory_space<vmem>> -> memref<1x16x128xi32, #tpu.memory_space<vmem>>
      %dma_start3A_95 = tpu.memref_squeeze %dma_start3A_94 : memref<1x16x128xi32, #tpu.memory_space<vmem>> -> memref<16x128xi32, #tpu.memory_space<vmem>>
      %dma_start3A_96 = arith.constant 0 : i32
      %dma_start3A_97 = arith.constant 0 : i32
      %dma_start3A_98 = tpu.memref_slice %arg4[%arg0, %arg1, %dma_start3A_96, %dma_start3A_97] : memref<2x16x80x128xi32, #tpu.memory_space<hbm>> -> memref<1x1x16x128xi32, #tpu.memory_space<hbm>>
      %dma_start3A_99 = tpu.memref_squeeze %dma_start3A_98 : memref<1x1x16x128xi32, #tpu.memory_space<hbm>> -> memref<16x128xi32, #tpu.memory_space<hbm>>
      tpu.enqueue_dma source(%dma_start3A_99 : memref<16x128xi32, #tpu.memory_space<hbm>>) target(%dma_start3A_95 : memref<16x128xi32, #tpu.memory_space<vmem>>) target_semaphore(%run_scoped3A_84 : memref<!tpu.dma_semaphore, #tpu.memory_space<semaphore_mem>>)
      %dma_wait3A = arith.constant 0 : i32
      %dma_wait3A_100 = arith.constant 0 : i32
      %dma_wait3A_101 = tpu.memref_slice %arg18[%run_scoped3A_37, %dma_wait3A, %dma_wait3A_100] : memref<2x16x128xi32, #tpu.memory_space<vmem>> -> memref<1x16x128xi32, #tpu.memory_space<vmem>>
      %dma_wait3A_102 = tpu.memref_squeeze %dma_wait3A_101 : memref<1x16x128xi32, #tpu.memory_space<vmem>> -> memref<16x128xi32, #tpu.memory_space<vmem>>
      %dma_wait3A_103 = arith.constant 0 : i32
      %dma_wait3A_104 = arith.constant 0 : i32
      %dma_wait3A_105 = tpu.memref_slice %arg4[%arg0, %arg1, %dma_wait3A_103, %dma_wait3A_104] : memref<2x16x80x128xi32, #tpu.memory_space<hbm>> -> memref<1x1x16x128xi32, #tpu.memory_space<hbm>>
      %dma_wait3A_106 = tpu.memref_squeeze %dma_wait3A_105 : memref<1x1x16x128xi32, #tpu.memory_space<hbm>> -> memref<16x128xi32, #tpu.memory_space<hbm>>
      %dma_wait3A_107 = arith.constant 0 : i32
      %dma_wait3A_108 = arith.constant 0 : i32
      %dma_wait3A_109 = tpu.memref_slice %arg18[%run_scoped3A_37, %dma_wait3A_107, %dma_wait3A_108] : memref<2x16x128xi32, #tpu.memory_space<vmem>> -> memref<1x16x128xi32, #tpu.memory_space<vmem>>
      %dma_wait3A_110 = tpu.memref_squeeze %dma_wait3A_109 : memref<1x16x128xi32, #tpu.memory_space<vmem>> -> memref<16x128xi32, #tpu.memory_space<vmem>>
      %dma_wait3A_111 = arith.constant 0 : i32
      %dma_wait3A_112 = arith.constant 0 : i32
      %dma_wait3A_113 = tpu.memref_slice %arg4[%arg0, %arg1, %dma_wait3A_111, %dma_wait3A_112] : memref<2x16x80x128xi32, #tpu.memory_space<hbm>> -> memref<1x1x16x128xi32, #tpu.memory_space<hbm>>
      %dma_wait3A_114 = tpu.memref_squeeze %dma_wait3A_113 : memref<1x1x16x128xi32, #tpu.memory_space<hbm>> -> memref<16x128xi32, #tpu.memory_space<hbm>>
      tpu.wait_dma2 semaphore(%run_scoped3A_84 : memref<!tpu.dma_semaphore, #tpu.memory_space<semaphore_mem>>) src(%dma_wait3A_114 : memref<16x128xi32, #tpu.memory_space<hbm>>) dst(%dma_wait3A_110 : memref<16x128xi32, #tpu.memory_space<vmem>>)
      tpu.yield
    }) : () -> ()
    %run_scoped3A_38 = arith.constant 0 : i32
    "tpu.region"() ({
      %run_scoped3A_84 = tpu.sem_alloc : memref<!tpu.dma_semaphore, #tpu.memory_space<semaphore_mem>>
      %dma_start3A = arith.constant 0 : i32
      %dma_start3A_85 = arith.constant 0 : i32
      %dma_start3A_86 = tpu.memref_slice %arg19[%run_scoped3A_38, %dma_start3A, %dma_start3A_85] : memref<2x16x128xi32, #tpu.memory_space<vmem>> -> memref<1x16x128xi32, #tpu.memory_space<vmem>>
      %dma_start3A_87 = tpu.memref_squeeze %dma_start3A_86 : memref<1x16x128xi32, #tpu.memory_space<vmem>> -> memref<16x128xi32, #tpu.memory_space<vmem>>
      %dma_start3A_88 = arith.constant 0 : i32
      %dma_start3A_89 = arith.constant 0 : i32
      %dma_start3A_90 = tpu.memref_slice %arg5[%arg1, %dma_start3A_88, %dma_start3A_89] : memref<16x80x128xi32, #tpu.memory_space<hbm>> -> memref<1x16x128xi32, #tpu.memory_space<hbm>>
      %dma_start3A_91 = tpu.memref_squeeze %dma_start3A_90 : memref<1x16x128xi32, #tpu.memory_space<hbm>> -> memref<16x128xi32, #tpu.memory_space<hbm>>
      %dma_start3A_92 = arith.constant 0 : i32
      %dma_start3A_93 = arith.constant 0 : i32
      %dma_start3A_94 = tpu.memref_slice %arg19[%run_scoped3A_38, %dma_start3A_92, %dma_start3A_93] : memref<2x16x128xi32, #tpu.memory_space<vmem>> -> memref<1x16x128xi32, #tpu.memory_space<vmem>>
      %dma_start3A_95 = tpu.memref_squeeze %dma_start3A_94 : memref<1x16x128xi32, #tpu.memory_space<vmem>> -> memref<16x128xi32, #tpu.memory_space<vmem>>
      %dma_start3A_96 = arith.constant 0 : i32
      %dma_start3A_97 = arith.constant 0 : i32
      %dma_start3A_98 = tpu.memref_slice %arg5[%arg1, %dma_start3A_96, %dma_start3A_97] : memref<16x80x128xi32, #tpu.memory_space<hbm>> -> memref<1x16x128xi32, #tpu.memory_space<hbm>>
      %dma_start3A_99 = tpu.memref_squeeze %dma_start3A_98 : memref<1x16x128xi32, #tpu.memory_space<hbm>> -> memref<16x128xi32, #tpu.memory_space<hbm>>
      tpu.enqueue_dma source(%dma_start3A_99 : memref<16x128xi32, #tpu.memory_space<hbm>>) target(%dma_start3A_95 : memref<16x128xi32, #tpu.memory_space<vmem>>) target_semaphore(%run_scoped3A_84 : memref<!tpu.dma_semaphore, #tpu.memory_space<semaphore_mem>>)
      %dma_wait3A = arith.constant 0 : i32
      %dma_wait3A_100 = arith.constant 0 : i32
      %dma_wait3A_101 = tpu.memref_slice %arg19[%run_scoped3A_38, %dma_wait3A, %dma_wait3A_100] : memref<2x16x128xi32, #tpu.memory_space<vmem>> -> memref<1x16x128xi32, #tpu.memory_space<vmem>>
      %dma_wait3A_102 = tpu.memref_squeeze %dma_wait3A_101 : memref<1x16x128xi32, #tpu.memory_space<vmem>> -> memref<16x128xi32, #tpu.memory_space<vmem>>
      %dma_wait3A_103 = arith.constant 0 : i32
      %dma_wait3A_104 = arith.constant 0 : i32
      %dma_wait3A_105 = tpu.memref_slice %arg5[%arg1, %dma_wait3A_103, %dma_wait3A_104] : memref<16x80x128xi32, #tpu.memory_space<hbm>> -> memref<1x16x128xi32, #tpu.memory_space<hbm>>
      %dma_wait3A_106 = tpu.memref_squeeze %dma_wait3A_105 : memref<1x16x128xi32, #tpu.memory_space<hbm>> -> memref<16x128xi32, #tpu.memory_space<hbm>>
      %dma_wait3A_107 = arith.constant 0 : i32
      %dma_wait3A_108 = arith.constant 0 : i32
      %dma_wait3A_109 = tpu.memref_slice %arg19[%run_scoped3A_38, %dma_wait3A_107, %dma_wait3A_108] : memref<2x16x128xi32, #tpu.memory_space<vmem>> -> memref<1x16x128xi32, #tpu.memory_space<vmem>>
      %dma_wait3A_110 = tpu.memref_squeeze %dma_wait3A_109 : memref<1x16x128xi32, #tpu.memory_space<vmem>> -> memref<16x128xi32, #tpu.memory_space<vmem>>
      %dma_wait3A_111 = arith.constant 0 : i32
      %dma_wait3A_112 = arith.constant 0 : i32
      %dma_wait3A_113 = tpu.memref_slice %arg5[%arg1, %dma_wait3A_111, %dma_wait3A_112] : memref<16x80x128xi32, #tpu.memory_space<hbm>> -> memref<1x16x128xi32, #tpu.memory_space<hbm>>
      %dma_wait3A_114 = tpu.memref_squeeze %dma_wait3A_113 : memref<1x16x128xi32, #tpu.memory_space<hbm>> -> memref<16x128xi32, #tpu.memory_space<hbm>>
      tpu.wait_dma2 semaphore(%run_scoped3A_84 : memref<!tpu.dma_semaphore, #tpu.memory_space<semaphore_mem>>) src(%dma_wait3A_114 : memref<16x128xi32, #tpu.memory_space<hbm>>) dst(%dma_wait3A_110 : memref<16x128xi32, #tpu.memory_space<vmem>>)
      tpu.yield
    }) : () -> ()
    %scan3A_39 = arith.constant 0 : i32
    %scan3A_40 = arith.constant 0 : i32
    %scan3A_41 = arith.constant 5 : i32
    %scan3A_42 = arith.addi %scan3A_40, %scan3A_41 : i32
    %scan3A_43 = arith.constant 1 : i32
    scf.for %scan3A_84 = %scan3A_40 to %scan3A_42 step %scan3A_43  : i32 {
      %rem3A = arith.constant 2 : i32
      %rem3A_85 = arith.remsi %scan3A_84, %rem3A : i32
      %add3A_86 = arith.constant 1 : i32
      %add3A_87 = arith.addi %scan3A_84, %add3A_86 : i32
      %rem3A_88 = arith.constant 2 : i32
      %rem3A_89 = arith.remsi %add3A_87, %rem3A_88 : i32
      %add3A_90 = arith.constant 1 : i32
      %add3A_91 = arith.addi %scan3A_84, %add3A_90 : i32
      %lt3A = arith.constant 5 : i32
      %lt3A_92 = arith.cmpi slt, %add3A_91, %lt3A : i32
      %convert_element_type3A_93 = arith.extui %lt3A_92 : i1 to i32
      %cond3A_94 = arith.constant 0 : i32
      %cond3A_95 = arith.cmpi ne, %convert_element_type3A_93, %cond3A_94 : i32
      scf.if %cond3A_95 {
        %add3A_127 = arith.constant 1 : i32
        %add3A_128 = arith.addi %scan3A_84, %add3A_127 : i32
        %mul3A_129 = arith.constant 16 : i32
        %mul3A_130 = arith.muli %add3A_128, %mul3A_129 : i32
        %dma_start3A_131 = arith.constant 0 : i32
        %dma_start3A_132 = arith.constant 0 : i32
        %dma_start3A_133 = tpu.memref_slice %arg18[%rem3A_89, %dma_start3A_131, %dma_start3A_132] : memref<2x16x128xi32, #tpu.memory_space<vmem>> -> memref<1x16x128xi32, #tpu.memory_space<vmem>>
        %dma_start3A_134 = tpu.memref_squeeze %dma_start3A_133 : memref<1x16x128xi32, #tpu.memory_space<vmem>> -> memref<16x128xi32, #tpu.memory_space<vmem>>
        %dma_start3A_135 = arith.constant 0 : i32
        %dma_start3A_136 = tpu.memref_slice %arg4[%arg0, %arg1, %mul3A_130, %dma_start3A_135] : memref<2x16x80x128xi32, #tpu.memory_space<hbm>> -> memref<1x1x16x128xi32, #tpu.memory_space<hbm>>
        %dma_start3A_137 = tpu.memref_squeeze %dma_start3A_136 : memref<1x1x16x128xi32, #tpu.memory_space<hbm>> -> memref<16x128xi32, #tpu.memory_space<hbm>>
        %dma_start3A_138 = arith.constant 0 : i32
        %dma_start3A_139 = arith.constant 0 : i32
        %dma_start3A_140 = tpu.memref_slice %arg18[%rem3A_89, %dma_start3A_138, %dma_start3A_139] : memref<2x16x128xi32, #tpu.memory_space<vmem>> -> memref<1x16x128xi32, #tpu.memory_space<vmem>>
        %dma_start3A_141 = tpu.memref_squeeze %dma_start3A_140 : memref<1x16x128xi32, #tpu.memory_space<vmem>> -> memref<16x128xi32, #tpu.memory_space<vmem>>
        %dma_start3A_142 = arith.constant 0 : i32
        %dma_start3A_143 = tpu.memref_slice %arg4[%arg0, %arg1, %mul3A_130, %dma_start3A_142] : memref<2x16x80x128xi32, #tpu.memory_space<hbm>> -> memref<1x1x16x128xi32, #tpu.memory_space<hbm>>
        %dma_start3A_144 = tpu.memref_squeeze %dma_start3A_143 : memref<1x1x16x128xi32, #tpu.memory_space<hbm>> -> memref<16x128xi32, #tpu.memory_space<hbm>>
        tpu.enqueue_dma source(%dma_start3A_144 : memref<16x128xi32, #tpu.memory_space<hbm>>) target(%dma_start3A_141 : memref<16x128xi32, #tpu.memory_space<vmem>>) target_semaphore(%arg25 : memref<!tpu.dma_semaphore, #tpu.memory_space<semaphore_mem>>)
        %add3A_145 = arith.constant 1 : i32
        %add3A_146 = arith.addi %scan3A_84, %add3A_145 : i32
        %mul3A_147 = arith.constant 16 : i32
        %mul3A_148 = arith.muli %add3A_146, %mul3A_147 : i32
        %dma_start3A_149 = arith.constant 0 : i32
        %dma_start3A_150 = arith.constant 0 : i32
        %dma_start3A_151 = tpu.memref_slice %arg19[%rem3A_89, %dma_start3A_149, %dma_start3A_150] : memref<2x16x128xi32, #tpu.memory_space<vmem>> -> memref<1x16x128xi32, #tpu.memory_space<vmem>>
        %dma_start3A_152 = tpu.memref_squeeze %dma_start3A_151 : memref<1x16x128xi32, #tpu.memory_space<vmem>> -> memref<16x128xi32, #tpu.memory_space<vmem>>
        %dma_start3A_153 = arith.constant 0 : i32
        %dma_start3A_154 = tpu.memref_slice %arg5[%arg1, %mul3A_148, %dma_start3A_153] : memref<16x80x128xi32, #tpu.memory_space<hbm>> -> memref<1x16x128xi32, #tpu.memory_space<hbm>>
        %dma_start3A_155 = tpu.memref_squeeze %dma_start3A_154 : memref<1x16x128xi32, #tpu.memory_space<hbm>> -> memref<16x128xi32, #tpu.memory_space<hbm>>
        %dma_start3A_156 = arith.constant 0 : i32
        %dma_start3A_157 = arith.constant 0 : i32
        %dma_start3A_158 = tpu.memref_slice %arg19[%rem3A_89, %dma_start3A_156, %dma_start3A_157] : memref<2x16x128xi32, #tpu.memory_space<vmem>> -> memref<1x16x128xi32, #tpu.memory_space<vmem>>
        %dma_start3A_159 = tpu.memref_squeeze %dma_start3A_158 : memref<1x16x128xi32, #tpu.memory_space<vmem>> -> memref<16x128xi32, #tpu.memory_space<vmem>>
        %dma_start3A_160 = arith.constant 0 : i32
        %dma_start3A_161 = tpu.memref_slice %arg5[%arg1, %mul3A_148, %dma_start3A_160] : memref<16x80x128xi32, #tpu.memory_space<hbm>> -> memref<1x16x128xi32, #tpu.memory_space<hbm>>
        %dma_start3A_162 = tpu.memref_squeeze %dma_start3A_161 : memref<1x16x128xi32, #tpu.memory_space<hbm>> -> memref<16x128xi32, #tpu.memory_space<hbm>>
        tpu.enqueue_dma source(%dma_start3A_162 : memref<16x128xi32, #tpu.memory_space<hbm>>) target(%dma_start3A_159 : memref<16x128xi32, #tpu.memory_space<vmem>>) target_semaphore(%arg25 : memref<!tpu.dma_semaphore, #tpu.memory_space<semaphore_mem>>)
      } else {
      }
      %dma_start3A = arith.constant 0 : i32
      %dma_start3A_96 = arith.constant 0 : i32
      %dma_start3A_97 = arith.constant 0 : i32
      %dma_start3A_98 = arith.constant 0 : i32
      %dma_start3A_99 = tpu.memref_slice %arg20[%dma_start3A_96, %dma_start3A_97, %dma_start3A_98] : memref<2x128x128xf32, #tpu.memory_space<vmem>> -> memref<1x128x128xf32, #tpu.memory_space<vmem>>
      %dma_start3A_100 = tpu.memref_squeeze %dma_start3A_99 : memref<1x128x128xf32, #tpu.memory_space<vmem>> -> memref<128x128xf32, #tpu.memory_space<vmem>>
      %dma_start3A_101 = arith.constant 0 : i32
      %dma_start3A_102 = tpu.memref_slice %arg18[%rem3A_85, %dma_start3A, %dma_start3A_101] : memref<2x16x128xi32, #tpu.memory_space<vmem>> -> memref<1x1x128xi32, #tpu.memory_space<vmem>>
      %dma_start3A_103 = tpu.memref_squeeze %dma_start3A_102 : memref<1x1x128xi32, #tpu.memory_space<vmem>> -> memref<128xi32, #tpu.memory_space<vmem>>
      %dma_start3A_104 = arith.constant 0 : i32
      %dma_start3A_105 = arith.constant 0 : i32
      %dma_start3A_106 = tpu.memref_slice %arg6[%dma_start3A_104, %dma_start3A_105] : memref<10000x128xf32, #tpu.memory_space<hbm>> -> memref<10000x128xf32, #tpu.memory_space<hbm>>
      tpu.enqueue_indirect_dma source(%dma_start3A_106 : memref<10000x128xf32, #tpu.memory_space<hbm>>) target(%dma_start3A_100 : memref<128x128xf32, #tpu.memory_space<vmem>>) offsets(%dma_start3A_103 : memref<128xi32, #tpu.memory_space<vmem>>) semaphore(%arg22 : memref<!tpu.dma_semaphore, #tpu.memory_space<semaphore_mem>>)
      %scan3A_107 = arith.constant 0 : i32
      %scan3A_108 = arith.constant 0 : i32
      %scan3A_109 = arith.constant 16 : i32
      %scan3A_110 = arith.addi %scan3A_108, %scan3A_109 : i32
      %scan3A_111 = arith.constant 1 : i32
      scf.for %scan3A_127 = %scan3A_108 to %scan3A_110 step %scan3A_111  : i32 {
        %rem3A_128 = arith.constant 2 : i32
        %rem3A_129 = arith.remsi %scan3A_127, %rem3A_128 : i32
        %add3A_130 = arith.constant 1 : i32
        %add3A_131 = arith.addi %scan3A_127, %add3A_130 : i32
        %rem3A_132 = arith.constant 2 : i32
        %rem3A_133 = arith.remsi %add3A_131, %rem3A_132 : i32
        %dma_wait3A_134 = arith.constant 0 : i32
        %dma_wait3A_135 = arith.constant 0 : i32
        %dma_wait3A_136 = tpu.memref_slice %arg20[%rem3A_129, %dma_wait3A_134, %dma_wait3A_135] : memref<2x128x128xf32, #tpu.memory_space<vmem>> -> memref<1x128x128xf32, #tpu.memory_space<vmem>>
        %dma_wait3A_137 = tpu.memref_squeeze %dma_wait3A_136 : memref<1x128x128xf32, #tpu.memory_space<vmem>> -> memref<128x128xf32, #tpu.memory_space<vmem>>
        %dma_wait3A_138 = arith.constant 0 : i32
        %dma_wait3A_139 = tpu.memref_slice %arg18[%rem3A_85, %scan3A_127, %dma_wait3A_138] : memref<2x16x128xi32, #tpu.memory_space<vmem>> -> memref<1x1x128xi32, #tpu.memory_space<vmem>>
        %dma_wait3A_140 = tpu.memref_squeeze %dma_wait3A_139 : memref<1x1x128xi32, #tpu.memory_space<vmem>> -> memref<128xi32, #tpu.memory_space<vmem>>
        %dma_wait3A_141 = arith.constant 0 : i32
        %dma_wait3A_142 = arith.constant 0 : i32
        %dma_wait3A_143 = tpu.memref_slice %arg6[%dma_wait3A_141, %dma_wait3A_142] : memref<10000x128xf32, #tpu.memory_space<hbm>> -> memref<10000x128xf32, #tpu.memory_space<hbm>>
        tpu.wait_indirect_dma semaphore(%arg22 : memref<!tpu.dma_semaphore, #tpu.memory_space<semaphore_mem>>) src(%dma_wait3A_143 : memref<10000x128xf32, #tpu.memory_space<hbm>>) dst(%dma_wait3A_137 : memref<128x128xf32, #tpu.memory_space<vmem>>)
        %dma_start3A_144 = arith.constant 0 : i32
        %dma_start3A_145 = arith.constant 0 : i32
        %dma_start3A_146 = tpu.memref_slice %arg20[%rem3A_129, %dma_start3A_144, %dma_start3A_145] : memref<2x128x128xf32, #tpu.memory_space<vmem>> -> memref<1x128x128xf32, #tpu.memory_space<vmem>>
        %dma_start3A_147 = tpu.memref_squeeze %dma_start3A_146 : memref<1x128x128xf32, #tpu.memory_space<vmem>> -> memref<128x128xf32, #tpu.memory_space<vmem>>
        %dma_start3A_148 = arith.constant 0 : i32
        %dma_start3A_149 = tpu.memref_slice %arg19[%rem3A_85, %scan3A_127, %dma_start3A_148] : memref<2x16x128xi32, #tpu.memory_space<vmem>> -> memref<1x1x128xi32, #tpu.memory_space<vmem>>
        %dma_start3A_150 = tpu.memref_squeeze %dma_start3A_149 : memref<1x1x128xi32, #tpu.memory_space<vmem>> -> memref<128xi32, #tpu.memory_space<vmem>>
        %dma_start3A_151 = arith.constant 0 : i32
        %dma_start3A_152 = arith.constant 0 : i32
        %dma_start3A_153 = tpu.memref_slice %arg15[%dma_start3A_151, %dma_start3A_152] : memref<5120x128xf32, #tpu.memory_space<vmem_shared>> -> memref<5120x128xf32, #tpu.memory_space<vmem_shared>>
        tpu.enqueue_indirect_dma source(%dma_start3A_147 : memref<128x128xf32, #tpu.memory_space<vmem>>) target(%dma_start3A_153 : memref<5120x128xf32, #tpu.memory_space<vmem_shared>>) offsets(%dma_start3A_150 : memref<128xi32, #tpu.memory_space<vmem>>) semaphore(%arg23 : memref<!tpu.dma_semaphore, #tpu.memory_space<semaphore_mem>>) {add = true}
        %eq3A_154 = arith.constant 0 : i32
        %eq3A_155 = arith.cmpi eq, %arg0, %eq3A_154 : i32
        %convert_element_type3A_156 = arith.extui %eq3A_155 : i1 to i32
        %cond3A_157 = arith.constant 0 : i32
        %cond3A_158 = arith.cmpi ne, %convert_element_type3A_156, %cond3A_157 : i32
        scf.if %cond3A_158 {
          %dma_start3A_177 = arith.constant 0 : i32
          %dma_start3A_178 = tpu.memref_slice %arg19[%rem3A_85, %scan3A_127, %dma_start3A_177] : memref<2x16x128xi32, #tpu.memory_space<vmem>> -> memref<1x1x128xi32, #tpu.memory_space<vmem>>
          %dma_start3A_179 = tpu.memref_squeeze %dma_start3A_178 : memref<1x1x128xi32, #tpu.memory_space<vmem>> -> memref<128xi32, #tpu.memory_space<vmem>>
          %dma_start3A_180 = arith.constant 0 : i32
          %dma_start3A_181 = tpu.memref_slice %arg17[%dma_start3A_180] : memref<5120xf32, #tpu.memory_space<vmem_shared>> -> memref<5120xf32, #tpu.memory_space<vmem_shared>>
          tpu.enqueue_indirect_dma source(%arg21 : memref<128xf32, #tpu.memory_space<vmem>>) target(%dma_start3A_181 : memref<5120xf32, #tpu.memory_space<vmem_shared>>) offsets(%dma_start3A_179 : memref<128xi32, #tpu.memory_space<vmem>>) semaphore(%arg24 : memref<!tpu.dma_semaphore, #tpu.memory_space<semaphore_mem>>) {add = true}
        } else {
        }
        %gt3A = arith.constant 0 : i32
        %gt3A_159 = arith.cmpi sgt, %scan3A_127, %gt3A : i32
        %convert_element_type3A_160 = arith.extui %gt3A_159 : i1 to i32
        %cond3A_161 = arith.constant 0 : i32
        %cond3A_162 = arith.cmpi ne, %convert_element_type3A_160, %cond3A_161 : i32
        scf.if %cond3A_162 {
          %dma_wait3A_177 = arith.constant 0 : i32
          %dma_wait3A_178 = arith.constant 0 : i32
          %dma_wait3A_179 = tpu.memref_slice %arg15[%dma_wait3A_177, %dma_wait3A_178] : memref<5120x128xf32, #tpu.memory_space<vmem_shared>> -> memref<128x128xf32, #tpu.memory_space<vmem_shared>>
          tpu.wait_dma2 semaphore(%arg23 : memref<!tpu.dma_semaphore, #tpu.memory_space<semaphore_mem>>) src(%arg7 : memref<128x128xf32, #tpu.memory_space<hbm>>) dst(%dma_wait3A_179 : memref<128x128xf32, #tpu.memory_space<vmem_shared>>)
        } else {
        }
        %eq3A_163 = arith.constant 0 : i32
        %eq3A_164 = arith.cmpi eq, %arg0, %eq3A_163 : i32
        %gt3A_165 = arith.constant 0 : i32
        %gt3A_166 = arith.cmpi sgt, %scan3A_127, %gt3A_165 : i32
        %and3A = arith.andi %eq3A_164, %gt3A_166 : i1
        %convert_element_type3A_167 = arith.extui %and3A : i1 to i32
        %cond3A_168 = arith.constant 0 : i32
        %cond3A_169 = arith.cmpi ne, %convert_element_type3A_167, %cond3A_168 : i32
        scf.if %cond3A_169 {
          %dma_wait3A_177 = arith.constant 0 : i32
          %dma_wait3A_178 = tpu.memref_slice %arg17[%dma_wait3A_177] : memref<5120xf32, #tpu.memory_space<vmem_shared>> -> memref<128xf32, #tpu.memory_space<vmem_shared>>
          tpu.wait_dma2 semaphore(%arg24 : memref<!tpu.dma_semaphore, #tpu.memory_space<semaphore_mem>>) src(%arg8 : memref<128xf32, #tpu.memory_space<hbm>>) dst(%dma_wait3A_178 : memref<128xf32, #tpu.memory_space<vmem_shared>>)
        } else {
        }
        %add3A_170 = arith.constant 1 : i32
        %add3A_171 = arith.addi %scan3A_127, %add3A_170 : i32
        %lt3A_172 = arith.constant 16 : i32
        %lt3A_173 = arith.cmpi slt, %add3A_171, %lt3A_172 : i32
        %convert_element_type3A_174 = arith.extui %lt3A_173 : i1 to i32
        %cond3A_175 = arith.constant 0 : i32
        %cond3A_176 = arith.cmpi ne, %convert_element_type3A_174, %cond3A_175 : i32
        scf.if %cond3A_176 {
          %add3A_177 = arith.constant 1 : i32
          %add3A_178 = arith.addi %scan3A_127, %add3A_177 : i32
          %dma_start3A_179 = arith.constant 0 : i32
          %dma_start3A_180 = arith.constant 0 : i32
          %dma_start3A_181 = tpu.memref_slice %arg20[%rem3A_133, %dma_start3A_179, %dma_start3A_180] : memref<2x128x128xf32, #tpu.memory_space<vmem>> -> memref<1x128x128xf32, #tpu.memory_space<vmem>>
          %dma_start3A_182 = tpu.memref_squeeze %dma_start3A_181 : memref<1x128x128xf32, #tpu.memory_space<vmem>> -> memref<128x128xf32, #tpu.memory_space<vmem>>
          %dma_start3A_183 = arith.constant 0 : i32
          %dma_start3A_184 = tpu.memref_slice %arg18[%rem3A_85, %add3A_178, %dma_start3A_183] : memref<2x16x128xi32, #tpu.memory_space<vmem>> -> memref<1x1x128xi32, #tpu.memory_space<vmem>>
          %dma_start3A_185 = tpu.memref_squeeze %dma_start3A_184 : memref<1x1x128xi32, #tpu.memory_space<vmem>> -> memref<128xi32, #tpu.memory_space<vmem>>
          %dma_start3A_186 = arith.constant 0 : i32
          %dma_start3A_187 = arith.constant 0 : i32
          %dma_start3A_188 = tpu.memref_slice %arg6[%dma_start3A_186, %dma_start3A_187] : memref<10000x128xf32, #tpu.memory_space<hbm>> -> memref<10000x128xf32, #tpu.memory_space<hbm>>
          tpu.enqueue_indirect_dma source(%dma_start3A_188 : memref<10000x128xf32, #tpu.memory_space<hbm>>) target(%dma_start3A_182 : memref<128x128xf32, #tpu.memory_space<vmem>>) offsets(%dma_start3A_185 : memref<128xi32, #tpu.memory_space<vmem>>) semaphore(%arg22 : memref<!tpu.dma_semaphore, #tpu.memory_space<semaphore_mem>>)
        } else {
        }
      }
      %scan3A_112 = arith.constant 16 : i32
      %dma_wait3A = arith.constant 0 : i32
      %dma_wait3A_113 = arith.constant 0 : i32
      %dma_wait3A_114 = tpu.memref_slice %arg15[%dma_wait3A, %dma_wait3A_113] : memref<5120x128xf32, #tpu.memory_space<vmem_shared>> -> memref<128x128xf32, #tpu.memory_space<vmem_shared>>
      tpu.wait_dma2 semaphore(%arg23 : memref<!tpu.dma_semaphore, #tpu.memory_space<semaphore_mem>>) src(%arg7 : memref<128x128xf32, #tpu.memory_space<hbm>>) dst(%dma_wait3A_114 : memref<128x128xf32, #tpu.memory_space<vmem_shared>>)
      %eq3A_115 = arith.constant 0 : i32
      %eq3A_116 = arith.cmpi eq, %arg0, %eq3A_115 : i32
      %convert_element_type3A_117 = arith.extui %eq3A_116 : i1 to i32
      %cond3A_118 = arith.constant 0 : i32
      %cond3A_119 = arith.cmpi ne, %convert_element_type3A_117, %cond3A_118 : i32
      scf.if %cond3A_119 {
        %dma_wait3A_127 = arith.constant 0 : i32
        %dma_wait3A_128 = tpu.memref_slice %arg17[%dma_wait3A_127] : memref<5120xf32, #tpu.memory_space<vmem_shared>> -> memref<128xf32, #tpu.memory_space<vmem_shared>>
        tpu.wait_dma2 semaphore(%arg24 : memref<!tpu.dma_semaphore, #tpu.memory_space<semaphore_mem>>) src(%arg8 : memref<128xf32, #tpu.memory_space<hbm>>) dst(%dma_wait3A_128 : memref<128xf32, #tpu.memory_space<vmem_shared>>)
      } else {
      }
      %add3A_120 = arith.constant 1 : i32
      %add3A_121 = arith.addi %scan3A_84, %add3A_120 : i32
      %lt3A_122 = arith.constant 5 : i32
      %lt3A_123 = arith.cmpi slt, %add3A_121, %lt3A_122 : i32
      %convert_element_type3A_124 = arith.extui %lt3A_123 : i1 to i32
      %cond3A_125 = arith.constant 0 : i32
      %cond3A_126 = arith.cmpi ne, %convert_element_type3A_124, %cond3A_125 : i32
      scf.if %cond3A_126 {
        %add3A_127 = arith.constant 1 : i32
        %add3A_128 = arith.addi %scan3A_84, %add3A_127 : i32
        %mul3A_129 = arith.constant 16 : i32
        %mul3A_130 = arith.muli %add3A_128, %mul3A_129 : i32
        %dma_wait3A_131 = arith.constant 0 : i32
        %dma_wait3A_132 = arith.constant 0 : i32
        %dma_wait3A_133 = tpu.memref_slice %arg18[%rem3A_89, %dma_wait3A_131, %dma_wait3A_132] : memref<2x16x128xi32, #tpu.memory_space<vmem>> -> memref<1x16x128xi32, #tpu.memory_space<vmem>>
        %dma_wait3A_134 = tpu.memref_squeeze %dma_wait3A_133 : memref<1x16x128xi32, #tpu.memory_space<vmem>> -> memref<16x128xi32, #tpu.memory_space<vmem>>
        %dma_wait3A_135 = arith.constant 0 : i32
        %dma_wait3A_136 = tpu.memref_slice %arg4[%arg0, %arg1, %mul3A_130, %dma_wait3A_135] : memref<2x16x80x128xi32, #tpu.memory_space<hbm>> -> memref<1x1x16x128xi32, #tpu.memory_space<hbm>>
        %dma_wait3A_137 = tpu.memref_squeeze %dma_wait3A_136 : memref<1x1x16x128xi32, #tpu.memory_space<hbm>> -> memref<16x128xi32, #tpu.memory_space<hbm>>
        %dma_wait3A_138 = arith.constant 0 : i32
        %dma_wait3A_139 = arith.constant 0 : i32
        %dma_wait3A_140 = tpu.memref_slice %arg18[%rem3A_89, %dma_wait3A_138, %dma_wait3A_139] : memref<2x16x128xi32, #tpu.memory_space<vmem>> -> memref<1x16x128xi32, #tpu.memory_space<vmem>>
        %dma_wait3A_141 = tpu.memref_squeeze %dma_wait3A_140 : memref<1x16x128xi32, #tpu.memory_space<vmem>> -> memref<16x128xi32, #tpu.memory_space<vmem>>
        %dma_wait3A_142 = arith.constant 0 : i32
        %dma_wait3A_143 = tpu.memref_slice %arg4[%arg0, %arg1, %mul3A_130, %dma_wait3A_142] : memref<2x16x80x128xi32, #tpu.memory_space<hbm>> -> memref<1x1x16x128xi32, #tpu.memory_space<hbm>>
        %dma_wait3A_144 = tpu.memref_squeeze %dma_wait3A_143 : memref<1x1x16x128xi32, #tpu.memory_space<hbm>> -> memref<16x128xi32, #tpu.memory_space<hbm>>
        tpu.wait_dma2 semaphore(%arg25 : memref<!tpu.dma_semaphore, #tpu.memory_space<semaphore_mem>>) src(%dma_wait3A_144 : memref<16x128xi32, #tpu.memory_space<hbm>>) dst(%dma_wait3A_141 : memref<16x128xi32, #tpu.memory_space<vmem>>)
        %add3A_145 = arith.constant 1 : i32
        %add3A_146 = arith.addi %scan3A_84, %add3A_145 : i32
        %mul3A_147 = arith.constant 16 : i32
        %mul3A_148 = arith.muli %add3A_146, %mul3A_147 : i32
        %dma_wait3A_149 = arith.constant 0 : i32
        %dma_wait3A_150 = arith.constant 0 : i32
        %dma_wait3A_151 = tpu.memref_slice %arg19[%rem3A_89, %dma_wait3A_149, %dma_wait3A_150] : memref<2x16x128xi32, #tpu.memory_space<vmem>> -> memref<1x16x128xi32, #tpu.memory_space<vmem>>
        %dma_wait3A_152 = tpu.memref_squeeze %dma_wait3A_151 : memref<1x16x128xi32, #tpu.memory_space<vmem>> -> memref<16x128xi32, #tpu.memory_space<vmem>>
        %dma_wait3A_153 = arith.constant 0 : i32
        %dma_wait3A_154 = tpu.memref_slice %arg5[%arg1, %mul3A_148, %dma_wait3A_153] : memref<16x80x128xi32, #tpu.memory_space<hbm>> -> memref<1x16x128xi32, #tpu.memory_space<hbm>>
        %dma_wait3A_155 = tpu.memref_squeeze %dma_wait3A_154 : memref<1x16x128xi32, #tpu.memory_space<hbm>> -> memref<16x128xi32, #tpu.memory_space<hbm>>
        %dma_wait3A_156 = arith.constant 0 : i32
        %dma_wait3A_157 = arith.constant 0 : i32
        %dma_wait3A_158 = tpu.memref_slice %arg19[%rem3A_89, %dma_wait3A_156, %dma_wait3A_157] : memref<2x16x128xi32, #tpu.memory_space<vmem>> -> memref<1x16x128xi32, #tpu.memory_space<vmem>>
        %dma_wait3A_159 = tpu.memref_squeeze %dma_wait3A_158 : memref<1x16x128xi32, #tpu.memory_space<vmem>> -> memref<16x128xi32, #tpu.memory_space<vmem>>
        %dma_wait3A_160 = arith.constant 0 : i32
        %dma_wait3A_161 = tpu.memref_slice %arg5[%arg1, %mul3A_148, %dma_wait3A_160] : memref<16x80x128xi32, #tpu.memory_space<hbm>> -> memref<1x16x128xi32, #tpu.memory_space<hbm>>
        %dma_wait3A_162 = tpu.memref_squeeze %dma_wait3A_161 : memref<1x16x128xi32, #tpu.memory_space<hbm>> -> memref<16x128xi32, #tpu.memory_space<hbm>>
        tpu.wait_dma2 semaphore(%arg25 : memref<!tpu.dma_semaphore, #tpu.memory_space<semaphore_mem>>) src(%dma_wait3A_162 : memref<16x128xi32, #tpu.memory_space<hbm>>) dst(%dma_wait3A_159 : memref<16x128xi32, #tpu.memory_space<vmem>>)
      } else {
      }
    }
    %scan3A_44 = arith.constant 5 : i32
    %barrier3A_45 = arith.constant 0 : index
    tpu.barrier barrier_id(%barrier3A_45)
    %add3A_46 = arith.constant 0 : i32
    %add3A_47 = arith.addi %mul3A_0, %add3A_46 : i32
    %run_scoped3A_48 = arith.constant 0 : i32
    "tpu.region"() ({
      %run_scoped3A_84 = tpu.sem_alloc : memref<!tpu.dma_semaphore, #tpu.memory_space<semaphore_mem>>
      %dma_start3A = arith.constant 0 : i32
      %dma_start3A_85 = arith.constant 0 : i32
      %dma_start3A_86 = tpu.memref_slice %arg20[%run_scoped3A_48, %dma_start3A, %dma_start3A_85] : memref<2x128x128xf32, #tpu.memory_space<vmem>> -> memref<1x128x128xf32, #tpu.memory_space<vmem>>
      %dma_start3A_87 = tpu.memref_squeeze %dma_start3A_86 : memref<1x128x128xf32, #tpu.memory_space<vmem>> -> memref<128x128xf32, #tpu.memory_space<vmem>>
      %dma_start3A_88 = arith.constant 0 : i32
      %dma_start3A_89 = tpu.memref_slice %arg14[%add3A_47, %dma_start3A_88] : memref<5120x128xf32, #tpu.memory_space<vmem_shared>> -> memref<128x128xf32, #tpu.memory_space<vmem_shared>>
      %dma_start3A_90 = arith.constant 0 : i32
      %dma_start3A_91 = arith.constant 0 : i32
      %dma_start3A_92 = tpu.memref_slice %arg20[%run_scoped3A_48, %dma_start3A_90, %dma_start3A_91] : memref<2x128x128xf32, #tpu.memory_space<vmem>> -> memref<1x128x128xf32, #tpu.memory_space<vmem>>
      %dma_start3A_93 = tpu.memref_squeeze %dma_start3A_92 : memref<1x128x128xf32, #tpu.memory_space<vmem>> -> memref<128x128xf32, #tpu.memory_space<vmem>>
      %dma_start3A_94 = arith.constant 0 : i32
      %dma_start3A_95 = tpu.memref_slice %arg14[%add3A_47, %dma_start3A_94] : memref<5120x128xf32, #tpu.memory_space<vmem_shared>> -> memref<128x128xf32, #tpu.memory_space<vmem_shared>>
      tpu.enqueue_dma source(%dma_start3A_95 : memref<128x128xf32, #tpu.memory_space<vmem_shared>>) target(%dma_start3A_93 : memref<128x128xf32, #tpu.memory_space<vmem>>) target_semaphore(%run_scoped3A_84 : memref<!tpu.dma_semaphore, #tpu.memory_space<semaphore_mem>>)
      %dma_wait3A = arith.constant 0 : i32
      %dma_wait3A_96 = arith.constant 0 : i32
      %dma_wait3A_97 = tpu.memref_slice %arg20[%run_scoped3A_48, %dma_wait3A, %dma_wait3A_96] : memref<2x128x128xf32, #tpu.memory_space<vmem>> -> memref<1x128x128xf32, #tpu.memory_space<vmem>>
      %dma_wait3A_98 = tpu.memref_squeeze %dma_wait3A_97 : memref<1x128x128xf32, #tpu.memory_space<vmem>> -> memref<128x128xf32, #tpu.memory_space<vmem>>
      %dma_wait3A_99 = arith.constant 0 : i32
      %dma_wait3A_100 = tpu.memref_slice %arg14[%add3A_47, %dma_wait3A_99] : memref<5120x128xf32, #tpu.memory_space<vmem_shared>> -> memref<128x128xf32, #tpu.memory_space<vmem_shared>>
      %dma_wait3A_101 = arith.constant 0 : i32
      %dma_wait3A_102 = arith.constant 0 : i32
      %dma_wait3A_103 = tpu.memref_slice %arg20[%run_scoped3A_48, %dma_wait3A_101, %dma_wait3A_102] : memref<2x128x128xf32, #tpu.memory_space<vmem>> -> memref<1x128x128xf32, #tpu.memory_space<vmem>>
      %dma_wait3A_104 = tpu.memref_squeeze %dma_wait3A_103 : memref<1x128x128xf32, #tpu.memory_space<vmem>> -> memref<128x128xf32, #tpu.memory_space<vmem>>
      %dma_wait3A_105 = arith.constant 0 : i32
      %dma_wait3A_106 = tpu.memref_slice %arg14[%add3A_47, %dma_wait3A_105] : memref<5120x128xf32, #tpu.memory_space<vmem_shared>> -> memref<128x128xf32, #tpu.memory_space<vmem_shared>>
      tpu.wait_dma2 semaphore(%run_scoped3A_84 : memref<!tpu.dma_semaphore, #tpu.memory_space<semaphore_mem>>) src(%dma_wait3A_106 : memref<128x128xf32, #tpu.memory_space<vmem_shared>>) dst(%dma_wait3A_104 : memref<128x128xf32, #tpu.memory_space<vmem>>)
      tpu.yield
    }) : () -> ()
    %add3A_49 = arith.constant 0 : i32
    %add3A_50 = arith.addi %mul3A_0, %add3A_49 : i32
    %run_scoped3A_51 = arith.constant 0 : i32
    "tpu.region"() ({
      %run_scoped3A_84 = tpu.sem_alloc : memref<!tpu.dma_semaphore, #tpu.memory_space<semaphore_mem>>
      %dma_start3A = arith.constant 0 : i32
      %dma_start3A_85 = arith.constant 0 : i32
      %dma_start3A_86 = tpu.memref_slice %arg20[%run_scoped3A_51, %dma_start3A, %dma_start3A_85] : memref<2x128x128xf32, #tpu.memory_space<vmem>> -> memref<1x128x128xf32, #tpu.memory_space<vmem>>
      %dma_start3A_87 = tpu.memref_squeeze %dma_start3A_86 : memref<1x128x128xf32, #tpu.memory_space<vmem>> -> memref<128x128xf32, #tpu.memory_space<vmem>>
      %dma_start3A_88 = arith.constant 0 : i32
      %dma_start3A_89 = tpu.memref_slice %arg10[%arg0, %add3A_50, %dma_start3A_88] : memref<2x5120x128xf32, #tpu.memory_space<hbm>> -> memref<1x128x128xf32, #tpu.memory_space<hbm>>
      %dma_start3A_90 = tpu.memref_squeeze %dma_start3A_89 : memref<1x128x128xf32, #tpu.memory_space<hbm>> -> memref<128x128xf32, #tpu.memory_space<hbm>>
      %dma_start3A_91 = arith.constant 0 : i32
      %dma_start3A_92 = tpu.memref_slice %arg10[%arg0, %add3A_50, %dma_start3A_91] : memref<2x5120x128xf32, #tpu.memory_space<hbm>> -> memref<1x128x128xf32, #tpu.memory_space<hbm>>
      %dma_start3A_93 = tpu.memref_squeeze %dma_start3A_92 : memref<1x128x128xf32, #tpu.memory_space<hbm>> -> memref<128x128xf32, #tpu.memory_space<hbm>>
      %dma_start3A_94 = arith.constant 0 : i32
      %dma_start3A_95 = arith.constant 0 : i32
      %dma_start3A_96 = tpu.memref_slice %arg20[%run_scoped3A_51, %dma_start3A_94, %dma_start3A_95] : memref<2x128x128xf32, #tpu.memory_space<vmem>> -> memref<1x128x128xf32, #tpu.memory_space<vmem>>
      %dma_start3A_97 = tpu.memref_squeeze %dma_start3A_96 : memref<1x128x128xf32, #tpu.memory_space<vmem>> -> memref<128x128xf32, #tpu.memory_space<vmem>>
      tpu.enqueue_dma source(%dma_start3A_97 : memref<128x128xf32, #tpu.memory_space<vmem>>) target(%dma_start3A_93 : memref<128x128xf32, #tpu.memory_space<hbm>>) target_semaphore(%run_scoped3A_84 : memref<!tpu.dma_semaphore, #tpu.memory_space<semaphore_mem>>)
      %dma_wait3A = arith.constant 0 : i32
      %dma_wait3A_98 = arith.constant 0 : i32
      %dma_wait3A_99 = tpu.memref_slice %arg20[%run_scoped3A_51, %dma_wait3A, %dma_wait3A_98] : memref<2x128x128xf32, #tpu.memory_space<vmem>> -> memref<1x128x128xf32, #tpu.memory_space<vmem>>
      %dma_wait3A_100 = tpu.memref_squeeze %dma_wait3A_99 : memref<1x128x128xf32, #tpu.memory_space<vmem>> -> memref<128x128xf32, #tpu.memory_space<vmem>>
      %dma_wait3A_101 = arith.constant 0 : i32
      %dma_wait3A_102 = tpu.memref_slice %arg10[%arg0, %add3A_50, %dma_wait3A_101] : memref<2x5120x128xf32, #tpu.memory_space<hbm>> -> memref<1x128x128xf32, #tpu.memory_space<hbm>>
      %dma_wait3A_103 = tpu.memref_squeeze %dma_wait3A_102 : memref<1x128x128xf32, #tpu.memory_space<hbm>> -> memref<128x128xf32, #tpu.memory_space<hbm>>
      %dma_wait3A_104 = arith.constant 0 : i32
      %dma_wait3A_105 = tpu.memref_slice %arg10[%arg0, %add3A_50, %dma_wait3A_104] : memref<2x5120x128xf32, #tpu.memory_space<hbm>> -> memref<1x128x128xf32, #tpu.memory_space<hbm>>
      %dma_wait3A_106 = tpu.memref_squeeze %dma_wait3A_105 : memref<1x128x128xf32, #tpu.memory_space<hbm>> -> memref<128x128xf32, #tpu.memory_space<hbm>>
      %dma_wait3A_107 = arith.constant 0 : i32
      %dma_wait3A_108 = arith.constant 0 : i32
      %dma_wait3A_109 = tpu.memref_slice %arg20[%run_scoped3A_51, %dma_wait3A_107, %dma_wait3A_108] : memref<2x128x128xf32, #tpu.memory_space<vmem>> -> memref<1x128x128xf32, #tpu.memory_space<vmem>>
      %dma_wait3A_110 = tpu.memref_squeeze %dma_wait3A_109 : memref<1x128x128xf32, #tpu.memory_space<vmem>> -> memref<128x128xf32, #tpu.memory_space<vmem>>
      tpu.wait_dma2 semaphore(%run_scoped3A_84 : memref<!tpu.dma_semaphore, #tpu.memory_space<semaphore_mem>>) src(%dma_wait3A_110 : memref<128x128xf32, #tpu.memory_space<vmem>>) dst(%dma_wait3A_106 : memref<128x128xf32, #tpu.memory_space<hbm>>)
      tpu.yield
    }) : () -> ()
    %add3A_52 = arith.constant 128 : i32
    %add3A_53 = arith.addi %mul3A_0, %add3A_52 : i32
    %run_scoped3A_54 = arith.constant 0 : i32
    "tpu.region"() ({
      %run_scoped3A_84 = tpu.sem_alloc : memref<!tpu.dma_semaphore, #tpu.memory_space<semaphore_mem>>
      %dma_start3A = arith.constant 0 : i32
      %dma_start3A_85 = arith.constant 0 : i32
      %dma_start3A_86 = tpu.memref_slice %arg20[%run_scoped3A_54, %dma_start3A, %dma_start3A_85] : memref<2x128x128xf32, #tpu.memory_space<vmem>> -> memref<1x128x128xf32, #tpu.memory_space<vmem>>
      %dma_start3A_87 = tpu.memref_squeeze %dma_start3A_86 : memref<1x128x128xf32, #tpu.memory_space<vmem>> -> memref<128x128xf32, #tpu.memory_space<vmem>>
      %dma_start3A_88 = arith.constant 0 : i32
      %dma_start3A_89 = tpu.memref_slice %arg14[%add3A_53, %dma_start3A_88] : memref<5120x128xf32, #tpu.memory_space<vmem_shared>> -> memref<128x128xf32, #tpu.memory_space<vmem_shared>>
      %dma_start3A_90 = arith.constant 0 : i32
      %dma_start3A_91 = arith.constant 0 : i32
      %dma_start3A_92 = tpu.memref_slice %arg20[%run_scoped3A_54, %dma_start3A_90, %dma_start3A_91] : memref<2x128x128xf32, #tpu.memory_space<vmem>> -> memref<1x128x128xf32, #tpu.memory_space<vmem>>
      %dma_start3A_93 = tpu.memref_squeeze %dma_start3A_92 : memref<1x128x128xf32, #tpu.memory_space<vmem>> -> memref<128x128xf32, #tpu.memory_space<vmem>>
      %dma_start3A_94 = arith.constant 0 : i32
      %dma_start3A_95 = tpu.memref_slice %arg14[%add3A_53, %dma_start3A_94] : memref<5120x128xf32, #tpu.memory_space<vmem_shared>> -> memref<128x128xf32, #tpu.memory_space<vmem_shared>>
      tpu.enqueue_dma source(%dma_start3A_95 : memref<128x128xf32, #tpu.memory_space<vmem_shared>>) target(%dma_start3A_93 : memref<128x128xf32, #tpu.memory_space<vmem>>) target_semaphore(%run_scoped3A_84 : memref<!tpu.dma_semaphore, #tpu.memory_space<semaphore_mem>>)
      %dma_wait3A = arith.constant 0 : i32
      %dma_wait3A_96 = arith.constant 0 : i32
      %dma_wait3A_97 = tpu.memref_slice %arg20[%run_scoped3A_54, %dma_wait3A, %dma_wait3A_96] : memref<2x128x128xf32, #tpu.memory_space<vmem>> -> memref<1x128x128xf32, #tpu.memory_space<vmem>>
      %dma_wait3A_98 = tpu.memref_squeeze %dma_wait3A_97 : memref<1x128x128xf32, #tpu.memory_space<vmem>> -> memref<128x128xf32, #tpu.memory_space<vmem>>
      %dma_wait3A_99 = arith.constant 0 : i32
      %dma_wait3A_100 = tpu.memref_slice %arg14[%add3A_53, %dma_wait3A_99] : memref<5120x128xf32, #tpu.memory_space<vmem_shared>> -> memref<128x128xf32, #tpu.memory_space<vmem_shared>>
      %dma_wait3A_101 = arith.constant 0 : i32
      %dma_wait3A_102 = arith.constant 0 : i32
      %dma_wait3A_103 = tpu.memref_slice %arg20[%run_scoped3A_54, %dma_wait3A_101, %dma_wait3A_102] : memref<2x128x128xf32, #tpu.memory_space<vmem>> -> memref<1x128x128xf32, #tpu.memory_space<vmem>>
      %dma_wait3A_104 = tpu.memref_squeeze %dma_wait3A_103 : memref<1x128x128xf32, #tpu.memory_space<vmem>> -> memref<128x128xf32, #tpu.memory_space<vmem>>
      %dma_wait3A_105 = arith.constant 0 : i32
      %dma_wait3A_106 = tpu.memref_slice %arg14[%add3A_53, %dma_wait3A_105] : memref<5120x128xf32, #tpu.memory_space<vmem_shared>> -> memref<128x128xf32, #tpu.memory_space<vmem_shared>>
      tpu.wait_dma2 semaphore(%run_scoped3A_84 : memref<!tpu.dma_semaphore, #tpu.memory_space<semaphore_mem>>) src(%dma_wait3A_106 : memref<128x128xf32, #tpu.memory_space<vmem_shared>>) dst(%dma_wait3A_104 : memref<128x128xf32, #tpu.memory_space<vmem>>)
      tpu.yield
    }) : () -> ()
    %add3A_55 = arith.constant 128 : i32
    %add3A_56 = arith.addi %mul3A_0, %add3A_55 : i32
    %run_scoped3A_57 = arith.constant 0 : i32
    "tpu.region"() ({
      %run_scoped3A_84 = tpu.sem_alloc : memref<!tpu.dma_semaphore, #tpu.memory_space<semaphore_mem>>
      %dma_start3A = arith.constant 0 : i32
      %dma_start3A_85 = arith.constant 0 : i32
      %dma_start3A_86 = tpu.memref_slice %arg20[%run_scoped3A_57, %dma_start3A, %dma_start3A_85] : memref<2x128x128xf32, #tpu.memory_space<vmem>> -> memref<1x128x128xf32, #tpu.memory_space<vmem>>
      %dma_start3A_87 = tpu.memref_squeeze %dma_start3A_86 : memref<1x128x128xf32, #tpu.memory_space<vmem>> -> memref<128x128xf32, #tpu.memory_space<vmem>>
      %dma_start3A_88 = arith.constant 0 : i32
      %dma_start3A_89 = tpu.memref_slice %arg10[%arg0, %add3A_56, %dma_start3A_88] : memref<2x5120x128xf32, #tpu.memory_space<hbm>> -> memref<1x128x128xf32, #tpu.memory_space<hbm>>
      %dma_start3A_90 = tpu.memref_squeeze %dma_start3A_89 : memref<1x128x128xf32, #tpu.memory_space<hbm>> -> memref<128x128xf32, #tpu.memory_space<hbm>>
      %dma_start3A_91 = arith.constant 0 : i32
      %dma_start3A_92 = tpu.memref_slice %arg10[%arg0, %add3A_56, %dma_start3A_91] : memref<2x5120x128xf32, #tpu.memory_space<hbm>> -> memref<1x128x128xf32, #tpu.memory_space<hbm>>
      %dma_start3A_93 = tpu.memref_squeeze %dma_start3A_92 : memref<1x128x128xf32, #tpu.memory_space<hbm>> -> memref<128x128xf32, #tpu.memory_space<hbm>>
      %dma_start3A_94 = arith.constant 0 : i32
      %dma_start3A_95 = arith.constant 0 : i32
      %dma_start3A_96 = tpu.memref_slice %arg20[%run_scoped3A_57, %dma_start3A_94, %dma_start3A_95] : memref<2x128x128xf32, #tpu.memory_space<vmem>> -> memref<1x128x128xf32, #tpu.memory_space<vmem>>
      %dma_start3A_97 = tpu.memref_squeeze %dma_start3A_96 : memref<1x128x128xf32, #tpu.memory_space<vmem>> -> memref<128x128xf32, #tpu.memory_space<vmem>>
      tpu.enqueue_dma source(%dma_start3A_97 : memref<128x128xf32, #tpu.memory_space<vmem>>) target(%dma_start3A_93 : memref<128x128xf32, #tpu.memory_space<hbm>>) target_semaphore(%run_scoped3A_84 : memref<!tpu.dma_semaphore, #tpu.memory_space<semaphore_mem>>)
      %dma_wait3A = arith.constant 0 : i32
      %dma_wait3A_98 = arith.constant 0 : i32
      %dma_wait3A_99 = tpu.memref_slice %arg20[%run_scoped3A_57, %dma_wait3A, %dma_wait3A_98] : memref<2x128x128xf32, #tpu.memory_space<vmem>> -> memref<1x128x128xf32, #tpu.memory_space<vmem>>
      %dma_wait3A_100 = tpu.memref_squeeze %dma_wait3A_99 : memref<1x128x128xf32, #tpu.memory_space<vmem>> -> memref<128x128xf32, #tpu.memory_space<vmem>>
      %dma_wait3A_101 = arith.constant 0 : i32
      %dma_wait3A_102 = tpu.memref_slice %arg10[%arg0, %add3A_56, %dma_wait3A_101] : memref<2x5120x128xf32, #tpu.memory_space<hbm>> -> memref<1x128x128xf32, #tpu.memory_space<hbm>>
      %dma_wait3A_103 = tpu.memref_squeeze %dma_wait3A_102 : memref<1x128x128xf32, #tpu.memory_space<hbm>> -> memref<128x128xf32, #tpu.memory_space<hbm>>
      %dma_wait3A_104 = arith.constant 0 : i32
      %dma_wait3A_105 = tpu.memref_slice %arg10[%arg0, %add3A_56, %dma_wait3A_104] : memref<2x5120x128xf32, #tpu.memory_space<hbm>> -> memref<1x128x128xf32, #tpu.memory_space<hbm>>
      %dma_wait3A_106 = tpu.memref_squeeze %dma_wait3A_105 : memref<1x128x128xf32, #tpu.memory_space<hbm>> -> memref<128x128xf32, #tpu.memory_space<hbm>>
      %dma_wait3A_107 = arith.constant 0 : i32
      %dma_wait3A_108 = arith.constant 0 : i32
      %dma_wait3A_109 = tpu.memref_slice %arg20[%run_scoped3A_57, %dma_wait3A_107, %dma_wait3A_108] : memref<2x128x128xf32, #tpu.memory_space<vmem>> -> memref<1x128x128xf32, #tpu.memory_space<vmem>>
      %dma_wait3A_110 = tpu.memref_squeeze %dma_wait3A_109 : memref<1x128x128xf32, #tpu.memory_space<vmem>> -> memref<128x128xf32, #tpu.memory_space<vmem>>
      tpu.wait_dma2 semaphore(%run_scoped3A_84 : memref<!tpu.dma_semaphore, #tpu.memory_space<semaphore_mem>>) src(%dma_wait3A_110 : memref<128x128xf32, #tpu.memory_space<vmem>>) dst(%dma_wait3A_106 : memref<128x128xf32, #tpu.memory_space<hbm>>)
      tpu.yield
    }) : () -> ()
    %add3A_58 = arith.constant 256 : i32
    %add3A_59 = arith.addi %mul3A_0, %add3A_58 : i32
    %run_scoped3A_60 = arith.constant 0 : i32
    "tpu.region"() ({
      %run_scoped3A_84 = tpu.sem_alloc : memref<!tpu.dma_semaphore, #tpu.memory_space<semaphore_mem>>
      %dma_start3A = arith.constant 0 : i32
      %dma_start3A_85 = arith.constant 0 : i32
      %dma_start3A_86 = tpu.memref_slice %arg20[%run_scoped3A_60, %dma_start3A, %dma_start3A_85] : memref<2x128x128xf32, #tpu.memory_space<vmem>> -> memref<1x64x128xf32, #tpu.memory_space<vmem>>
      %dma_start3A_87 = tpu.memref_squeeze %dma_start3A_86 : memref<1x64x128xf32, #tpu.memory_space<vmem>> -> memref<64x128xf32, #tpu.memory_space<vmem>>
      %dma_start3A_88 = arith.constant 0 : i32
      %dma_start3A_89 = tpu.memref_slice %arg14[%add3A_59, %dma_start3A_88] : memref<5120x128xf32, #tpu.memory_space<vmem_shared>> -> memref<64x128xf32, #tpu.memory_space<vmem_shared>>
      %dma_start3A_90 = arith.constant 0 : i32
      %dma_start3A_91 = arith.constant 0 : i32
      %dma_start3A_92 = tpu.memref_slice %arg20[%run_scoped3A_60, %dma_start3A_90, %dma_start3A_91] : memref<2x128x128xf32, #tpu.memory_space<vmem>> -> memref<1x64x128xf32, #tpu.memory_space<vmem>>
      %dma_start3A_93 = tpu.memref_squeeze %dma_start3A_92 : memref<1x64x128xf32, #tpu.memory_space<vmem>> -> memref<64x128xf32, #tpu.memory_space<vmem>>
      %dma_start3A_94 = arith.constant 0 : i32
      %dma_start3A_95 = tpu.memref_slice %arg14[%add3A_59, %dma_start3A_94] : memref<5120x128xf32, #tpu.memory_space<vmem_shared>> -> memref<64x128xf32, #tpu.memory_space<vmem_shared>>
      tpu.enqueue_dma source(%dma_start3A_95 : memref<64x128xf32, #tpu.memory_space<vmem_shared>>) target(%dma_start3A_93 : memref<64x128xf32, #tpu.memory_space<vmem>>) target_semaphore(%run_scoped3A_84 : memref<!tpu.dma_semaphore, #tpu.memory_space<semaphore_mem>>)
      %dma_wait3A = arith.constant 0 : i32
      %dma_wait3A_96 = arith.constant 0 : i32
      %dma_wait3A_97 = tpu.memref_slice %arg20[%run_scoped3A_60, %dma_wait3A, %dma_wait3A_96] : memref<2x128x128xf32, #tpu.memory_space<vmem>> -> memref<1x64x128xf32, #tpu.memory_space<vmem>>
      %dma_wait3A_98 = tpu.memref_squeeze %dma_wait3A_97 : memref<1x64x128xf32, #tpu.memory_space<vmem>> -> memref<64x128xf32, #tpu.memory_space<vmem>>
      %dma_wait3A_99 = arith.constant 0 : i32
      %dma_wait3A_100 = tpu.memref_slice %arg14[%add3A_59, %dma_wait3A_99] : memref<5120x128xf32, #tpu.memory_space<vmem_shared>> -> memref<64x128xf32, #tpu.memory_space<vmem_shared>>
      %dma_wait3A_101 = arith.constant 0 : i32
      %dma_wait3A_102 = arith.constant 0 : i32
      %dma_wait3A_103 = tpu.memref_slice %arg20[%run_scoped3A_60, %dma_wait3A_101, %dma_wait3A_102] : memref<2x128x128xf32, #tpu.memory_space<vmem>> -> memref<1x64x128xf32, #tpu.memory_space<vmem>>
      %dma_wait3A_104 = tpu.memref_squeeze %dma_wait3A_103 : memref<1x64x128xf32, #tpu.memory_space<vmem>> -> memref<64x128xf32, #tpu.memory_space<vmem>>
      %dma_wait3A_105 = arith.constant 0 : i32
      %dma_wait3A_106 = tpu.memref_slice %arg14[%add3A_59, %dma_wait3A_105] : memref<5120x128xf32, #tpu.memory_space<vmem_shared>> -> memref<64x128xf32, #tpu.memory_space<vmem_shared>>
      tpu.wait_dma2 semaphore(%run_scoped3A_84 : memref<!tpu.dma_semaphore, #tpu.memory_space<semaphore_mem>>) src(%dma_wait3A_106 : memref<64x128xf32, #tpu.memory_space<vmem_shared>>) dst(%dma_wait3A_104 : memref<64x128xf32, #tpu.memory_space<vmem>>)
      tpu.yield
    }) : () -> ()
    %add3A_61 = arith.constant 256 : i32
    %add3A_62 = arith.addi %mul3A_0, %add3A_61 : i32
    %run_scoped3A_63 = arith.constant 0 : i32
    "tpu.region"() ({
      %run_scoped3A_84 = tpu.sem_alloc : memref<!tpu.dma_semaphore, #tpu.memory_space<semaphore_mem>>
      %dma_start3A = arith.constant 0 : i32
      %dma_start3A_85 = arith.constant 0 : i32
      %dma_start3A_86 = tpu.memref_slice %arg20[%run_scoped3A_63, %dma_start3A, %dma_start3A_85] : memref<2x128x128xf32, #tpu.memory_space<vmem>> -> memref<1x64x128xf32, #tpu.memory_space<vmem>>
      %dma_start3A_87 = tpu.memref_squeeze %dma_start3A_86 : memref<1x64x128xf32, #tpu.memory_space<vmem>> -> memref<64x128xf32, #tpu.memory_space<vmem>>
      %dma_start3A_88 = arith.constant 0 : i32
      %dma_start3A_89 = tpu.memref_slice %arg10[%arg0, %add3A_62, %dma_start3A_88] : memref<2x5120x128xf32, #tpu.memory_space<hbm>> -> memref<1x64x128xf32, #tpu.memory_space<hbm>>
      %dma_start3A_90 = tpu.memref_squeeze %dma_start3A_89 : memref<1x64x128xf32, #tpu.memory_space<hbm>> -> memref<64x128xf32, #tpu.memory_space<hbm>>
      %dma_start3A_91 = arith.constant 0 : i32
      %dma_start3A_92 = tpu.memref_slice %arg10[%arg0, %add3A_62, %dma_start3A_91] : memref<2x5120x128xf32, #tpu.memory_space<hbm>> -> memref<1x64x128xf32, #tpu.memory_space<hbm>>
      %dma_start3A_93 = tpu.memref_squeeze %dma_start3A_92 : memref<1x64x128xf32, #tpu.memory_space<hbm>> -> memref<64x128xf32, #tpu.memory_space<hbm>>
      %dma_start3A_94 = arith.constant 0 : i32
      %dma_start3A_95 = arith.constant 0 : i32
      %dma_start3A_96 = tpu.memref_slice %arg20[%run_scoped3A_63, %dma_start3A_94, %dma_start3A_95] : memref<2x128x128xf32, #tpu.memory_space<vmem>> -> memref<1x64x128xf32, #tpu.memory_space<vmem>>
      %dma_start3A_97 = tpu.memref_squeeze %dma_start3A_96 : memref<1x64x128xf32, #tpu.memory_space<vmem>> -> memref<64x128xf32, #tpu.memory_space<vmem>>
      tpu.enqueue_dma source(%dma_start3A_97 : memref<64x128xf32, #tpu.memory_space<vmem>>) target(%dma_start3A_93 : memref<64x128xf32, #tpu.memory_space<hbm>>) target_semaphore(%run_scoped3A_84 : memref<!tpu.dma_semaphore, #tpu.memory_space<semaphore_mem>>)
      %dma_wait3A = arith.constant 0 : i32
      %dma_wait3A_98 = arith.constant 0 : i32
      %dma_wait3A_99 = tpu.memref_slice %arg20[%run_scoped3A_63, %dma_wait3A, %dma_wait3A_98] : memref<2x128x128xf32, #tpu.memory_space<vmem>> -> memref<1x64x128xf32, #tpu.memory_space<vmem>>
      %dma_wait3A_100 = tpu.memref_squeeze %dma_wait3A_99 : memref<1x64x128xf32, #tpu.memory_space<vmem>> -> memref<64x128xf32, #tpu.memory_space<vmem>>
      %dma_wait3A_101 = arith.constant 0 : i32
      %dma_wait3A_102 = tpu.memref_slice %arg10[%arg0, %add3A_62, %dma_wait3A_101] : memref<2x5120x128xf32, #tpu.memory_space<hbm>> -> memref<1x64x128xf32, #tpu.memory_space<hbm>>
      %dma_wait3A_103 = tpu.memref_squeeze %dma_wait3A_102 : memref<1x64x128xf32, #tpu.memory_space<hbm>> -> memref<64x128xf32, #tpu.memory_space<hbm>>
      %dma_wait3A_104 = arith.constant 0 : i32
      %dma_wait3A_105 = tpu.memref_slice %arg10[%arg0, %add3A_62, %dma_wait3A_104] : memref<2x5120x128xf32, #tpu.memory_space<hbm>> -> memref<1x64x128xf32, #tpu.memory_space<hbm>>
      %dma_wait3A_106 = tpu.memref_squeeze %dma_wait3A_105 : memref<1x64x128xf32, #tpu.memory_space<hbm>> -> memref<64x128xf32, #tpu.memory_space<hbm>>
      %dma_wait3A_107 = arith.constant 0 : i32
      %dma_wait3A_108 = arith.constant 0 : i32
      %dma_wait3A_109 = tpu.memref_slice %arg20[%run_scoped3A_63, %dma_wait3A_107, %dma_wait3A_108] : memref<2x128x128xf32, #tpu.memory_space<vmem>> -> memref<1x64x128xf32, #tpu.memory_space<vmem>>
      %dma_wait3A_110 = tpu.memref_squeeze %dma_wait3A_109 : memref<1x64x128xf32, #tpu.memory_space<vmem>> -> memref<64x128xf32, #tpu.memory_space<vmem>>
      tpu.wait_dma2 semaphore(%run_scoped3A_84 : memref<!tpu.dma_semaphore, #tpu.memory_space<semaphore_mem>>) src(%dma_wait3A_110 : memref<64x128xf32, #tpu.memory_space<vmem>>) dst(%dma_wait3A_106 : memref<64x128xf32, #tpu.memory_space<hbm>>)
      tpu.yield
    }) : () -> ()
    %add3A_64 = arith.constant 0 : i32
    %add3A_65 = arith.addi %mul3A_0, %add3A_64 : i32
    %run_scoped3A_66 = arith.constant 0 : i32
    "tpu.region"() ({
      %run_scoped3A_84 = tpu.sem_alloc : memref<!tpu.dma_semaphore, #tpu.memory_space<semaphore_mem>>
      %dma_start3A = arith.constant 0 : i32
      %dma_start3A_85 = arith.constant 0 : i32
      %dma_start3A_86 = tpu.memref_slice %arg20[%run_scoped3A_66, %dma_start3A, %dma_start3A_85] : memref<2x128x128xf32, #tpu.memory_space<vmem>> -> memref<1x128x128xf32, #tpu.memory_space<vmem>>
      %dma_start3A_87 = tpu.memref_squeeze %dma_start3A_86 : memref<1x128x128xf32, #tpu.memory_space<vmem>> -> memref<128x128xf32, #tpu.memory_space<vmem>>
      %dma_start3A_88 = arith.constant 0 : i32
      %dma_start3A_89 = tpu.memref_slice %arg15[%add3A_65, %dma_start3A_88] : memref<5120x128xf32, #tpu.memory_space<vmem_shared>> -> memref<128x128xf32, #tpu.memory_space<vmem_shared>>
      %dma_start3A_90 = arith.constant 0 : i32
      %dma_start3A_91 = arith.constant 0 : i32
      %dma_start3A_92 = tpu.memref_slice %arg20[%run_scoped3A_66, %dma_start3A_90, %dma_start3A_91] : memref<2x128x128xf32, #tpu.memory_space<vmem>> -> memref<1x128x128xf32, #tpu.memory_space<vmem>>
      %dma_start3A_93 = tpu.memref_squeeze %dma_start3A_92 : memref<1x128x128xf32, #tpu.memory_space<vmem>> -> memref<128x128xf32, #tpu.memory_space<vmem>>
      %dma_start3A_94 = arith.constant 0 : i32
      %dma_start3A_95 = tpu.memref_slice %arg15[%add3A_65, %dma_start3A_94] : memref<5120x128xf32, #tpu.memory_space<vmem_shared>> -> memref<128x128xf32, #tpu.memory_space<vmem_shared>>
      tpu.enqueue_dma source(%dma_start3A_95 : memref<128x128xf32, #tpu.memory_space<vmem_shared>>) target(%dma_start3A_93 : memref<128x128xf32, #tpu.memory_space<vmem>>) target_semaphore(%run_scoped3A_84 : memref<!tpu.dma_semaphore, #tpu.memory_space<semaphore_mem>>)
      %dma_wait3A = arith.constant 0 : i32
      %dma_wait3A_96 = arith.constant 0 : i32
      %dma_wait3A_97 = tpu.memref_slice %arg20[%run_scoped3A_66, %dma_wait3A, %dma_wait3A_96] : memref<2x128x128xf32, #tpu.memory_space<vmem>> -> memref<1x128x128xf32, #tpu.memory_space<vmem>>
      %dma_wait3A_98 = tpu.memref_squeeze %dma_wait3A_97 : memref<1x128x128xf32, #tpu.memory_space<vmem>> -> memref<128x128xf32, #tpu.memory_space<vmem>>
      %dma_wait3A_99 = arith.constant 0 : i32
      %dma_wait3A_100 = tpu.memref_slice %arg15[%add3A_65, %dma_wait3A_99] : memref<5120x128xf32, #tpu.memory_space<vmem_shared>> -> memref<128x128xf32, #tpu.memory_space<vmem_shared>>
      %dma_wait3A_101 = arith.constant 0 : i32
      %dma_wait3A_102 = arith.constant 0 : i32
      %dma_wait3A_103 = tpu.memref_slice %arg20[%run_scoped3A_66, %dma_wait3A_101, %dma_wait3A_102] : memref<2x128x128xf32, #tpu.memory_space<vmem>> -> memref<1x128x128xf32, #tpu.memory_space<vmem>>
      %dma_wait3A_104 = tpu.memref_squeeze %dma_wait3A_103 : memref<1x128x128xf32, #tpu.memory_space<vmem>> -> memref<128x128xf32, #tpu.memory_space<vmem>>
      %dma_wait3A_105 = arith.constant 0 : i32
      %dma_wait3A_106 = tpu.memref_slice %arg15[%add3A_65, %dma_wait3A_105] : memref<5120x128xf32, #tpu.memory_space<vmem_shared>> -> memref<128x128xf32, #tpu.memory_space<vmem_shared>>
      tpu.wait_dma2 semaphore(%run_scoped3A_84 : memref<!tpu.dma_semaphore, #tpu.memory_space<semaphore_mem>>) src(%dma_wait3A_106 : memref<128x128xf32, #tpu.memory_space<vmem_shared>>) dst(%dma_wait3A_104 : memref<128x128xf32, #tpu.memory_space<vmem>>)
      tpu.yield
    }) : () -> ()
    %add3A_67 = arith.constant 0 : i32
    %add3A_68 = arith.addi %mul3A_0, %add3A_67 : i32
    %run_scoped3A_69 = arith.constant 0 : i32
    "tpu.region"() ({
      %run_scoped3A_84 = tpu.sem_alloc : memref<!tpu.dma_semaphore, #tpu.memory_space<semaphore_mem>>
      %dma_start3A = arith.constant 0 : i32
      %dma_start3A_85 = arith.constant 0 : i32
      %dma_start3A_86 = tpu.memref_slice %arg20[%run_scoped3A_69, %dma_start3A, %dma_start3A_85] : memref<2x128x128xf32, #tpu.memory_space<vmem>> -> memref<1x128x128xf32, #tpu.memory_space<vmem>>
      %dma_start3A_87 = tpu.memref_squeeze %dma_start3A_86 : memref<1x128x128xf32, #tpu.memory_space<vmem>> -> memref<128x128xf32, #tpu.memory_space<vmem>>
      %dma_start3A_88 = arith.constant 0 : i32
      %dma_start3A_89 = tpu.memref_slice %arg11[%arg0, %add3A_68, %dma_start3A_88] : memref<2x5120x128xf32, #tpu.memory_space<hbm>> -> memref<1x128x128xf32, #tpu.memory_space<hbm>>
      %dma_start3A_90 = tpu.memref_squeeze %dma_start3A_89 : memref<1x128x128xf32, #tpu.memory_space<hbm>> -> memref<128x128xf32, #tpu.memory_space<hbm>>
      %dma_start3A_91 = arith.constant 0 : i32
      %dma_start3A_92 = tpu.memref_slice %arg11[%arg0, %add3A_68, %dma_start3A_91] : memref<2x5120x128xf32, #tpu.memory_space<hbm>> -> memref<1x128x128xf32, #tpu.memory_space<hbm>>
      %dma_start3A_93 = tpu.memref_squeeze %dma_start3A_92 : memref<1x128x128xf32, #tpu.memory_space<hbm>> -> memref<128x128xf32, #tpu.memory_space<hbm>>
      %dma_start3A_94 = arith.constant 0 : i32
      %dma_start3A_95 = arith.constant 0 : i32
      %dma_start3A_96 = tpu.memref_slice %arg20[%run_scoped3A_69, %dma_start3A_94, %dma_start3A_95] : memref<2x128x128xf32, #tpu.memory_space<vmem>> -> memref<1x128x128xf32, #tpu.memory_space<vmem>>
      %dma_start3A_97 = tpu.memref_squeeze %dma_start3A_96 : memref<1x128x128xf32, #tpu.memory_space<vmem>> -> memref<128x128xf32, #tpu.memory_space<vmem>>
      tpu.enqueue_dma source(%dma_start3A_97 : memref<128x128xf32, #tpu.memory_space<vmem>>) target(%dma_start3A_93 : memref<128x128xf32, #tpu.memory_space<hbm>>) target_semaphore(%run_scoped3A_84 : memref<!tpu.dma_semaphore, #tpu.memory_space<semaphore_mem>>)
      %dma_wait3A = arith.constant 0 : i32
      %dma_wait3A_98 = arith.constant 0 : i32
      %dma_wait3A_99 = tpu.memref_slice %arg20[%run_scoped3A_69, %dma_wait3A, %dma_wait3A_98] : memref<2x128x128xf32, #tpu.memory_space<vmem>> -> memref<1x128x128xf32, #tpu.memory_space<vmem>>
      %dma_wait3A_100 = tpu.memref_squeeze %dma_wait3A_99 : memref<1x128x128xf32, #tpu.memory_space<vmem>> -> memref<128x128xf32, #tpu.memory_space<vmem>>
      %dma_wait3A_101 = arith.constant 0 : i32
      %dma_wait3A_102 = tpu.memref_slice %arg11[%arg0, %add3A_68, %dma_wait3A_101] : memref<2x5120x128xf32, #tpu.memory_space<hbm>> -> memref<1x128x128xf32, #tpu.memory_space<hbm>>
      %dma_wait3A_103 = tpu.memref_squeeze %dma_wait3A_102 : memref<1x128x128xf32, #tpu.memory_space<hbm>> -> memref<128x128xf32, #tpu.memory_space<hbm>>
      %dma_wait3A_104 = arith.constant 0 : i32
      %dma_wait3A_105 = tpu.memref_slice %arg11[%arg0, %add3A_68, %dma_wait3A_104] : memref<2x5120x128xf32, #tpu.memory_space<hbm>> -> memref<1x128x128xf32, #tpu.memory_space<hbm>>
      %dma_wait3A_106 = tpu.memref_squeeze %dma_wait3A_105 : memref<1x128x128xf32, #tpu.memory_space<hbm>> -> memref<128x128xf32, #tpu.memory_space<hbm>>
      %dma_wait3A_107 = arith.constant 0 : i32
      %dma_wait3A_108 = arith.constant 0 : i32
      %dma_wait3A_109 = tpu.memref_slice %arg20[%run_scoped3A_69, %dma_wait3A_107, %dma_wait3A_108] : memref<2x128x128xf32, #tpu.memory_space<vmem>> -> memref<1x128x128xf32, #tpu.memory_space<vmem>>
      %dma_wait3A_110 = tpu.memref_squeeze %dma_wait3A_109 : memref<1x128x128xf32, #tpu.memory_space<vmem>> -> memref<128x128xf32, #tpu.memory_space<vmem>>
      tpu.wait_dma2 semaphore(%run_scoped3A_84 : memref<!tpu.dma_semaphore, #tpu.memory_space<semaphore_mem>>) src(%dma_wait3A_110 : memref<128x128xf32, #tpu.memory_space<vmem>>) dst(%dma_wait3A_106 : memref<128x128xf32, #tpu.memory_space<hbm>>)
      tpu.yield
    }) : () -> ()
    %add3A_70 = arith.constant 128 : i32
    %add3A_71 = arith.addi %mul3A_0, %add3A_70 : i32
    %run_scoped3A_72 = arith.constant 0 : i32
    "tpu.region"() ({
      %run_scoped3A_84 = tpu.sem_alloc : memref<!tpu.dma_semaphore, #tpu.memory_space<semaphore_mem>>
      %dma_start3A = arith.constant 0 : i32
      %dma_start3A_85 = arith.constant 0 : i32
      %dma_start3A_86 = tpu.memref_slice %arg20[%run_scoped3A_72, %dma_start3A, %dma_start3A_85] : memref<2x128x128xf32, #tpu.memory_space<vmem>> -> memref<1x128x128xf32, #tpu.memory_space<vmem>>
      %dma_start3A_87 = tpu.memref_squeeze %dma_start3A_86 : memref<1x128x128xf32, #tpu.memory_space<vmem>> -> memref<128x128xf32, #tpu.memory_space<vmem>>
      %dma_start3A_88 = arith.constant 0 : i32
      %dma_start3A_89 = tpu.memref_slice %arg15[%add3A_71, %dma_start3A_88] : memref<5120x128xf32, #tpu.memory_space<vmem_shared>> -> memref<128x128xf32, #tpu.memory_space<vmem_shared>>
      %dma_start3A_90 = arith.constant 0 : i32
      %dma_start3A_91 = arith.constant 0 : i32
      %dma_start3A_92 = tpu.memref_slice %arg20[%run_scoped3A_72, %dma_start3A_90, %dma_start3A_91] : memref<2x128x128xf32, #tpu.memory_space<vmem>> -> memref<1x128x128xf32, #tpu.memory_space<vmem>>
      %dma_start3A_93 = tpu.memref_squeeze %dma_start3A_92 : memref<1x128x128xf32, #tpu.memory_space<vmem>> -> memref<128x128xf32, #tpu.memory_space<vmem>>
      %dma_start3A_94 = arith.constant 0 : i32
      %dma_start3A_95 = tpu.memref_slice %arg15[%add3A_71, %dma_start3A_94] : memref<5120x128xf32, #tpu.memory_space<vmem_shared>> -> memref<128x128xf32, #tpu.memory_space<vmem_shared>>
      tpu.enqueue_dma source(%dma_start3A_95 : memref<128x128xf32, #tpu.memory_space<vmem_shared>>) target(%dma_start3A_93 : memref<128x128xf32, #tpu.memory_space<vmem>>) target_semaphore(%run_scoped3A_84 : memref<!tpu.dma_semaphore, #tpu.memory_space<semaphore_mem>>)
      %dma_wait3A = arith.constant 0 : i32
      %dma_wait3A_96 = arith.constant 0 : i32
      %dma_wait3A_97 = tpu.memref_slice %arg20[%run_scoped3A_72, %dma_wait3A, %dma_wait3A_96] : memref<2x128x128xf32, #tpu.memory_space<vmem>> -> memref<1x128x128xf32, #tpu.memory_space<vmem>>
      %dma_wait3A_98 = tpu.memref_squeeze %dma_wait3A_97 : memref<1x128x128xf32, #tpu.memory_space<vmem>> -> memref<128x128xf32, #tpu.memory_space<vmem>>
      %dma_wait3A_99 = arith.constant 0 : i32
      %dma_wait3A_100 = tpu.memref_slice %arg15[%add3A_71, %dma_wait3A_99] : memref<5120x128xf32, #tpu.memory_space<vmem_shared>> -> memref<128x128xf32, #tpu.memory_space<vmem_shared>>
      %dma_wait3A_101 = arith.constant 0 : i32
      %dma_wait3A_102 = arith.constant 0 : i32
      %dma_wait3A_103 = tpu.memref_slice %arg20[%run_scoped3A_72, %dma_wait3A_101, %dma_wait3A_102] : memref<2x128x128xf32, #tpu.memory_space<vmem>> -> memref<1x128x128xf32, #tpu.memory_space<vmem>>
      %dma_wait3A_104 = tpu.memref_squeeze %dma_wait3A_103 : memref<1x128x128xf32, #tpu.memory_space<vmem>> -> memref<128x128xf32, #tpu.memory_space<vmem>>
      %dma_wait3A_105 = arith.constant 0 : i32
      %dma_wait3A_106 = tpu.memref_slice %arg15[%add3A_71, %dma_wait3A_105] : memref<5120x128xf32, #tpu.memory_space<vmem_shared>> -> memref<128x128xf32, #tpu.memory_space<vmem_shared>>
      tpu.wait_dma2 semaphore(%run_scoped3A_84 : memref<!tpu.dma_semaphore, #tpu.memory_space<semaphore_mem>>) src(%dma_wait3A_106 : memref<128x128xf32, #tpu.memory_space<vmem_shared>>) dst(%dma_wait3A_104 : memref<128x128xf32, #tpu.memory_space<vmem>>)
      tpu.yield
    }) : () -> ()
    %add3A_73 = arith.constant 128 : i32
    %add3A_74 = arith.addi %mul3A_0, %add3A_73 : i32
    %run_scoped3A_75 = arith.constant 0 : i32
    "tpu.region"() ({
      %run_scoped3A_84 = tpu.sem_alloc : memref<!tpu.dma_semaphore, #tpu.memory_space<semaphore_mem>>
      %dma_start3A = arith.constant 0 : i32
      %dma_start3A_85 = arith.constant 0 : i32
      %dma_start3A_86 = tpu.memref_slice %arg20[%run_scoped3A_75, %dma_start3A, %dma_start3A_85] : memref<2x128x128xf32, #tpu.memory_space<vmem>> -> memref<1x128x128xf32, #tpu.memory_space<vmem>>
      %dma_start3A_87 = tpu.memref_squeeze %dma_start3A_86 : memref<1x128x128xf32, #tpu.memory_space<vmem>> -> memref<128x128xf32, #tpu.memory_space<vmem>>
      %dma_start3A_88 = arith.constant 0 : i32
      %dma_start3A_89 = tpu.memref_slice %arg11[%arg0, %add3A_74, %dma_start3A_88] : memref<2x5120x128xf32, #tpu.memory_space<hbm>> -> memref<1x128x128xf32, #tpu.memory_space<hbm>>
      %dma_start3A_90 = tpu.memref_squeeze %dma_start3A_89 : memref<1x128x128xf32, #tpu.memory_space<hbm>> -> memref<128x128xf32, #tpu.memory_space<hbm>>
      %dma_start3A_91 = arith.constant 0 : i32
      %dma_start3A_92 = tpu.memref_slice %arg11[%arg0, %add3A_74, %dma_start3A_91] : memref<2x5120x128xf32, #tpu.memory_space<hbm>> -> memref<1x128x128xf32, #tpu.memory_space<hbm>>
      %dma_start3A_93 = tpu.memref_squeeze %dma_start3A_92 : memref<1x128x128xf32, #tpu.memory_space<hbm>> -> memref<128x128xf32, #tpu.memory_space<hbm>>
      %dma_start3A_94 = arith.constant 0 : i32
      %dma_start3A_95 = arith.constant 0 : i32
      %dma_start3A_96 = tpu.memref_slice %arg20[%run_scoped3A_75, %dma_start3A_94, %dma_start3A_95] : memref<2x128x128xf32, #tpu.memory_space<vmem>> -> memref<1x128x128xf32, #tpu.memory_space<vmem>>
      %dma_start3A_97 = tpu.memref_squeeze %dma_start3A_96 : memref<1x128x128xf32, #tpu.memory_space<vmem>> -> memref<128x128xf32, #tpu.memory_space<vmem>>
      tpu.enqueue_dma source(%dma_start3A_97 : memref<128x128xf32, #tpu.memory_space<vmem>>) target(%dma_start3A_93 : memref<128x128xf32, #tpu.memory_space<hbm>>) target_semaphore(%run_scoped3A_84 : memref<!tpu.dma_semaphore, #tpu.memory_space<semaphore_mem>>)
      %dma_wait3A = arith.constant 0 : i32
      %dma_wait3A_98 = arith.constant 0 : i32
      %dma_wait3A_99 = tpu.memref_slice %arg20[%run_scoped3A_75, %dma_wait3A, %dma_wait3A_98] : memref<2x128x128xf32, #tpu.memory_space<vmem>> -> memref<1x128x128xf32, #tpu.memory_space<vmem>>
      %dma_wait3A_100 = tpu.memref_squeeze %dma_wait3A_99 : memref<1x128x128xf32, #tpu.memory_space<vmem>> -> memref<128x128xf32, #tpu.memory_space<vmem>>
      %dma_wait3A_101 = arith.constant 0 : i32
      %dma_wait3A_102 = tpu.memref_slice %arg11[%arg0, %add3A_74, %dma_wait3A_101] : memref<2x5120x128xf32, #tpu.memory_space<hbm>> -> memref<1x128x128xf32, #tpu.memory_space<hbm>>
      %dma_wait3A_103 = tpu.memref_squeeze %dma_wait3A_102 : memref<1x128x128xf32, #tpu.memory_space<hbm>> -> memref<128x128xf32, #tpu.memory_space<hbm>>
      %dma_wait3A_104 = arith.constant 0 : i32
      %dma_wait3A_105 = tpu.memref_slice %arg11[%arg0, %add3A_74, %dma_wait3A_104] : memref<2x5120x128xf32, #tpu.memory_space<hbm>> -> memref<1x128x128xf32, #tpu.memory_space<hbm>>
      %dma_wait3A_106 = tpu.memref_squeeze %dma_wait3A_105 : memref<1x128x128xf32, #tpu.memory_space<hbm>> -> memref<128x128xf32, #tpu.memory_space<hbm>>
      %dma_wait3A_107 = arith.constant 0 : i32
      %dma_wait3A_108 = arith.constant 0 : i32
      %dma_wait3A_109 = tpu.memref_slice %arg20[%run_scoped3A_75, %dma_wait3A_107, %dma_wait3A_108] : memref<2x128x128xf32, #tpu.memory_space<vmem>> -> memref<1x128x128xf32, #tpu.memory_space<vmem>>
      %dma_wait3A_110 = tpu.memref_squeeze %dma_wait3A_109 : memref<1x128x128xf32, #tpu.memory_space<vmem>> -> memref<128x128xf32, #tpu.memory_space<vmem>>
      tpu.wait_dma2 semaphore(%run_scoped3A_84 : memref<!tpu.dma_semaphore, #tpu.memory_space<semaphore_mem>>) src(%dma_wait3A_110 : memref<128x128xf32, #tpu.memory_space<vmem>>) dst(%dma_wait3A_106 : memref<128x128xf32, #tpu.memory_space<hbm>>)
      tpu.yield
    }) : () -> ()
    %add3A_76 = arith.constant 256 : i32
    %add3A_77 = arith.addi %mul3A_0, %add3A_76 : i32
    %run_scoped3A_78 = arith.constant 0 : i32
    "tpu.region"() ({
      %run_scoped3A_84 = tpu.sem_alloc : memref<!tpu.dma_semaphore, #tpu.memory_space<semaphore_mem>>
      %dma_start3A = arith.constant 0 : i32
      %dma_start3A_85 = arith.constant 0 : i32
      %dma_start3A_86 = tpu.memref_slice %arg20[%run_scoped3A_78, %dma_start3A, %dma_start3A_85] : memref<2x128x128xf32, #tpu.memory_space<vmem>> -> memref<1x64x128xf32, #tpu.memory_space<vmem>>
      %dma_start3A_87 = tpu.memref_squeeze %dma_start3A_86 : memref<1x64x128xf32, #tpu.memory_space<vmem>> -> memref<64x128xf32, #tpu.memory_space<vmem>>
      %dma_start3A_88 = arith.constant 0 : i32
      %dma_start3A_89 = tpu.memref_slice %arg15[%add3A_77, %dma_start3A_88] : memref<5120x128xf32, #tpu.memory_space<vmem_shared>> -> memref<64x128xf32, #tpu.memory_space<vmem_shared>>
      %dma_start3A_90 = arith.constant 0 : i32
      %dma_start3A_91 = arith.constant 0 : i32
      %dma_start3A_92 = tpu.memref_slice %arg20[%run_scoped3A_78, %dma_start3A_90, %dma_start3A_91] : memref<2x128x128xf32, #tpu.memory_space<vmem>> -> memref<1x64x128xf32, #tpu.memory_space<vmem>>
      %dma_start3A_93 = tpu.memref_squeeze %dma_start3A_92 : memref<1x64x128xf32, #tpu.memory_space<vmem>> -> memref<64x128xf32, #tpu.memory_space<vmem>>
      %dma_start3A_94 = arith.constant 0 : i32
      %dma_start3A_95 = tpu.memref_slice %arg15[%add3A_77, %dma_start3A_94] : memref<5120x128xf32, #tpu.memory_space<vmem_shared>> -> memref<64x128xf32, #tpu.memory_space<vmem_shared>>
      tpu.enqueue_dma source(%dma_start3A_95 : memref<64x128xf32, #tpu.memory_space<vmem_shared>>) target(%dma_start3A_93 : memref<64x128xf32, #tpu.memory_space<vmem>>) target_semaphore(%run_scoped3A_84 : memref<!tpu.dma_semaphore, #tpu.memory_space<semaphore_mem>>)
      %dma_wait3A = arith.constant 0 : i32
      %dma_wait3A_96 = arith.constant 0 : i32
      %dma_wait3A_97 = tpu.memref_slice %arg20[%run_scoped3A_78, %dma_wait3A, %dma_wait3A_96] : memref<2x128x128xf32, #tpu.memory_space<vmem>> -> memref<1x64x128xf32, #tpu.memory_space<vmem>>
      %dma_wait3A_98 = tpu.memref_squeeze %dma_wait3A_97 : memref<1x64x128xf32, #tpu.memory_space<vmem>> -> memref<64x128xf32, #tpu.memory_space<vmem>>
      %dma_wait3A_99 = arith.constant 0 : i32
      %dma_wait3A_100 = tpu.memref_slice %arg15[%add3A_77, %dma_wait3A_99] : memref<5120x128xf32, #tpu.memory_space<vmem_shared>> -> memref<64x128xf32, #tpu.memory_space<vmem_shared>>
      %dma_wait3A_101 = arith.constant 0 : i32
      %dma_wait3A_102 = arith.constant 0 : i32
      %dma_wait3A_103 = tpu.memref_slice %arg20[%run_scoped3A_78, %dma_wait3A_101, %dma_wait3A_102] : memref<2x128x128xf32, #tpu.memory_space<vmem>> -> memref<1x64x128xf32, #tpu.memory_space<vmem>>
      %dma_wait3A_104 = tpu.memref_squeeze %dma_wait3A_103 : memref<1x64x128xf32, #tpu.memory_space<vmem>> -> memref<64x128xf32, #tpu.memory_space<vmem>>
      %dma_wait3A_105 = arith.constant 0 : i32
      %dma_wait3A_106 = tpu.memref_slice %arg15[%add3A_77, %dma_wait3A_105] : memref<5120x128xf32, #tpu.memory_space<vmem_shared>> -> memref<64x128xf32, #tpu.memory_space<vmem_shared>>
      tpu.wait_dma2 semaphore(%run_scoped3A_84 : memref<!tpu.dma_semaphore, #tpu.memory_space<semaphore_mem>>) src(%dma_wait3A_106 : memref<64x128xf32, #tpu.memory_space<vmem_shared>>) dst(%dma_wait3A_104 : memref<64x128xf32, #tpu.memory_space<vmem>>)
      tpu.yield
    }) : () -> ()
    %add3A_79 = arith.constant 256 : i32
    %add3A_80 = arith.addi %mul3A_0, %add3A_79 : i32
    %run_scoped3A_81 = arith.constant 0 : i32
    "tpu.region"() ({
      %run_scoped3A_84 = tpu.sem_alloc : memref<!tpu.dma_semaphore, #tpu.memory_space<semaphore_mem>>
      %dma_start3A = arith.constant 0 : i32
      %dma_start3A_85 = arith.constant 0 : i32
      %dma_start3A_86 = tpu.memref_slice %arg20[%run_scoped3A_81, %dma_start3A, %dma_start3A_85] : memref<2x128x128xf32, #tpu.memory_space<vmem>> -> memref<1x64x128xf32, #tpu.memory_space<vmem>>
      %dma_start3A_87 = tpu.memref_squeeze %dma_start3A_86 : memref<1x64x128xf32, #tpu.memory_space<vmem>> -> memref<64x128xf32, #tpu.memory_space<vmem>>
      %dma_start3A_88 = arith.constant 0 : i32
      %dma_start3A_89 = tpu.memref_slice %arg11[%arg0, %add3A_80, %dma_start3A_88] : memref<2x5120x128xf32, #tpu.memory_space<hbm>> -> memref<1x64x128xf32, #tpu.memory_space<hbm>>
      %dma_start3A_90 = tpu.memref_squeeze %dma_start3A_89 : memref<1x64x128xf32, #tpu.memory_space<hbm>> -> memref<64x128xf32, #tpu.memory_space<hbm>>
      %dma_start3A_91 = arith.constant 0 : i32
      %dma_start3A_92 = tpu.memref_slice %arg11[%arg0, %add3A_80, %dma_start3A_91] : memref<2x5120x128xf32, #tpu.memory_space<hbm>> -> memref<1x64x128xf32, #tpu.memory_space<hbm>>
      %dma_start3A_93 = tpu.memref_squeeze %dma_start3A_92 : memref<1x64x128xf32, #tpu.memory_space<hbm>> -> memref<64x128xf32, #tpu.memory_space<hbm>>
      %dma_start3A_94 = arith.constant 0 : i32
      %dma_start3A_95 = arith.constant 0 : i32
      %dma_start3A_96 = tpu.memref_slice %arg20[%run_scoped3A_81, %dma_start3A_94, %dma_start3A_95] : memref<2x128x128xf32, #tpu.memory_space<vmem>> -> memref<1x64x128xf32, #tpu.memory_space<vmem>>
      %dma_start3A_97 = tpu.memref_squeeze %dma_start3A_96 : memref<1x64x128xf32, #tpu.memory_space<vmem>> -> memref<64x128xf32, #tpu.memory_space<vmem>>
      tpu.enqueue_dma source(%dma_start3A_97 : memref<64x128xf32, #tpu.memory_space<vmem>>) target(%dma_start3A_93 : memref<64x128xf32, #tpu.memory_space<hbm>>) target_semaphore(%run_scoped3A_84 : memref<!tpu.dma_semaphore, #tpu.memory_space<semaphore_mem>>)
      %dma_wait3A = arith.constant 0 : i32
      %dma_wait3A_98 = arith.constant 0 : i32
      %dma_wait3A_99 = tpu.memref_slice %arg20[%run_scoped3A_81, %dma_wait3A, %dma_wait3A_98] : memref<2x128x128xf32, #tpu.memory_space<vmem>> -> memref<1x64x128xf32, #tpu.memory_space<vmem>>
      %dma_wait3A_100 = tpu.memref_squeeze %dma_wait3A_99 : memref<1x64x128xf32, #tpu.memory_space<vmem>> -> memref<64x128xf32, #tpu.memory_space<vmem>>
      %dma_wait3A_101 = arith.constant 0 : i32
      %dma_wait3A_102 = tpu.memref_slice %arg11[%arg0, %add3A_80, %dma_wait3A_101] : memref<2x5120x128xf32, #tpu.memory_space<hbm>> -> memref<1x64x128xf32, #tpu.memory_space<hbm>>
      %dma_wait3A_103 = tpu.memref_squeeze %dma_wait3A_102 : memref<1x64x128xf32, #tpu.memory_space<hbm>> -> memref<64x128xf32, #tpu.memory_space<hbm>>
      %dma_wait3A_104 = arith.constant 0 : i32
      %dma_wait3A_105 = tpu.memref_slice %arg11[%arg0, %add3A_80, %dma_wait3A_104] : memref<2x5120x128xf32, #tpu.memory_space<hbm>> -> memref<1x64x128xf32, #tpu.memory_space<hbm>>
      %dma_wait3A_106 = tpu.memref_squeeze %dma_wait3A_105 : memref<1x64x128xf32, #tpu.memory_space<hbm>> -> memref<64x128xf32, #tpu.memory_space<hbm>>
      %dma_wait3A_107 = arith.constant 0 : i32
      %dma_wait3A_108 = arith.constant 0 : i32
      %dma_wait3A_109 = tpu.memref_slice %arg20[%run_scoped3A_81, %dma_wait3A_107, %dma_wait3A_108] : memref<2x128x128xf32, #tpu.memory_space<vmem>> -> memref<1x64x128xf32, #tpu.memory_space<vmem>>
      %dma_wait3A_110 = tpu.memref_squeeze %dma_wait3A_109 : memref<1x64x128xf32, #tpu.memory_space<vmem>> -> memref<64x128xf32, #tpu.memory_space<vmem>>
      tpu.wait_dma2 semaphore(%run_scoped3A_84 : memref<!tpu.dma_semaphore, #tpu.memory_space<semaphore_mem>>) src(%dma_wait3A_110 : memref<64x128xf32, #tpu.memory_space<vmem>>) dst(%dma_wait3A_106 : memref<64x128xf32, #tpu.memory_space<hbm>>)
      tpu.yield
    }) : () -> ()
    %eq3A = arith.constant 0 : i32
    %eq3A_82 = arith.cmpi eq, %arg0, %eq3A : i32
    %convert_element_type3A = arith.extui %eq3A_82 : i1 to i32
    %cond3A = arith.constant 0 : i32
    %cond3A_83 = arith.cmpi ne, %convert_element_type3A, %cond3A : i32
    scf.if %cond3A_83 {
      %add3A_84 = arith.constant 0 : i32
      %add3A_85 = arith.addi %mul3A_0, %add3A_84 : i32
      "tpu.region"() ({
        %run_scoped3A_108 = tpu.sem_alloc : memref<!tpu.dma_semaphore, #tpu.memory_space<semaphore_mem>>
        %dma_start3A = arith.constant 0 : i32
        %dma_start3A_109 = tpu.memref_slice %arg21[%dma_start3A] : memref<128xf32, #tpu.memory_space<vmem>> -> memref<128xf32, #tpu.memory_space<vmem>>
        %dma_start3A_110 = tpu.memref_slice %arg16[%add3A_85] : memref<5120xf32, #tpu.memory_space<vmem_shared>> -> memref<128xf32, #tpu.memory_space<vmem_shared>>
        %dma_start3A_111 = arith.constant 0 : i32
        %dma_start3A_112 = tpu.memref_slice %arg21[%dma_start3A_111] : memref<128xf32, #tpu.memory_space<vmem>> -> memref<128xf32, #tpu.memory_space<vmem>>
        %dma_start3A_113 = tpu.memref_slice %arg16[%add3A_85] : memref<5120xf32, #tpu.memory_space<vmem_shared>> -> memref<128xf32, #tpu.memory_space<vmem_shared>>
        tpu.enqueue_dma source(%dma_start3A_113 : memref<128xf32, #tpu.memory_space<vmem_shared>>) target(%dma_start3A_112 : memref<128xf32, #tpu.memory_space<vmem>>) target_semaphore(%run_scoped3A_108 : memref<!tpu.dma_semaphore, #tpu.memory_space<semaphore_mem>>)
        %dma_wait3A = arith.constant 0 : i32
        %dma_wait3A_114 = tpu.memref_slice %arg21[%dma_wait3A] : memref<128xf32, #tpu.memory_space<vmem>> -> memref<128xf32, #tpu.memory_space<vmem>>
        %dma_wait3A_115 = tpu.memref_slice %arg16[%add3A_85] : memref<5120xf32, #tpu.memory_space<vmem_shared>> -> memref<128xf32, #tpu.memory_space<vmem_shared>>
        %dma_wait3A_116 = arith.constant 0 : i32
        %dma_wait3A_117 = tpu.memref_slice %arg21[%dma_wait3A_116] : memref<128xf32, #tpu.memory_space<vmem>> -> memref<128xf32, #tpu.memory_space<vmem>>
        %dma_wait3A_118 = tpu.memref_slice %arg16[%add3A_85] : memref<5120xf32, #tpu.memory_space<vmem_shared>> -> memref<128xf32, #tpu.memory_space<vmem_shared>>
        tpu.wait_dma2 semaphore(%run_scoped3A_108 : memref<!tpu.dma_semaphore, #tpu.memory_space<semaphore_mem>>) src(%dma_wait3A_118 : memref<128xf32, #tpu.memory_space<vmem_shared>>) dst(%dma_wait3A_117 : memref<128xf32, #tpu.memory_space<vmem>>)
        tpu.yield
      }) : () -> ()
      %add3A_86 = arith.constant 0 : i32
      %add3A_87 = arith.addi %mul3A_0, %add3A_86 : i32
      "tpu.region"() ({
        %run_scoped3A_108 = tpu.sem_alloc : memref<!tpu.dma_semaphore, #tpu.memory_space<semaphore_mem>>
        %dma_start3A = arith.constant 0 : i32
        %dma_start3A_109 = tpu.memref_slice %arg21[%dma_start3A] : memref<128xf32, #tpu.memory_space<vmem>> -> memref<128xf32, #tpu.memory_space<vmem>>
        %dma_start3A_110 = tpu.memref_slice %arg12[%add3A_87] : memref<5120xf32, #tpu.memory_space<hbm>> -> memref<128xf32, #tpu.memory_space<hbm>>
        %dma_start3A_111 = tpu.memref_slice %arg12[%add3A_87] : memref<5120xf32, #tpu.memory_space<hbm>> -> memref<128xf32, #tpu.memory_space<hbm>>
        %dma_start3A_112 = arith.constant 0 : i32
        %dma_start3A_113 = tpu.memref_slice %arg21[%dma_start3A_112] : memref<128xf32, #tpu.memory_space<vmem>> -> memref<128xf32, #tpu.memory_space<vmem>>
        tpu.enqueue_dma source(%dma_start3A_113 : memref<128xf32, #tpu.memory_space<vmem>>) target(%dma_start3A_111 : memref<128xf32, #tpu.memory_space<hbm>>) target_semaphore(%run_scoped3A_108 : memref<!tpu.dma_semaphore, #tpu.memory_space<semaphore_mem>>)
        %dma_wait3A = arith.constant 0 : i32
        %dma_wait3A_114 = tpu.memref_slice %arg21[%dma_wait3A] : memref<128xf32, #tpu.memory_space<vmem>> -> memref<128xf32, #tpu.memory_space<vmem>>
        %dma_wait3A_115 = tpu.memref_slice %arg12[%add3A_87] : memref<5120xf32, #tpu.memory_space<hbm>> -> memref<128xf32, #tpu.memory_space<hbm>>
        %dma_wait3A_116 = tpu.memref_slice %arg12[%add3A_87] : memref<5120xf32, #tpu.memory_space<hbm>> -> memref<128xf32, #tpu.memory_space<hbm>>
        %dma_wait3A_117 = arith.constant 0 : i32
        %dma_wait3A_118 = tpu.memref_slice %arg21[%dma_wait3A_117] : memref<128xf32, #tpu.memory_space<vmem>> -> memref<128xf32, #tpu.memory_space<vmem>>
        tpu.wait_dma2 semaphore(%run_scoped3A_108 : memref<!tpu.dma_semaphore, #tpu.memory_space<semaphore_mem>>) src(%dma_wait3A_118 : memref<128xf32, #tpu.memory_space<vmem>>) dst(%dma_wait3A_116 : memref<128xf32, #tpu.memory_space<hbm>>)
        tpu.yield
      }) : () -> ()
      %add3A_88 = arith.constant 128 : i32
      %add3A_89 = arith.addi %mul3A_0, %add3A_88 : i32
      "tpu.region"() ({
        %run_scoped3A_108 = tpu.sem_alloc : memref<!tpu.dma_semaphore, #tpu.memory_space<semaphore_mem>>
        %dma_start3A = arith.constant 0 : i32
        %dma_start3A_109 = tpu.memref_slice %arg21[%dma_start3A] : memref<128xf32, #tpu.memory_space<vmem>> -> memref<128xf32, #tpu.memory_space<vmem>>
        %dma_start3A_110 = tpu.memref_slice %arg16[%add3A_89] : memref<5120xf32, #tpu.memory_space<vmem_shared>> -> memref<128xf32, #tpu.memory_space<vmem_shared>>
        %dma_start3A_111 = arith.constant 0 : i32
        %dma_start3A_112 = tpu.memref_slice %arg21[%dma_start3A_111] : memref<128xf32, #tpu.memory_space<vmem>> -> memref<128xf32, #tpu.memory_space<vmem>>
        %dma_start3A_113 = tpu.memref_slice %arg16[%add3A_89] : memref<5120xf32, #tpu.memory_space<vmem_shared>> -> memref<128xf32, #tpu.memory_space<vmem_shared>>
        tpu.enqueue_dma source(%dma_start3A_113 : memref<128xf32, #tpu.memory_space<vmem_shared>>) target(%dma_start3A_112 : memref<128xf32, #tpu.memory_space<vmem>>) target_semaphore(%run_scoped3A_108 : memref<!tpu.dma_semaphore, #tpu.memory_space<semaphore_mem>>)
        %dma_wait3A = arith.constant 0 : i32
        %dma_wait3A_114 = tpu.memref_slice %arg21[%dma_wait3A] : memref<128xf32, #tpu.memory_space<vmem>> -> memref<128xf32, #tpu.memory_space<vmem>>
        %dma_wait3A_115 = tpu.memref_slice %arg16[%add3A_89] : memref<5120xf32, #tpu.memory_space<vmem_shared>> -> memref<128xf32, #tpu.memory_space<vmem_shared>>
        %dma_wait3A_116 = arith.constant 0 : i32
        %dma_wait3A_117 = tpu.memref_slice %arg21[%dma_wait3A_116] : memref<128xf32, #tpu.memory_space<vmem>> -> memref<128xf32, #tpu.memory_space<vmem>>
        %dma_wait3A_118 = tpu.memref_slice %arg16[%add3A_89] : memref<5120xf32, #tpu.memory_space<vmem_shared>> -> memref<128xf32, #tpu.memory_space<vmem_shared>>
        tpu.wait_dma2 semaphore(%run_scoped3A_108 : memref<!tpu.dma_semaphore, #tpu.memory_space<semaphore_mem>>) src(%dma_wait3A_118 : memref<128xf32, #tpu.memory_space<vmem_shared>>) dst(%dma_wait3A_117 : memref<128xf32, #tpu.memory_space<vmem>>)
        tpu.yield
      }) : () -> ()
      %add3A_90 = arith.constant 128 : i32
      %add3A_91 = arith.addi %mul3A_0, %add3A_90 : i32
      "tpu.region"() ({
        %run_scoped3A_108 = tpu.sem_alloc : memref<!tpu.dma_semaphore, #tpu.memory_space<semaphore_mem>>
        %dma_start3A = arith.constant 0 : i32
        %dma_start3A_109 = tpu.memref_slice %arg21[%dma_start3A] : memref<128xf32, #tpu.memory_space<vmem>> -> memref<128xf32, #tpu.memory_space<vmem>>
        %dma_start3A_110 = tpu.memref_slice %arg12[%add3A_91] : memref<5120xf32, #tpu.memory_space<hbm>> -> memref<128xf32, #tpu.memory_space<hbm>>
        %dma_start3A_111 = tpu.memref_slice %arg12[%add3A_91] : memref<5120xf32, #tpu.memory_space<hbm>> -> memref<128xf32, #tpu.memory_space<hbm>>
        %dma_start3A_112 = arith.constant 0 : i32
        %dma_start3A_113 = tpu.memref_slice %arg21[%dma_start3A_112] : memref<128xf32, #tpu.memory_space<vmem>> -> memref<128xf32, #tpu.memory_space<vmem>>
        tpu.enqueue_dma source(%dma_start3A_113 : memref<128xf32, #tpu.memory_space<vmem>>) target(%dma_start3A_111 : memref<128xf32, #tpu.memory_space<hbm>>) target_semaphore(%run_scoped3A_108 : memref<!tpu.dma_semaphore, #tpu.memory_space<semaphore_mem>>)
        %dma_wait3A = arith.constant 0 : i32
        %dma_wait3A_114 = tpu.memref_slice %arg21[%dma_wait3A] : memref<128xf32, #tpu.memory_space<vmem>> -> memref<128xf32, #tpu.memory_space<vmem>>
        %dma_wait3A_115 = tpu.memref_slice %arg12[%add3A_91] : memref<5120xf32, #tpu.memory_space<hbm>> -> memref<128xf32, #tpu.memory_space<hbm>>
        %dma_wait3A_116 = tpu.memref_slice %arg12[%add3A_91] : memref<5120xf32, #tpu.memory_space<hbm>> -> memref<128xf32, #tpu.memory_space<hbm>>
        %dma_wait3A_117 = arith.constant 0 : i32
        %dma_wait3A_118 = tpu.memref_slice %arg21[%dma_wait3A_117] : memref<128xf32, #tpu.memory_space<vmem>> -> memref<128xf32, #tpu.memory_space<vmem>>
        tpu.wait_dma2 semaphore(%run_scoped3A_108 : memref<!tpu.dma_semaphore, #tpu.memory_space<semaphore_mem>>) src(%dma_wait3A_118 : memref<128xf32, #tpu.memory_space<vmem>>) dst(%dma_wait3A_116 : memref<128xf32, #tpu.memory_space<hbm>>)
        tpu.yield
      }) : () -> ()
      %add3A_92 = arith.constant 256 : i32
      %add3A_93 = arith.addi %mul3A_0, %add3A_92 : i32
      "tpu.region"() ({
        %run_scoped3A_108 = tpu.sem_alloc : memref<!tpu.dma_semaphore, #tpu.memory_space<semaphore_mem>>
        %dma_start3A = arith.constant 0 : i32
        %dma_start3A_109 = tpu.memref_slice %arg21[%dma_start3A] : memref<128xf32, #tpu.memory_space<vmem>> -> memref<64xf32, #tpu.memory_space<vmem>>
        %dma_start3A_110 = tpu.memref_slice %arg16[%add3A_93] : memref<5120xf32, #tpu.memory_space<vmem_shared>> -> memref<64xf32, #tpu.memory_space<vmem_shared>>
        %dma_start3A_111 = arith.constant 0 : i32
        %dma_start3A_112 = tpu.memref_slice %arg21[%dma_start3A_111] : memref<128xf32, #tpu.memory_space<vmem>> -> memref<64xf32, #tpu.memory_space<vmem>>
        %dma_start3A_113 = tpu.memref_slice %arg16[%add3A_93] : memref<5120xf32, #tpu.memory_space<vmem_shared>> -> memref<64xf32, #tpu.memory_space<vmem_shared>>
        tpu.enqueue_dma source(%dma_start3A_113 : memref<64xf32, #tpu.memory_space<vmem_shared>>) target(%dma_start3A_112 : memref<64xf32, #tpu.memory_space<vmem>>) target_semaphore(%run_scoped3A_108 : memref<!tpu.dma_semaphore, #tpu.memory_space<semaphore_mem>>)
        %dma_wait3A = arith.constant 0 : i32
        %dma_wait3A_114 = tpu.memref_slice %arg21[%dma_wait3A] : memref<128xf32, #tpu.memory_space<vmem>> -> memref<64xf32, #tpu.memory_space<vmem>>
        %dma_wait3A_115 = tpu.memref_slice %arg16[%add3A_93] : memref<5120xf32, #tpu.memory_space<vmem_shared>> -> memref<64xf32, #tpu.memory_space<vmem_shared>>
        %dma_wait3A_116 = arith.constant 0 : i32
        %dma_wait3A_117 = tpu.memref_slice %arg21[%dma_wait3A_116] : memref<128xf32, #tpu.memory_space<vmem>> -> memref<64xf32, #tpu.memory_space<vmem>>
        %dma_wait3A_118 = tpu.memref_slice %arg16[%add3A_93] : memref<5120xf32, #tpu.memory_space<vmem_shared>> -> memref<64xf32, #tpu.memory_space<vmem_shared>>
        tpu.wait_dma2 semaphore(%run_scoped3A_108 : memref<!tpu.dma_semaphore, #tpu.memory_space<semaphore_mem>>) src(%dma_wait3A_118 : memref<64xf32, #tpu.memory_space<vmem_shared>>) dst(%dma_wait3A_117 : memref<64xf32, #tpu.memory_space<vmem>>)
        tpu.yield
      }) : () -> ()
      %add3A_94 = arith.constant 256 : i32
      %add3A_95 = arith.addi %mul3A_0, %add3A_94 : i32
      "tpu.region"() ({
        %run_scoped3A_108 = tpu.sem_alloc : memref<!tpu.dma_semaphore, #tpu.memory_space<semaphore_mem>>
        %dma_start3A = arith.constant 0 : i32
        %dma_start3A_109 = tpu.memref_slice %arg21[%dma_start3A] : memref<128xf32, #tpu.memory_space<vmem>> -> memref<64xf32, #tpu.memory_space<vmem>>
        %dma_start3A_110 = tpu.memref_slice %arg12[%add3A_95] : memref<5120xf32, #tpu.memory_space<hbm>> -> memref<64xf32, #tpu.memory_space<hbm>>
        %dma_start3A_111 = tpu.memref_slice %arg12[%add3A_95] : memref<5120xf32, #tpu.memory_space<hbm>> -> memref<64xf32, #tpu.memory_space<hbm>>
        %dma_start3A_112 = arith.constant 0 : i32
        %dma_start3A_113 = tpu.memref_slice %arg21[%dma_start3A_112] : memref<128xf32, #tpu.memory_space<vmem>> -> memref<64xf32, #tpu.memory_space<vmem>>
        tpu.enqueue_dma source(%dma_start3A_113 : memref<64xf32, #tpu.memory_space<vmem>>) target(%dma_start3A_111 : memref<64xf32, #tpu.memory_space<hbm>>) target_semaphore(%run_scoped3A_108 : memref<!tpu.dma_semaphore, #tpu.memory_space<semaphore_mem>>)
        %dma_wait3A = arith.constant 0 : i32
        %dma_wait3A_114 = tpu.memref_slice %arg21[%dma_wait3A] : memref<128xf32, #tpu.memory_space<vmem>> -> memref<64xf32, #tpu.memory_space<vmem>>
        %dma_wait3A_115 = tpu.memref_slice %arg12[%add3A_95] : memref<5120xf32, #tpu.memory_space<hbm>> -> memref<64xf32, #tpu.memory_space<hbm>>
        %dma_wait3A_116 = tpu.memref_slice %arg12[%add3A_95] : memref<5120xf32, #tpu.memory_space<hbm>> -> memref<64xf32, #tpu.memory_space<hbm>>
        %dma_wait3A_117 = arith.constant 0 : i32
        %dma_wait3A_118 = tpu.memref_slice %arg21[%dma_wait3A_117] : memref<128xf32, #tpu.memory_space<vmem>> -> memref<64xf32, #tpu.memory_space<vmem>>
        tpu.wait_dma2 semaphore(%run_scoped3A_108 : memref<!tpu.dma_semaphore, #tpu.memory_space<semaphore_mem>>) src(%dma_wait3A_118 : memref<64xf32, #tpu.memory_space<vmem>>) dst(%dma_wait3A_116 : memref<64xf32, #tpu.memory_space<hbm>>)
        tpu.yield
      }) : () -> ()
      %add3A_96 = arith.constant 0 : i32
      %add3A_97 = arith.addi %mul3A_0, %add3A_96 : i32
      "tpu.region"() ({
        %run_scoped3A_108 = tpu.sem_alloc : memref<!tpu.dma_semaphore, #tpu.memory_space<semaphore_mem>>
        %dma_start3A = arith.constant 0 : i32
        %dma_start3A_109 = tpu.memref_slice %arg21[%dma_start3A] : memref<128xf32, #tpu.memory_space<vmem>> -> memref<128xf32, #tpu.memory_space<vmem>>
        %dma_start3A_110 = tpu.memref_slice %arg17[%add3A_97] : memref<5120xf32, #tpu.memory_space<vmem_shared>> -> memref<128xf32, #tpu.memory_space<vmem_shared>>
        %dma_start3A_111 = arith.constant 0 : i32
        %dma_start3A_112 = tpu.memref_slice %arg21[%dma_start3A_111] : memref<128xf32, #tpu.memory_space<vmem>> -> memref<128xf32, #tpu.memory_space<vmem>>
        %dma_start3A_113 = tpu.memref_slice %arg17[%add3A_97] : memref<5120xf32, #tpu.memory_space<vmem_shared>> -> memref<128xf32, #tpu.memory_space<vmem_shared>>
        tpu.enqueue_dma source(%dma_start3A_113 : memref<128xf32, #tpu.memory_space<vmem_shared>>) target(%dma_start3A_112 : memref<128xf32, #tpu.memory_space<vmem>>) target_semaphore(%run_scoped3A_108 : memref<!tpu.dma_semaphore, #tpu.memory_space<semaphore_mem>>)
        %dma_wait3A = arith.constant 0 : i32
        %dma_wait3A_114 = tpu.memref_slice %arg21[%dma_wait3A] : memref<128xf32, #tpu.memory_space<vmem>> -> memref<128xf32, #tpu.memory_space<vmem>>
        %dma_wait3A_115 = tpu.memref_slice %arg17[%add3A_97] : memref<5120xf32, #tpu.memory_space<vmem_shared>> -> memref<128xf32, #tpu.memory_space<vmem_shared>>
        %dma_wait3A_116 = arith.constant 0 : i32
        %dma_wait3A_117 = tpu.memref_slice %arg21[%dma_wait3A_116] : memref<128xf32, #tpu.memory_space<vmem>> -> memref<128xf32, #tpu.memory_space<vmem>>
        %dma_wait3A_118 = tpu.memref_slice %arg17[%add3A_97] : memref<5120xf32, #tpu.memory_space<vmem_shared>> -> memref<128xf32, #tpu.memory_space<vmem_shared>>
        tpu.wait_dma2 semaphore(%run_scoped3A_108 : memref<!tpu.dma_semaphore, #tpu.memory_space<semaphore_mem>>) src(%dma_wait3A_118 : memref<128xf32, #tpu.memory_space<vmem_shared>>) dst(%dma_wait3A_117 : memref<128xf32, #tpu.memory_space<vmem>>)
        tpu.yield
      }) : () -> ()
      %add3A_98 = arith.constant 0 : i32
      %add3A_99 = arith.addi %mul3A_0, %add3A_98 : i32
      "tpu.region"() ({
        %run_scoped3A_108 = tpu.sem_alloc : memref<!tpu.dma_semaphore, #tpu.memory_space<semaphore_mem>>
        %dma_start3A = arith.constant 0 : i32
        %dma_start3A_109 = tpu.memref_slice %arg21[%dma_start3A] : memref<128xf32, #tpu.memory_space<vmem>> -> memref<128xf32, #tpu.memory_space<vmem>>
        %dma_start3A_110 = tpu.memref_slice %arg13[%add3A_99] : memref<5120xf32, #tpu.memory_space<hbm>> -> memref<128xf32, #tpu.memory_space<hbm>>
        %dma_start3A_111 = tpu.memref_slice %arg13[%add3A_99] : memref<5120xf32, #tpu.memory_space<hbm>> -> memref<128xf32, #tpu.memory_space<hbm>>
        %dma_start3A_112 = arith.constant 0 : i32
        %dma_start3A_113 = tpu.memref_slice %arg21[%dma_start3A_112] : memref<128xf32, #tpu.memory_space<vmem>> -> memref<128xf32, #tpu.memory_space<vmem>>
        tpu.enqueue_dma source(%dma_start3A_113 : memref<128xf32, #tpu.memory_space<vmem>>) target(%dma_start3A_111 : memref<128xf32, #tpu.memory_space<hbm>>) target_semaphore(%run_scoped3A_108 : memref<!tpu.dma_semaphore, #tpu.memory_space<semaphore_mem>>)
        %dma_wait3A = arith.constant 0 : i32
        %dma_wait3A_114 = tpu.memref_slice %arg21[%dma_wait3A] : memref<128xf32, #tpu.memory_space<vmem>> -> memref<128xf32, #tpu.memory_space<vmem>>
        %dma_wait3A_115 = tpu.memref_slice %arg13[%add3A_99] : memref<5120xf32, #tpu.memory_space<hbm>> -> memref<128xf32, #tpu.memory_space<hbm>>
        %dma_wait3A_116 = tpu.memref_slice %arg13[%add3A_99] : memref<5120xf32, #tpu.memory_space<hbm>> -> memref<128xf32, #tpu.memory_space<hbm>>
        %dma_wait3A_117 = arith.constant 0 : i32
        %dma_wait3A_118 = tpu.memref_slice %arg21[%dma_wait3A_117] : memref<128xf32, #tpu.memory_space<vmem>> -> memref<128xf32, #tpu.memory_space<vmem>>
        tpu.wait_dma2 semaphore(%run_scoped3A_108 : memref<!tpu.dma_semaphore, #tpu.memory_space<semaphore_mem>>) src(%dma_wait3A_118 : memref<128xf32, #tpu.memory_space<vmem>>) dst(%dma_wait3A_116 : memref<128xf32, #tpu.memory_space<hbm>>)
        tpu.yield
      }) : () -> ()
      %add3A_100 = arith.constant 128 : i32
      %add3A_101 = arith.addi %mul3A_0, %add3A_100 : i32
      "tpu.region"() ({
        %run_scoped3A_108 = tpu.sem_alloc : memref<!tpu.dma_semaphore, #tpu.memory_space<semaphore_mem>>
        %dma_start3A = arith.constant 0 : i32
        %dma_start3A_109 = tpu.memref_slice %arg21[%dma_start3A] : memref<128xf32, #tpu.memory_space<vmem>> -> memref<128xf32, #tpu.memory_space<vmem>>
        %dma_start3A_110 = tpu.memref_slice %arg17[%add3A_101] : memref<5120xf32, #tpu.memory_space<vmem_shared>> -> memref<128xf32, #tpu.memory_space<vmem_shared>>
        %dma_start3A_111 = arith.constant 0 : i32
        %dma_start3A_112 = tpu.memref_slice %arg21[%dma_start3A_111] : memref<128xf32, #tpu.memory_space<vmem>> -> memref<128xf32, #tpu.memory_space<vmem>>
        %dma_start3A_113 = tpu.memref_slice %arg17[%add3A_101] : memref<5120xf32, #tpu.memory_space<vmem_shared>> -> memref<128xf32, #tpu.memory_space<vmem_shared>>
        tpu.enqueue_dma source(%dma_start3A_113 : memref<128xf32, #tpu.memory_space<vmem_shared>>) target(%dma_start3A_112 : memref<128xf32, #tpu.memory_space<vmem>>) target_semaphore(%run_scoped3A_108 : memref<!tpu.dma_semaphore, #tpu.memory_space<semaphore_mem>>)
        %dma_wait3A = arith.constant 0 : i32
        %dma_wait3A_114 = tpu.memref_slice %arg21[%dma_wait3A] : memref<128xf32, #tpu.memory_space<vmem>> -> memref<128xf32, #tpu.memory_space<vmem>>
        %dma_wait3A_115 = tpu.memref_slice %arg17[%add3A_101] : memref<5120xf32, #tpu.memory_space<vmem_shared>> -> memref<128xf32, #tpu.memory_space<vmem_shared>>
        %dma_wait3A_116 = arith.constant 0 : i32
        %dma_wait3A_117 = tpu.memref_slice %arg21[%dma_wait3A_116] : memref<128xf32, #tpu.memory_space<vmem>> -> memref<128xf32, #tpu.memory_space<vmem>>
        %dma_wait3A_118 = tpu.memref_slice %arg17[%add3A_101] : memref<5120xf32, #tpu.memory_space<vmem_shared>> -> memref<128xf32, #tpu.memory_space<vmem_shared>>
        tpu.wait_dma2 semaphore(%run_scoped3A_108 : memref<!tpu.dma_semaphore, #tpu.memory_space<semaphore_mem>>) src(%dma_wait3A_118 : memref<128xf32, #tpu.memory_space<vmem_shared>>) dst(%dma_wait3A_117 : memref<128xf32, #tpu.memory_space<vmem>>)
        tpu.yield
      }) : () -> ()
      %add3A_102 = arith.constant 128 : i32
      %add3A_103 = arith.addi %mul3A_0, %add3A_102 : i32
      "tpu.region"() ({
        %run_scoped3A_108 = tpu.sem_alloc : memref<!tpu.dma_semaphore, #tpu.memory_space<semaphore_mem>>
        %dma_start3A = arith.constant 0 : i32
        %dma_start3A_109 = tpu.memref_slice %arg21[%dma_start3A] : memref<128xf32, #tpu.memory_space<vmem>> -> memref<128xf32, #tpu.memory_space<vmem>>
        %dma_start3A_110 = tpu.memref_slice %arg13[%add3A_103] : memref<5120xf32, #tpu.memory_space<hbm>> -> memref<128xf32, #tpu.memory_space<hbm>>
        %dma_start3A_111 = tpu.memref_slice %arg13[%add3A_103] : memref<5120xf32, #tpu.memory_space<hbm>> -> memref<128xf32, #tpu.memory_space<hbm>>
        %dma_start3A_112 = arith.constant 0 : i32
        %dma_start3A_113 = tpu.memref_slice %arg21[%dma_start3A_112] : memref<128xf32, #tpu.memory_space<vmem>> -> memref<128xf32, #tpu.memory_space<vmem>>
        tpu.enqueue_dma source(%dma_start3A_113 : memref<128xf32, #tpu.memory_space<vmem>>) target(%dma_start3A_111 : memref<128xf32, #tpu.memory_space<hbm>>) target_semaphore(%run_scoped3A_108 : memref<!tpu.dma_semaphore, #tpu.memory_space<semaphore_mem>>)
        %dma_wait3A = arith.constant 0 : i32
        %dma_wait3A_114 = tpu.memref_slice %arg21[%dma_wait3A] : memref<128xf32, #tpu.memory_space<vmem>> -> memref<128xf32, #tpu.memory_space<vmem>>
        %dma_wait3A_115 = tpu.memref_slice %arg13[%add3A_103] : memref<5120xf32, #tpu.memory_space<hbm>> -> memref<128xf32, #tpu.memory_space<hbm>>
        %dma_wait3A_116 = tpu.memref_slice %arg13[%add3A_103] : memref<5120xf32, #tpu.memory_space<hbm>> -> memref<128xf32, #tpu.memory_space<hbm>>
        %dma_wait3A_117 = arith.constant 0 : i32
        %dma_wait3A_118 = tpu.memref_slice %arg21[%dma_wait3A_117] : memref<128xf32, #tpu.memory_space<vmem>> -> memref<128xf32, #tpu.memory_space<vmem>>
        tpu.wait_dma2 semaphore(%run_scoped3A_108 : memref<!tpu.dma_semaphore, #tpu.memory_space<semaphore_mem>>) src(%dma_wait3A_118 : memref<128xf32, #tpu.memory_space<vmem>>) dst(%dma_wait3A_116 : memref<128xf32, #tpu.memory_space<hbm>>)
        tpu.yield
      }) : () -> ()
      %add3A_104 = arith.constant 256 : i32
      %add3A_105 = arith.addi %mul3A_0, %add3A_104 : i32
      "tpu.region"() ({
        %run_scoped3A_108 = tpu.sem_alloc : memref<!tpu.dma_semaphore, #tpu.memory_space<semaphore_mem>>
        %dma_start3A = arith.constant 0 : i32
        %dma_start3A_109 = tpu.memref_slice %arg21[%dma_start3A] : memref<128xf32, #tpu.memory_space<vmem>> -> memref<64xf32, #tpu.memory_space<vmem>>
        %dma_start3A_110 = tpu.memref_slice %arg17[%add3A_105] : memref<5120xf32, #tpu.memory_space<vmem_shared>> -> memref<64xf32, #tpu.memory_space<vmem_shared>>
        %dma_start3A_111 = arith.constant 0 : i32
        %dma_start3A_112 = tpu.memref_slice %arg21[%dma_start3A_111] : memref<128xf32, #tpu.memory_space<vmem>> -> memref<64xf32, #tpu.memory_space<vmem>>
        %dma_start3A_113 = tpu.memref_slice %arg17[%add3A_105] : memref<5120xf32, #tpu.memory_space<vmem_shared>> -> memref<64xf32, #tpu.memory_space<vmem_shared>>
        tpu.enqueue_dma source(%dma_start3A_113 : memref<64xf32, #tpu.memory_space<vmem_shared>>) target(%dma_start3A_112 : memref<64xf32, #tpu.memory_space<vmem>>) target_semaphore(%run_scoped3A_108 : memref<!tpu.dma_semaphore, #tpu.memory_space<semaphore_mem>>)
        %dma_wait3A = arith.constant 0 : i32
        %dma_wait3A_114 = tpu.memref_slice %arg21[%dma_wait3A] : memref<128xf32, #tpu.memory_space<vmem>> -> memref<64xf32, #tpu.memory_space<vmem>>
        %dma_wait3A_115 = tpu.memref_slice %arg17[%add3A_105] : memref<5120xf32, #tpu.memory_space<vmem_shared>> -> memref<64xf32, #tpu.memory_space<vmem_shared>>
        %dma_wait3A_116 = arith.constant 0 : i32
        %dma_wait3A_117 = tpu.memref_slice %arg21[%dma_wait3A_116] : memref<128xf32, #tpu.memory_space<vmem>> -> memref<64xf32, #tpu.memory_space<vmem>>
        %dma_wait3A_118 = tpu.memref_slice %arg17[%add3A_105] : memref<5120xf32, #tpu.memory_space<vmem_shared>> -> memref<64xf32, #tpu.memory_space<vmem_shared>>
        tpu.wait_dma2 semaphore(%run_scoped3A_108 : memref<!tpu.dma_semaphore, #tpu.memory_space<semaphore_mem>>) src(%dma_wait3A_118 : memref<64xf32, #tpu.memory_space<vmem_shared>>) dst(%dma_wait3A_117 : memref<64xf32, #tpu.memory_space<vmem>>)
        tpu.yield
      }) : () -> ()
      %add3A_106 = arith.constant 256 : i32
      %add3A_107 = arith.addi %mul3A_0, %add3A_106 : i32
      "tpu.region"() ({
        %run_scoped3A_108 = tpu.sem_alloc : memref<!tpu.dma_semaphore, #tpu.memory_space<semaphore_mem>>
        %dma_start3A = arith.constant 0 : i32
        %dma_start3A_109 = tpu.memref_slice %arg21[%dma_start3A] : memref<128xf32, #tpu.memory_space<vmem>> -> memref<64xf32, #tpu.memory_space<vmem>>
        %dma_start3A_110 = tpu.memref_slice %arg13[%add3A_107] : memref<5120xf32, #tpu.memory_space<hbm>> -> memref<64xf32, #tpu.memory_space<hbm>>
        %dma_start3A_111 = tpu.memref_slice %arg13[%add3A_107] : memref<5120xf32, #tpu.memory_space<hbm>> -> memref<64xf32, #tpu.memory_space<hbm>>
        %dma_start3A_112 = arith.constant 0 : i32
        %dma_start3A_113 = tpu.memref_slice %arg21[%dma_start3A_112] : memref<128xf32, #tpu.memory_space<vmem>> -> memref<64xf32, #tpu.memory_space<vmem>>
        tpu.enqueue_dma source(%dma_start3A_113 : memref<64xf32, #tpu.memory_space<vmem>>) target(%dma_start3A_111 : memref<64xf32, #tpu.memory_space<hbm>>) target_semaphore(%run_scoped3A_108 : memref<!tpu.dma_semaphore, #tpu.memory_space<semaphore_mem>>)
        %dma_wait3A = arith.constant 0 : i32
        %dma_wait3A_114 = tpu.memref_slice %arg21[%dma_wait3A] : memref<128xf32, #tpu.memory_space<vmem>> -> memref<64xf32, #tpu.memory_space<vmem>>
        %dma_wait3A_115 = tpu.memref_slice %arg13[%add3A_107] : memref<5120xf32, #tpu.memory_space<hbm>> -> memref<64xf32, #tpu.memory_space<hbm>>
        %dma_wait3A_116 = tpu.memref_slice %arg13[%add3A_107] : memref<5120xf32, #tpu.memory_space<hbm>> -> memref<64xf32, #tpu.memory_space<hbm>>
        %dma_wait3A_117 = arith.constant 0 : i32
        %dma_wait3A_118 = tpu.memref_slice %arg21[%dma_wait3A_117] : memref<128xf32, #tpu.memory_space<vmem>> -> memref<64xf32, #tpu.memory_space<vmem>>
        tpu.wait_dma2 semaphore(%run_scoped3A_108 : memref<!tpu.dma_semaphore, #tpu.memory_space<semaphore_mem>>) src(%dma_wait3A_118 : memref<64xf32, #tpu.memory_space<vmem>>) dst(%dma_wait3A_116 : memref<64xf32, #tpu.memory_space<hbm>>)
        tpu.yield
      }) : () -> ()
    } else {
    }
    return
  }
}

module attributes {stable_mosaic.version = 14 : i64} {
  func.func @_tc_norm_body(%arg0: memref<5000x128xf32, #tpu.memory_space<vmem>>, %arg1: memref<128x128xf32, #tpu.memory_space<vmem>>, %arg2: memref<1x128xf32, #tpu.memory_space<vmem>>, %arg3: memref<1x1xf32, #tpu.memory_space<vmem>>, %arg4: memref<10000x128xf32, #tpu.memory_space<vmem>>) attributes {dimension_semantics = [], scalar_prefetch = 0 : i64, scratch_operands = 0 : i64, tpu.core_type = #tpu.core_type<tc>} {
    %get3A = arith.constant 0 : index
    %get3A_0 = arith.constant 0 : index
    %get3A_1 = vector.load %arg0[%get3A, %get3A_0] : memref<5000x128xf32, #tpu.memory_space<vmem>>, vector<5000x128xf32>
    %get3A_2 = arith.constant 0 : index
    %get3A_3 = arith.constant 0 : index
    %get3A_4 = vector.load %arg1[%get3A_2, %get3A_3] : memref<128x128xf32, #tpu.memory_space<vmem>>, vector<128x128xf32>
    %dot_general3A = arith.constant dense<0.000000e+00> : vector<5000x128xf32>
    %dot_general3A_5 = tpu.matmul %get3A_1, %get3A_4, %dot_general3A {dimension_numbers = #tpu.dot_dimension_numbers<[1], [0], [0], [1], [0, 0, 1, 1], [], []>, transpose_lhs_hint = false} : vector<5000x128xf32>, vector<128x128xf32>, vector<5000x128xf32> -> vector<5000x128xf32>
    %get3A_6 = arith.constant 0 : index
    %get3A_7 = arith.constant 0 : index
    %get3A_8 = vector.load %arg2[%get3A_6, %get3A_7] : memref<1x128xf32, #tpu.memory_space<vmem>>, vector<1x128xf32>
    %add3A = vector.broadcast %get3A_8 : vector<1x128xf32> to vector<5000x128xf32>
    %add3A_9 = arith.addf %dot_general3A_5, %add3A : vector<5000x128xf32>
    %get3A_10 = arith.constant 0 : index
    %get3A_11 = arith.constant 0 : index
    %get3A_12 = vector.load %arg3[%get3A_10, %get3A_11] : memref<1x1xf32, #tpu.memory_space<vmem>>, vector<1x1xf32>
    %get3A_13 = vector.extract %get3A_12[0, 0] : f32 from vector<1x1xf32>
    %gt3A = arith.constant 0.000000e+00 : f32
    %gt3A_14 = vector.broadcast %gt3A : f32 to vector<5000x128xf32>
    %gt3A_15 = arith.cmpf ogt, %add3A_9, %gt3A_14 : vector<5000x128xf32>
    %mul3A = vector.broadcast %get3A_13 : f32 to vector<5000x128xf32>
    %mul3A_16 = arith.mulf %mul3A, %add3A_9 : vector<5000x128xf32>
    %select_n3A = arith.select %gt3A_15, %add3A_9, %mul3A_16 : vector<5000x128xi1>, vector<5000x128xf32>
    %mul3A_17 = arith.mulf %select_n3A, %select_n3A : vector<5000x128xf32>
    %reduce_sum3A = arith.constant dense<0.000000e+00> : vector<5000xf32>
    %reduce_sum3A_18 = vector.multi_reduction <add>, %mul3A_17, %reduce_sum3A [1] : vector<5000x128xf32> to vector<5000xf32>
    %broadcast_in_dim3A = vector.shape_cast %reduce_sum3A_18 : vector<5000xf32> to vector<5000x1xf32>
    %swap3A = arith.constant 0 : index
    %swap3A_19 = arith.constant 0 : index
    %swap3A_20 = vector.load %arg4[%swap3A, %swap3A_19] : memref<10000x128xf32, #tpu.memory_space<vmem>>, vector<5000x128xf32>
    tpu.vector_store %arg4[%swap3A, %swap3A_19], %get3A_1 {strides = array<i32>} : memref<10000x128xf32, #tpu.memory_space<vmem>>, vector<5000x128xf32>,
    %max3A = arith.constant 1.000000e-16 : f32
    %max3A_21 = vector.broadcast %max3A : f32 to vector<5000x1xf32>
    %max3A_22 = arith.maximumf %broadcast_in_dim3A, %max3A_21 : vector<5000x1xf32>
    %rsqrt3A = math.rsqrt %max3A_22 : vector<5000x1xf32>
    %mul3A_23 = vector.broadcast %rsqrt3A : vector<5000x1xf32> to vector<5000x128xf32>
    %mul3A_24 = arith.mulf %select_n3A, %mul3A_23 : vector<5000x128xf32>
    %swap3A_25 = arith.constant 5000 : index
    %swap3A_26 = arith.constant 0 : index
    %swap3A_27 = vector.load %arg4[%swap3A_25, %swap3A_26] : memref<10000x128xf32, #tpu.memory_space<vmem>>, vector<5000x128xf32>
    tpu.vector_store %arg4[%swap3A_25, %swap3A_26], %mul3A_24 {strides = array<i32>} : memref<10000x128xf32, #tpu.memory_space<vmem>>, vector<5000x128xf32>,
    return
  }
}

module attributes {stable_mosaic.version = 14 : i64} {
  func.func @_tc_final_body(%arg0: memref<5000x128xf32, #tpu.memory_space<vmem>>, %arg1: memref<5000x128xf32, #tpu.memory_space<vmem>>, %arg2: memref<5000x128xf32, #tpu.memory_space<vmem>>, %arg3: memref<5000x128xf32, #tpu.memory_space<vmem>>, %arg4: memref<5000x1xf32, #tpu.memory_space<vmem>>, %arg5: memref<5000x1xf32, #tpu.memory_space<vmem>>, %arg6: memref<5000x128xf32, #tpu.memory_space<vmem>>, %arg7: memref<128x128xf32, #tpu.memory_space<vmem>>, %arg8: memref<1x128xf32, #tpu.memory_space<vmem>>, %arg9: memref<1x1xf32, #tpu.memory_space<vmem>>, %arg10: memref<5000x128xf32, #tpu.memory_space<vmem>>, %arg11: memref<1x1xf32, #tpu.memory_space<vmem>>) attributes {dimension_semantics = [], scalar_prefetch = 0 : i64, scratch_operands = 0 : i64, tpu.core_type = #tpu.core_type<tc>} {
    %get3A = arith.constant 0 : index
    %get3A_0 = arith.constant 0 : index
    %get3A_1 = vector.load %arg6[%get3A, %get3A_0] : memref<5000x128xf32, #tpu.memory_space<vmem>>, vector<5000x128xf32>
    %get3A_2 = arith.constant 0 : index
    %get3A_3 = arith.constant 0 : index
    %get3A_4 = vector.load %arg7[%get3A_2, %get3A_3] : memref<128x128xf32, #tpu.memory_space<vmem>>, vector<128x128xf32>
    %get3A_5 = arith.constant 0 : index
    %get3A_6 = arith.constant 0 : index
    %get3A_7 = vector.load %arg8[%get3A_5, %get3A_6] : memref<1x128xf32, #tpu.memory_space<vmem>>, vector<1x128xf32>
    %get3A_8 = arith.constant 0 : index
    %get3A_9 = arith.constant 0 : index
    %get3A_10 = vector.load %arg9[%get3A_8, %get3A_9] : memref<1x1xf32, #tpu.memory_space<vmem>>, vector<1x1xf32>
    %get3A_11 = vector.extract %get3A_10[0, 0] : f32 from vector<1x1xf32>
    %get3A_12 = arith.constant 0 : index
    %get3A_13 = arith.constant 0 : index
    %get3A_14 = vector.load %arg0[%get3A_12, %get3A_13] : memref<5000x128xf32, #tpu.memory_space<vmem>>, vector<5000x128xf32>
    %add3A = arith.addf %get3A_14, %get3A_1 : vector<5000x128xf32>
    %get3A_15 = arith.constant 0 : index
    %get3A_16 = arith.constant 0 : index
    %get3A_17 = vector.load %arg4[%get3A_15, %get3A_16] : memref<5000x1xf32, #tpu.memory_space<vmem>>, vector<5000x1xf32>
    %add3A_18 = arith.constant 1.000000e+00 : f32
    %add3A_19 = vector.broadcast %add3A_18 : f32 to vector<5000x1xf32>
    %add3A_20 = arith.addf %get3A_17, %add3A_19 : vector<5000x1xf32>
    %div3A = vector.broadcast %add3A_20 : vector<5000x1xf32> to vector<5000x128xf32>
    %div3A_21 = arith.divf %add3A, %div3A : vector<5000x128xf32>
    %dot_general3A = arith.constant dense<0.000000e+00> : vector<5000x128xf32>
    %dot_general3A_22 = tpu.matmul %div3A_21, %get3A_4, %dot_general3A {dimension_numbers = #tpu.dot_dimension_numbers<[1], [0], [0], [1], [0, 0, 1, 1], [], []>, transpose_lhs_hint = false} : vector<5000x128xf32>, vector<128x128xf32>, vector<5000x128xf32> -> vector<5000x128xf32>
    %add3A_23 = vector.broadcast %get3A_7 : vector<1x128xf32> to vector<5000x128xf32>
    %add3A_24 = arith.addf %dot_general3A_22, %add3A_23 : vector<5000x128xf32>
    %gt3A = arith.constant 0.000000e+00 : f32
    %gt3A_25 = vector.broadcast %gt3A : f32 to vector<5000x128xf32>
    %gt3A_26 = arith.cmpf ogt, %add3A_24, %gt3A_25 : vector<5000x128xf32>
    %mul3A = vector.broadcast %get3A_11 : f32 to vector<5000x128xf32>
    %mul3A_27 = arith.mulf %mul3A, %add3A_24 : vector<5000x128xf32>
    %select_n3A = arith.select %gt3A_26, %add3A_24, %mul3A_27 : vector<5000x128xi1>, vector<5000x128xf32>
    %get3A_28 = arith.constant 0 : index
    %get3A_29 = arith.constant 0 : index
    %get3A_30 = vector.load %arg1[%get3A_28, %get3A_29] : memref<5000x128xf32, #tpu.memory_space<vmem>>, vector<5000x128xf32>
    %add3A_31 = arith.addf %get3A_30, %get3A_1 : vector<5000x128xf32>
    %get3A_32 = arith.constant 0 : index
    %get3A_33 = arith.constant 0 : index
    %get3A_34 = vector.load %arg5[%get3A_32, %get3A_33] : memref<5000x1xf32, #tpu.memory_space<vmem>>, vector<5000x1xf32>
    %add3A_35 = arith.constant 1.000000e+00 : f32
    %add3A_36 = vector.broadcast %add3A_35 : f32 to vector<5000x1xf32>
    %add3A_37 = arith.addf %get3A_34, %add3A_36 : vector<5000x1xf32>
    %div3A_38 = vector.broadcast %add3A_37 : vector<5000x1xf32> to vector<5000x128xf32>
    %div3A_39 = arith.divf %add3A_31, %div3A_38 : vector<5000x128xf32>
    %dot_general3A_40 = arith.constant dense<0.000000e+00> : vector<5000x128xf32>
    %dot_general3A_41 = tpu.matmul %div3A_39, %get3A_4, %dot_general3A_40 {dimension_numbers = #tpu.dot_dimension_numbers<[1], [0], [0], [1], [0, 0, 1, 1], [], []>, transpose_lhs_hint = false} : vector<5000x128xf32>, vector<128x128xf32>, vector<5000x128xf32> -> vector<5000x128xf32>
    %add3A_42 = vector.broadcast %get3A_7 : vector<1x128xf32> to vector<5000x128xf32>
    %add3A_43 = arith.addf %dot_general3A_41, %add3A_42 : vector<5000x128xf32>
    %gt3A_44 = arith.constant 0.000000e+00 : f32
    %gt3A_45 = vector.broadcast %gt3A_44 : f32 to vector<5000x128xf32>
    %gt3A_46 = arith.cmpf ogt, %add3A_43, %gt3A_45 : vector<5000x128xf32>
    %mul3A_47 = vector.broadcast %get3A_11 : f32 to vector<5000x128xf32>
    %mul3A_48 = arith.mulf %mul3A_47, %add3A_43 : vector<5000x128xf32>
    %select_n3A_49 = arith.select %gt3A_46, %add3A_43, %mul3A_48 : vector<5000x128xi1>, vector<5000x128xf32>
    %mul3A_50 = arith.mulf %select_n3A, %select_n3A : vector<5000x128xf32>
    %reduce_sum3A = arith.constant dense<0.000000e+00> : vector<5000xf32>
    %reduce_sum3A_51 = vector.multi_reduction <add>, %mul3A_50, %reduce_sum3A [1] : vector<5000x128xf32> to vector<5000xf32>
    %broadcast_in_dim3A = vector.shape_cast %reduce_sum3A_51 : vector<5000xf32> to vector<5000x1xf32>
    %sqrt3A = math.sqrt %broadcast_in_dim3A : vector<5000x1xf32>
    %mul3A_52 = arith.mulf %select_n3A_49, %select_n3A_49 : vector<5000x128xf32>
    %reduce_sum3A_53 = arith.constant dense<0.000000e+00> : vector<5000xf32>
    %reduce_sum3A_54 = vector.multi_reduction <add>, %mul3A_52, %reduce_sum3A_53 [1] : vector<5000x128xf32> to vector<5000xf32>
    %broadcast_in_dim3A_55 = vector.shape_cast %reduce_sum3A_54 : vector<5000xf32> to vector<5000x1xf32>
    %sqrt3A_56 = math.sqrt %broadcast_in_dim3A_55 : vector<5000x1xf32>
    %mul3A_57 = arith.mulf %select_n3A, %select_n3A_49 : vector<5000x128xf32>
    %reduce_sum3A_58 = arith.constant dense<0.000000e+00> : vector<5000xf32>
    %reduce_sum3A_59 = vector.multi_reduction <add>, %mul3A_57, %reduce_sum3A_58 [1] : vector<5000x128xf32> to vector<5000xf32>
    %broadcast_in_dim3A_60 = vector.shape_cast %reduce_sum3A_59 : vector<5000xf32> to vector<5000x1xf32>
    %mul3A_61 = arith.mulf %sqrt3A, %sqrt3A_56 : vector<5000x1xf32>
    %max3A = arith.constant 9.99999993E-9 : f32
    %max3A_62 = vector.broadcast %max3A : f32 to vector<5000x1xf32>
    %max3A_63 = arith.maximumf %mul3A_61, %max3A_62 : vector<5000x1xf32>
    %div3A_64 = arith.divf %broadcast_in_dim3A_60, %max3A_63 : vector<5000x1xf32>
    %get3A_65 = arith.constant 0 : index
    %get3A_66 = arith.constant 0 : index
    %get3A_67 = vector.load %arg3[%get3A_65, %get3A_66] : memref<5000x128xf32, #tpu.memory_space<vmem>>, vector<5000x128xf32>
    %mul3A_68 = arith.mulf %select_n3A, %get3A_67 : vector<5000x128xf32>
    %reduce_sum3A_69 = arith.constant dense<0.000000e+00> : vector<5000xf32>
    %reduce_sum3A_70 = vector.multi_reduction <add>, %mul3A_68, %reduce_sum3A_69 [1] : vector<5000x128xf32> to vector<5000xf32>
    %broadcast_in_dim3A_71 = vector.shape_cast %reduce_sum3A_70 : vector<5000xf32> to vector<5000x1xf32>
    %max3A_72 = arith.constant 9.99999968E-21 : f32
    %max3A_73 = vector.broadcast %max3A_72 : f32 to vector<5000x1xf32>
    %max3A_74 = arith.maximumf %sqrt3A, %max3A_73 : vector<5000x1xf32>
    %div3A_75 = arith.divf %broadcast_in_dim3A_71, %max3A_74 : vector<5000x1xf32>
    %add3A_76 = arith.addf %div3A_75, %div3A_64 : vector<5000x1xf32>
    %get3A_77 = arith.constant 0 : index
    %get3A_78 = arith.constant 0 : index
    %get3A_79 = vector.load %arg2[%get3A_77, %get3A_78] : memref<5000x128xf32, #tpu.memory_space<vmem>>, vector<5000x128xf32>
    %mul3A_80 = arith.mulf %select_n3A_49, %get3A_79 : vector<5000x128xf32>
    %reduce_sum3A_81 = arith.constant dense<0.000000e+00> : vector<5000xf32>
    %reduce_sum3A_82 = vector.multi_reduction <add>, %mul3A_80, %reduce_sum3A_81 [1] : vector<5000x128xf32> to vector<5000xf32>
    %broadcast_in_dim3A_83 = vector.shape_cast %reduce_sum3A_82 : vector<5000xf32> to vector<5000x1xf32>
    %max3A_84 = arith.constant 9.99999968E-21 : f32
    %max3A_85 = vector.broadcast %max3A_84 : f32 to vector<5000x1xf32>
    %max3A_86 = arith.maximumf %sqrt3A_56, %max3A_85 : vector<5000x1xf32>
    %div3A_87 = arith.divf %broadcast_in_dim3A_83, %max3A_86 : vector<5000x1xf32>
    %add3A_88 = arith.addf %div3A_87, %div3A_64 : vector<5000x1xf32>
    %exp3A = math.exp %div3A_64 : vector<5000x1xf32>
    %reduce_sum3A_89 = vector.shape_cast %exp3A : vector<5000x1xf32> to vector<1x5000x1xf32>
    %reduce_sum3A_90 = arith.constant dense<0.000000e+00> : vector<1xf32>
    %reduce_sum3A_91 = vector.multi_reduction <add>, %reduce_sum3A_89, %reduce_sum3A_90 [1, 2] : vector<1x5000x1xf32> to vector<1xf32>
    %reduce_sum3A_92 = vector.shape_cast %reduce_sum3A_91 : vector<1xf32> to vector<1x1x1xf32>
    %reduce_sum3A_93 = vector.extract %reduce_sum3A_92[0, 0, 0] : f32 from vector<1x1x1xf32>
    %exp3A_94 = math.exp %add3A_76 : vector<5000x1xf32>
    %reduce_sum3A_95 = vector.shape_cast %exp3A_94 : vector<5000x1xf32> to vector<1x5000x1xf32>
    %reduce_sum3A_96 = arith.constant dense<0.000000e+00> : vector<1xf32>
    %reduce_sum3A_97 = vector.multi_reduction <add>, %reduce_sum3A_95, %reduce_sum3A_96 [1, 2] : vector<1x5000x1xf32> to vector<1xf32>
    %reduce_sum3A_98 = vector.shape_cast %reduce_sum3A_97 : vector<1xf32> to vector<1x1x1xf32>
    %reduce_sum3A_99 = vector.extract %reduce_sum3A_98[0, 0, 0] : f32 from vector<1x1x1xf32>
    %add3A_100 = arith.addf %reduce_sum3A_93, %reduce_sum3A_99 : f32
    %exp3A_101 = math.exp %add3A_88 : vector<5000x1xf32>
    %reduce_sum3A_102 = vector.shape_cast %exp3A_101 : vector<5000x1xf32> to vector<1x5000x1xf32>
    %reduce_sum3A_103 = arith.constant dense<0.000000e+00> : vector<1xf32>
    %reduce_sum3A_104 = vector.multi_reduction <add>, %reduce_sum3A_102, %reduce_sum3A_103 [1, 2] : vector<1x5000x1xf32> to vector<1xf32>
    %reduce_sum3A_105 = vector.shape_cast %reduce_sum3A_104 : vector<1xf32> to vector<1x1x1xf32>
    %reduce_sum3A_106 = vector.extract %reduce_sum3A_105[0, 0, 0] : f32 from vector<1x1x1xf32>
    %add3A_107 = arith.addf %add3A_100, %reduce_sum3A_106 : f32
    %log3A = math.log %add3A_107 : f32
    %reduce_sum3A_108 = vector.shape_cast %div3A_64 : vector<5000x1xf32> to vector<1x5000x1xf32>
    %reduce_sum3A_109 = arith.constant dense<0.000000e+00> : vector<1xf32>
    %reduce_sum3A_110 = vector.multi_reduction <add>, %reduce_sum3A_108, %reduce_sum3A_109 [1, 2] : vector<1x5000x1xf32> to vector<1xf32>
    %reduce_sum3A_111 = vector.shape_cast %reduce_sum3A_110 : vector<1xf32> to vector<1x1x1xf32>
    %reduce_sum3A_112 = vector.extract %reduce_sum3A_111[0, 0, 0] : f32 from vector<1x1x1xf32>
    %sub3A = arith.subf %log3A, %reduce_sum3A_112 : f32
    %reshape3A = vector.broadcast %sub3A : f32 to vector<1x1xf32>
    %swap3A = arith.constant 0 : index
    %swap3A_113 = arith.constant 0 : index
    %swap3A_114 = vector.load %arg11[%swap3A, %swap3A_113] : memref<1x1xf32, #tpu.memory_space<vmem>>, vector<1x1xf32>
    tpu.vector_store %arg11[%swap3A, %swap3A_113], %reshape3A {strides = array<i32>} : memref<1x1xf32, #tpu.memory_space<vmem>>, vector<1x1xf32>,
    %swap3A_115 = arith.constant 0 : index
    %swap3A_116 = arith.constant 0 : index
    %swap3A_117 = vector.load %arg10[%swap3A_115, %swap3A_116] : memref<5000x128xf32, #tpu.memory_space<vmem>>, vector<5000x128xf32>
    tpu.vector_store %arg10[%swap3A_115, %swap3A_116], %select_n3A {strides = array<i32>} : memref<5000x128xf32, #tpu.memory_space<vmem>>, vector<5000x128xf32>,
    return
  }
}

</mosaic_0001>

<sc_bundles>
// kernel: kernel.5.cloned.1.call-start
scs
__scs_entry_jumppad:
0x0: {  	(pc) =	sbr.rel $0x88, $3  }
0x1: {  	(tag) =	ssettag $0x0;
	lr =	simm.s32 $0x1  }
0x2: {  	[smem:$0x3F9B] =	sst lr;
	_ =	strace $0xD0000000  }
0x3: {  	_ = 	snop  }
0x4: {  	_ = 	snop  }
0x5: {  	_ = 	snop  }
0x6: {  	_ = 	snop  }
0x7: {  	_ = 	snop  }
__scs_overlays_trampoline_lowered:
0x8: {  	[smem:$0x3FAA] =	sst s0  }
0x9: {  	[smem:$0x3FAB] =	sst s1  }
0xa: {  	[smem:$0x3FAC] =	sst s2  }
0xb: {  	[smem:$0x3FAD] =	sst s3  }
0xc: {  	[smem:$0x3FAE] =	sst s4  }
0xd: {  	[smem:$0x3FAF] =	sst s5  }
0xe: {  	[smem:$0x3FB0] =	sst s6  }
0xf: {  	[smem:$0x3FB1] =	sst s7  }
0x10: {  	[smem:$0x3FB2] =	sst s8  }
0x11: {  	[smem:$0x3FB3] =	sst s9;
	s0 =	simm.s32 @!p0 $0x0  }
0x12: {  	s1 =	sld [smem:$0x3F99];
	s0 =	simm.s32 @p0 $0x1  }
0x13: {  	[smem:$0x3FB4] =	sst s0;
	s0 =	simm.s32 @!p1 $0x0  }
0x14: {  	s2 =	sld [smem:$0x3F98];
	s0 =	simm.s32 @p1 $0x1  }
0x15: {  	[smem:$0x3FB5] =	sst s0;
	s0 =	simm.s32 @!p2 $0x0  }
0x16: {  	s3 =	sld [smem:$0x3FDB];
	s0 =	simm.s32 @p2 $0x1  }
0x17: {  	s4 =	simm.s32 $0x1BF5;
	[smem:$0x3FB7] =	sst s0  }
0x18: {  	s0 =	sld [smem:$0x3F9A];
	_ =	swait.ge [sflag:s4], $0x0  }
0x19: {  	s7 =	sld [smem:$0x3F9B]  }
0x1a: {  	s8 =	sadd.s32 $0xFFFFE003, lr  }
0x1b: {  	s9 =	sadd.s32 $0xFFFFFEF7, lr;
	s5 =	simm.s32 $0xFFFFFFFF;
	p2 =	slt.u32 s8, $0xFFFFF086  }
0x1c: {  	p1 =	slt.u32 s9, $0xF7A;
	s5 =	simm.s32 @!p2 $0x0  }
0x1d: {  	s5 =	simm.s32 @p1 $0x1;
	p0 =	seq.s32 s7, s2  }
0x1e: {  	s7 =	smul.u32 @!p0 $0xF7A, s2;
	p2 =	seq.s32 @!p0 s5, $0x0  }
0x1f: {  	s9 =	smul.u32 $0xF7A, s1;
	s8 =	simm.s32 @!p0 $0x1BF5;
	p2 =	por !p2, p0  }
0x20: {  	[sflag:s8] =	ssyncset.s32 @!p0 $0xFFFFF086;
	s6 =	sadd.s32 @!p0 s3, s7;
	s7 =	simm.s32 @!p0 $0x108  }
0x21: {  	s3 =	sadd.s32 s3, s9;
	s6 =	sadd.s32 @!p0 $0x88, s6;
	s7 =	simm.s32 @p2 $0x1082  }
0x22: {  	[simem:s7], [sflag:s8] =	dma.local @!p0 [hbm:s6], $0xF7A  }
0x23: {  	s9 =	sor.u32 $0xD0000000, s2;
	s6 =	simm.s32 $0x108;
	_ =	swait.ge @!p0 [sflag:s8], $0x0  }
0x24: {  	s3 =	sadd.s32 $0x88, s3;
	s6 =	simm.s32 @!p1 $0x1082;
	[sflag:s4] =	ssyncset.s32 $0xFFFFF086  }
0x25: {  	[simem:s6], [sflag:s4] =	dma.local [hbm:s3], $0xF7A  }
0x26: {  	[smem:$0x3F9B] =	sst s1;
	(tag) =	ssettag s2;
	_ =	strace s9  }
0x27: {  	s1 =	sld [smem:$0x3FAB]  }
0x28: {  	s2 =	sld [smem:$0x3FAC]  }
0x29: {  	s4 =	sld [smem:$0x3FAE]  }
0x2a: {  	p0 =	seq.s32 s5, $0x0;
	s5 =	sld [smem:$0x3FAF]  }
0x2b: {  	s6 =	sld [smem:$0x3FB0]  }
0x2c: {  	s7 =	sld [smem:$0x3FB1]  }
0x2d: {  	s3 =	simm.s32 $0x108;
	s8 =	sld [smem:$0x3FB2]  }
0x2e: {  	s3 =	simm.s32 @!p0 $0x1082;
	s9 =	sld [smem:$0x3FB3]  }
0x2f: {  	lr =	sadd.s32 s0, s3;
	s0 =	sld [smem:$0x3FAA]  }
0x30: {  	s3 =	sld [smem:$0x3FAD]  }
0x31: {  	[smem:$0x3FB6] =	sst s10  }
0x32: {  	s10 =	sld [smem:$0x3FB4];
	_ =	sdelay $0x3  }
0x33: {  	p0 =	seq.s32 s10, $0x1;
	s10 =	sld [smem:$0x3FB6];
	_ =	sdelay $0x3  }
0x34: {  	[smem:$0x3FB6] =	sst s10  }
0x35: {  	s10 =	sld [smem:$0x3FB5];
	_ =	sdelay $0x3  }
0x36: {  	p1 =	seq.s32 s10, $0x1;
	s10 =	sld [smem:$0x3FB6];
	_ =	sdelay $0x3  }
0x37: {  	[smem:$0x3FB6] =	sst s10  }
0x38: {  	s10 =	sld [smem:$0x3FB7]  }
0x39: {  	_ = 	snop;
	(pc) =	sbr.ind lr, $3  }
0x3a: {  	_ = 	snop  }
0x3b: {  	_ = 	snop  }
0x3c: {  	p2 =	seq.s32 s10, $0x1;
	s10 =	sld [smem:$0x3FB6]  }
0x3d: {  	_ =	shalt  }
0x3e: {  	_ =	shalt  }
0x3f: {  	_ =	shalt  }
0x40: {  	_ =	shalt  }
0x41: {  	_ =	shalt  }
0x42: {  	_ =	shalt  }
0x43: {  	_ =	shalt  }
0x44: {  	_ =	shalt  }
0x45: {  	_ =	shalt  }
0x46: {  	_ =	shalt  }
0x47: {  	_ =	shalt  }
0x48: {  	_ =	shalt  }
0x49: {  	_ =	shalt  }
0x4a: {  	_ =	shalt  }
0x4b: {  	_ =	shalt  }
0x4c: {  	_ =	shalt  }
0x4d: {  	_ =	shalt  }
0x4e: {  	_ =	shalt  }
0x4f: {  	_ =	shalt  }
0x50: {  	_ =	shalt  }
0x51: {  	_ =	shalt  }
0x52: {  	_ =	shalt  }
0x53: {  	_ =	shalt  }
0x54: {  	_ =	shalt  }
0x55: {  	_ =	shalt  }
0x56: {  	_ =	shalt  }
0x57: {  	_ =	shalt  }
0x58: {  	_ =	shalt  }
0x59: {  	_ =	shalt  }
0x5a: {  	_ =	shalt  }
0x5b: {  	_ =	shalt  }
0x5c: {  	_ =	shalt  }
0x5d: {  	_ =	shalt  }
0x5e: {  	_ =	shalt  }
0x5f: {  	_ =	shalt  }
0x60: {  	_ =	shalt  }
0x61: {  	_ =	shalt  }
0x62: {  	_ =	shalt  }
0x63: {  	_ =	shalt  }
0x64: {  	_ =	shalt  }
0x65: {  	_ =	shalt  }
0x66: {  	_ =	shalt  }
0x67: {  	_ =	shalt  }
0x68: {  	_ =	shalt  }
0x69: {  	_ =	shalt  }
0x6a: {  	_ =	shalt  }
0x6b: {  	_ =	shalt  }
0x6c: {  	_ =	shalt  }
0x6d: {  	_ =	shalt  }
0x6e: {  	_ =	shalt  }
0x6f: {  	_ =	shalt  }
0x70: {  	_ =	shalt  }
0x71: {  	_ =	shalt  }
0x72: {  	_ =	shalt  }
0x73: {  	_ =	shalt  }
0x74: {  	_ =	shalt  }
0x75: {  	_ =	shalt  }
0x76: {  	_ =	shalt  }
0x77: {  	_ =	shalt  }
0x78: {  	_ =	shalt  }
0x79: {  	_ =	shalt  }
0x7a: {  	_ =	shalt  }
0x7b: {  	_ =	shalt  }
0x7c: {  	_ =	shalt  }
0x7d: {  	_ =	shalt  }
0x7e: {  	_ =	shalt  }
0x7f: {  	_ =	shalt  }
0x80: {  	_ =	shalt  }
0x81: {  	_ =	shalt  }
0x82: {  	_ =	shalt  }
0x83: {  	_ =	shalt  }
0x84: {  	_ =	shalt  }
0x85: {  	_ =	shalt  }
0x86: {  	_ =	shalt  }
0x87: {  	_ =	shalt  }
.Lfunc_end0:
.L_simem_size_0:
called_computation_lowered:
.L_overlay_start_0:
0x88: {  	s2 =	sld [smem:$0x3FD9]  }
0x89: {  	s3 =	sld [smem:$0x3FFE];
	_ =	sdelay $0x1  }
0x8a: {  	s1 =	srdreg.scid  }
0x8b: {  	s0 =	sand.u32 $0x1, s1  }
0x8c: {  	s14 =	sshll.u32 s0, $0xA;
	s2 =	sadd.s32 s3, s2  }
0x8d: {  	s2 =	sadd.s32 s2, s14  }
0x8e: {  	[smem:$0x3FC2] =	sst s2  }
0x8f: {  	_ = 	snop  }
0x90: {  	s2 =	sld [smem:$0x3FD0];
	_ =	sdelay $0x2  }
0x91: {  	s15 =	simm.s32 $0xA;
	s4 =	simm.s32 $0x10  }
0x92: {  	[smem:s4], [sflag:s15] =	dma.local [hbm:s2], $0x1  }
0x93: {  	_ =	swait.eq [sflag:s15], $0x1  }
0x94: {  	[sflag:s15] =	ssyncset.done $0x0  }
0x95: {  	s16 =	sld [smem:$0x10];
	[sflag:s15] =	ssyncadd.s32 $0xFFFFFFFF  }
0x96: {  	s17 =	sld [smem:$0x11];
	(tm) =	ssettm $0x1  }
0x97: {  	s18 =	sld [smem:$0x3FFB];
	_ =	sdelay $0x3  }
0x98: {  	_ =	strace s18  }
0x99: {  	s4 =	sld [smem:$0x3FFC];
	_ =	sdelay $0x3  }
0x9a: {  	_ =	strace s4  }
0x9b: {  	s4 =	sld [smem:$0x3FFD];
	_ =	sdelay $0x3  }
0x9c: {  	_ =	strace s4  }
0x9d: {  	_ =	strace $0x8FFFFFFF  }
0x9e: {  	s19 =	sld [smem:$0x3FDB];
	_ =	sdelay $0x1  }
0x9f: {  	s5 =	simm.s32 $_scs_section_size  }
0xa0: {  	s6 =	simm.s32 $_size__tile_overlayer_lowered;
	s7 =	simm.s32 $_tile_overlayer_lowered  }
0xa1: {  	s22 =	simm.s32 $0x1BFF;
	s21 =	sshll.u32 s7, $0x1;
	s4 =	sadd.s32 s5, s19  }
0xa2: {  	s8 =	simm.s32 $0x0;
	s20 =	sshll.u32 s6, $0x1;
	s6 =	sadd.s32 s21, s4  }
0xa3: {  	[timem:s8], [sflag:s22] =	dma.local [hbm:s6], s20  }
0xa4: {  	_ =	swait.ge [sflag:s22], s20  }
0xa5: {  	s5 =	ssub.s32 $0x0, s20;
	[sflag:s22] =	ssyncset.done $0x0  }
0xa6: {  	[sflag:s22] =	ssyncadd.s32 s5;
	_ =	sdelay $0x1  }
0xa7: {  	s23 =	simm.s32 $0x1B8B  }
0xa8: {  	_ =	swait.ge [sflag:s23], $0x1  }
0xa9: {  	[sflag:s23] =	ssyncset.done $0x0  }
0xaa: {  	s25 =	simm.s32 $0x1B8E;
	s24 =	sld [smem:$0x3FFE];
	[sflag:s23] =	ssyncadd.s32 $0xFFFFFFFF  }
0xab: {  	s26 =	simm.s32 $execute0_lowered;
	[smem:$0x3FD2] =	sst s25  }
0xac: {  	s6 =	sshll.u32 s26, $0x1;
	_ =	strace $0x80000046;
	[dreg:$0x1] =	wrdreg $0xFFFFFFFF  }
0xad: {  	s28 =	simm.s32 $_size_execute0_lowered;
	s4 =	sadd.s32 s4, s6;
	[dreg:$0x0] =	wrdreg $0x0  }
0xae: {  	s6 =	sshll.u32 s28, $0x1;
	[dreg:$0x2] =	wrdreg s4  }
0xaf: {  	[dreg:$0x3] =	wrdreg s6  }
0xb0: {  	[dreg:$0x4] =	wrdreg $0xC0  }
0xb1: {  	_ =	task [dreg:s8], $0x5FFFF  }
0xb2: {  	[dreg:$0x1] =	wrdreg $0xFFFFFFFF  }
0xb3: {  	[dreg:$0x0] =	wrdreg $0x60  }
0xb4: {  	[dreg:$0x2] =	wrdreg s24  }
0xb5: {  	[dreg:$0x3] =	wrdreg s17  }
0xb6: {  	[dreg:$0x4] =	wrdreg s16  }
0xb7: {  	[dreg:$0x5] =	wrdreg $0x0  }
0xb8: {  	[dreg:$0x6] =	wrdreg $0xA0000  }
0xb9: {  	[dreg:$0x7] =	wrdreg $0x140000  }
0xba: {  	[dreg:$0x8] =	wrdreg $0x141400  }
0xbb: {  	[dreg:$0x9] =	wrdreg $0x9  }
0xbc: {  	_ =	task.clear_ibuf [dreg:s8], $0xAFFFF;
	_ =	strace $0x90000046  }
0xbd: {  	s29 =	simm.s32 $0x9;
	_ =	strace $0x80000048  }
0xbe: {  	_ =	swait.ge [sflag:s29], $0x1  }
0xbf: {  	[sflag:s29] =	ssyncadd.s32 $0xFFFFFFFF  }
0xc0: {  	_ =	strace $0x90000048  }
0xc1: {  	_ =	sfence  }
0xc2: {  	s30 =	sld [smem:$0x0];
	_ =	sdelay $0x2  }
0xc3: {  	s31 =	sshll.u32 s1, $0xD;
	s1 =	sshrl.u32 s1, $0x2  }
0xc4: {  	s3 =	sand.u32 $0x4000, s31;
	s1 =	sadd.s32 s1, s30  }
0xc5: {  	s0 =	sor.u32 s3, s0;
	s1 =	sshll.u32 s1, $0x11  }
0xc6: {  	s0 =	sor.u32 s1, s0  }
0xc7: {  	s0 =	sadd.s32 $0x8F2B, s0  }
0xc8: {  	[sflag:s0] =	ssyncadd.remote.s32 $0x1  }
0xc9: {  	_ =	sfence.sel $0xFFFF  }
0xca: {  	[dreg:$0x0] =	wrdreg $0xFFFFFFFF;
	(pc) =	sbr.abs _section_cstart, $3  }
0xcb: {  	[dreg:$0x1] =	wrdreg $0xFFFFFFFF  }
0xcc: {  	_ =	task.clear_ibuf [dreg:s8], $0x2FFFF;
	_ =	strace $0x9FFFFFFF  }
0xcd: {  	(tm) =	ssettm $0x7FFFFFFF  }
tec
execute0_lowered:
.L_overlay_start_1:
0x0: {  	(tag) =	ssettag $0x1  }
0x1: {  	s1 =	rddreg [dreg:$0x0]  }
0x2: {  	s28 =	rddreg [dreg:$0x1]  }
0x3: {  	s2 =	rddreg [dreg:$0x3]  }
0x4: {  	s3 =	rddreg [dreg:$0x4]  }
0x5: {  	s4 =	rddreg [dreg:$0x5]  }
0x6: {  	s5 =	rddreg [dreg:$0x6]  }
0x7: {  	s30 =	simm.s32 $0x0;
	s9 =	srdreg.scid;
	s25 =	stileid.u32  }
0x8: {  	[smem:$0x7FF] =	sst s30;
	s7 =	sadd.s32 $0x4C600, s1;
	s11 =	smul.u32 $0x140, s25  }
0x9: {  	s8 =	sadd.s32 $0x74600, s1;
	s9 =	sand.u32 $0x1, s9;
	s14 =	smul.u32 $0xA000, s25  }
0xa: {  	s10 =	sadd.s32 $0x4BE00, s1;
	s13 =	ssub.s32 $0x2, s9;
	s17 =	smul.u32 $0xA0000, s9  }
0xb: {  	s12 =	sadd.s32 $0x4C200, s1;
	s15 =	sshrl.u32 s13, $0x1;
	s6 =	sadd.s32 $0x80, s11  }
0xc: {  	s26 =	sadd.s32 $0x100, s11;
	s18 =	ssub.s32 s13, s15;
	s20 =	sadd.s32 s14, s17  }
0xd: {  	s13 =	sshll.u32 s6, $0x7;
	s15 =	sshll.u32 s26, $0x7;
	s20 =	sshrl.u32 s20, $0x3  }
0xe: {  	s21 =	sadd.s32 s17, s13;
	s17 =	sadd.s32 s17, s15;
	s22 =	sadd.s32 s7, s20  }
0xf: {  	s21 =	sshrl.u32 s21, $0x3;
	s16 =	sadd.s32 s8, s20;
	[dreg:$0x8] =	wrdreg s22  }
0x10: {  	s17 =	sshrl.u32 s17, $0x3;
	s0 =	sadd.s32 s7, s21;
	[dreg:$0xb] =	wrdreg s16  }
0x11: {  	p0 =	sne.s32 s9, $0x0;
	s7 =	sadd.s32 s7, s17;
	[dreg:$0x9] =	wrdreg s0  }
0x12: {  	p1 =	seq.s32 s9, $0x0;
	s19 =	sadd.s32 s8, s21;
	[dreg:$0xa] =	wrdreg s7  }
0x13: {  	s20 =	sadd.s32 s8, s17;
	s21 =	sshrl.u32 s11, $0x3;
	[dreg:$0xc] =	wrdreg s19  }
0x14: {  	s22 =	sshrl.u32 s6, $0x3;
	[dreg:$0xd] =	wrdreg s20;
	s23 =	sadd.s32 s10, s21  }
0x15: {  	s16 =	sadd.s32 $0x4B600, s1;
	s24 =	sadd.s32 s10, s22;
	[dreg:$0xe] =	wrdreg s23  }
0x16: {  	s0 =	sshrl.u32 s26, $0x3;
	s7 =	sadd.s32 s12, s21;
	[dreg:$0xf] =	wrdreg s24  }
0x17: {  	s17 =	smul.u32 $0x50000, s9;
	s10 =	sadd.s32 s10, s0;
	[dreg:$0x11] =	wrdreg s7  }
0x18: {  	s21 =	sadd.s32 $0x10200, s1;
	[dreg:$0x10] =	wrdreg s10;
	s10 =	sadd.s32 s12, s22  }
0x19: {  	s23 =	sadd.s32 $0x1200, s1;
	s12 =	sadd.s32 s12, s0;
	[dreg:$0x12] =	wrdreg s10  }
0x1a: {  	s24 =	sadd.s32 $0x24200, s1;
	s22 =	sadd.s32 $0x6200, s1;
	[dreg:$0x13] =	wrdreg s12  }
0x1b: {  	s1 =	sadd.s32 $0x4B400, s1;
	_ =	strace $0x80000047;
	[dreg:$0x14] =	wrdreg s16  }
0x1c: {  	s20 =	smul.u32 $0x28000, s9;
	s0 =	sadd.s32 s14, s2;
	[dreg:$0x15] =	wrdreg s1  }
0x1d: {  	s9 =	sadd.s32 s13, s2;
	s12 =	sadd.s32 s6, s4;
	[dreg:$0x1b] =	wrdreg s0  }
0x1e: {  	s19 =	sadd.s32 s13, s3;
	s13 =	sadd.s32 s15, s2;
	[smem:$0x7F7] =	sst s12  }
0x1f: {  	s31 =	sadd.s32 s11, s4;
	[smem:$0x7F8] =	sst s13  }
0x20: {  	s10 =	sadd.s32 s11, s5;
	[dreg:$0x16] =	wrdreg s31  }
0x21: {  	s29 =	simm.s32 $0x5;
	s14 =	sadd.s32 s14, s3;
	[dreg:$0x17] =	wrdreg s10  }
0x22: {  	s8 =	smul.u32 $0x5000, s25;
	s6 =	sadd.s32 s6, s5;
	[dreg:$0x18] =	wrdreg s14  }
0x23: {  	s11 =	smul.u32 $0x2800, s25;
	s16 =	sadd.s32 s15, s3;
	[dreg:$0x19] =	wrdreg s19  }
0x24: {  	s13 =	sadd.s32 s8, s17;
	s0 =	sadd.s32 s26, s4;
	[dreg:$0x1a] =	wrdreg s6  }
0x25: {  	s12 =	sadd.s32 s26, s5;
	s26 =	smax.u32 s18, $0x1;
	[smem:$0x7FD] =	sst s9  }
0x26: {  	s15 =	sshrl.u32 s8, $0x3;
	s18 =	simm.s32 $0x16280;
	[smem:$0x7FC] =	sst s26  }
0x27: {  	s17 =	sadd.s32 s11, s20;
	s1 =	sshrl.u32 s13, $0x3;
	[dreg:$0x1c] =	wrdreg s16  }
0x28: {  	s25 =	sshrl.u32 s11, $0x3;
	s26 =	simm.s32 $0x1A280;
	[dreg:$0x1d] =	wrdreg s0  }
.Ltmp0:
0x29: {  	[dreg:$0x1e] =	wrdreg s12;
	s1 =	sadd.s32 s21, s1;
	(pc) =	sbr.rel .LBB2_1-.Ltmp0, $4  }
0x2a: {  	s7 =	sshrl.u32 s17, $0x3;
	[dreg:$0x1f] =	wrdreg s1;
	s1 =	sadd.s32 s28, s15  }
0x2b: {  	s20 =	sadd.s32 s22, s7;
	s28 =	simm.s32 $0x2;
	[smem:$0x7F9] =	sst s1  }
0x2c: {  	s15 =	simm.s32 $0x0;
	[smem:$0x7FA] =	sst s20;
	s1 =	sadd.s32 s23, s25  }
0x2d: {  	s20 =	simm.s32 $0x1;
	s25 =	simm.s32 $0x80;
	[smem:$0x7FB] =	sst s1  }
.LBB2_11:
0x2e: {  	[bflag:$0x0] =	sbarrier.arrive $0xFFFF  }
0x2f: {  	s0 =	rddreg [dreg:$0x1b]  }
0x30: {  	[tilespmem:s18], [sflag:$0x5] =	stream.linear.gather [spmem:s0], $0x4000, $0x38;
	[tilespmem:$0x1E300] =	vst v63  }
0x31: {  	_ =	swait.ge [sflag:s29], $0x4000  }
0x32: {  	[sflag:s29] =	ssyncset.done $0x0  }
0x33: {  	s1 =	rddreg [dreg:$0x8];
	[sflag:s29] =	ssyncadd.s32 $0xFFFFC000  }
0x34: {  	[hbm4b:s1+s6] =	stream.linear.scatter [tilespmem:s18], [sflag:$0x5], $0x4000, $0x38;
	[tilespmem:$0x1E300] =	vst v63  }
0x35: {  	_ =	swait.ge [sflag:s29], $0x4000  }
0x36: {  	[sflag:s29] =	ssyncset.done $0x0  }
0x37: {  	[sflag:s29] =	ssyncadd.s32 $0xFFFFC000  }
0x38: {  	[tilespmem:s18], [sflag:$0x5] =	stream.linear.gather [spmem:s15], $0x4000, $0x38;
	[tilespmem:$0x1E300] =	vst v63  }
0x39: {  	_ =	swait.ge [sflag:s29], $0x4000  }
0x3a: {  	[sflag:s29] =	ssyncset.done $0x0  }
0x3b: {  	s7 =	rddreg [dreg:$0x9];
	[sflag:s29] =	ssyncadd.s32 $0xFFFFC000  }
0x3c: {  	[hbm4b:s7+s6] =	stream.linear.scatter [tilespmem:s18], [sflag:$0x5], $0x4000, $0x38;
	[tilespmem:$0x1E300] =	vst v63  }
0x3d: {  	_ =	swait.ge [sflag:s29], $0x4000  }
0x3e: {  	[sflag:s29] =	ssyncset.done $0x0  }
0x3f: {  	[sflag:s29] =	ssyncadd.s32 $0xFFFFC000  }
0x40: {  	[tilespmem:s18], [sflag:$0x5] =	stream.linear.gather [spmem:s16], $0x2000, $0x38;
	[tilespmem:$0x1E300] =	vst v63  }
0x41: {  	_ =	swait.ge [sflag:s29], $0x2000  }
0x42: {  	[sflag:s29] =	ssyncset.done $0x0  }
0x43: {  	s9 =	rddreg [dreg:$0xa];
	[sflag:s29] =	ssyncadd.s32 $0xFFFFE000  }
0x44: {  	[hbm4b:s9+s6] =	stream.linear.scatter [tilespmem:s18], [sflag:$0x5], $0x2000, $0x38;
	[tilespmem:$0x1E300] =	vst v63  }
0x45: {  	_ =	swait.ge [sflag:s29], $0x2000  }
0x46: {  	[sflag:s29] =	ssyncset.done $0x0  }
0x47: {  	s14 =	rddreg [dreg:$0x18];
	[sflag:s29] =	ssyncadd.s32 $0xFFFFE000  }
0x48: {  	[tilespmem:s18], [sflag:$0x5] =	stream.linear.gather [spmem:s14], $0x4000, $0x38;
	[tilespmem:$0x1E300] =	vst v63  }
0x49: {  	_ =	swait.ge [sflag:s29], $0x4000  }
0x4a: {  	[sflag:s29] =	ssyncset.done $0x0  }
0x4b: {  	s10 =	rddreg [dreg:$0xb];
	[sflag:s29] =	ssyncadd.s32 $0xFFFFC000  }
0x4c: {  	[hbm4b:s10+s6] =	stream.linear.scatter [tilespmem:s18], [sflag:$0x5], $0x4000, $0x38;
	[tilespmem:$0x1E300] =	vst v63  }
0x4d: {  	_ =	swait.ge [sflag:s29], $0x4000  }
0x4e: {  	[sflag:s29] =	ssyncset.done $0x0  }
0x4f: {  	s0 =	smov.u32 s19;
	s19 =	rddreg [dreg:$0x19];
	[sflag:s29] =	ssyncadd.s32 $0xFFFFC000  }
0x50: {  	[tilespmem:s18], [sflag:$0x5] =	stream.linear.gather [spmem:s19], $0x4000, $0x38;
	[tilespmem:$0x1E300] =	vst v63  }
0x51: {  	_ =	swait.ge [sflag:s29], $0x4000  }
0x52: {  	[sflag:s29] =	ssyncset.done $0x0  }
0x53: {  	s30 =	simm.s32 $0x0;
	s12 =	rddreg [dreg:$0xc];
	[sflag:s29] =	ssyncadd.s32 $0xFFFFC000  }
0x54: {  	[hbm4b:s12+s30] =	stream.linear.scatter [tilespmem:s18], [sflag:$0x5], $0x4000, $0x38;
	[tilespmem:$0x1E300] =	vst v63  }
0x55: {  	_ =	swait.ge [sflag:s29], $0x4000  }
0x56: {  	[sflag:s29] =	ssyncset.done $0x0  }
0x57: {  	s16 =	rddreg [dreg:$0x1c];
	[sflag:s29] =	ssyncadd.s32 $0xFFFFC000  }
0x58: {  	[tilespmem:s18], [sflag:$0x5] =	stream.linear.gather [spmem:s16], $0x2000, $0x38;
	[tilespmem:$0x1E300] =	vst v63  }
0x59: {  	_ =	swait.ge [sflag:s29], $0x2000  }
0x5a: {  	[sflag:s29] =	ssyncset.done $0x0  }
0x5b: {  	s15 =	rddreg [dreg:$0xd];
	[sflag:s29] =	ssyncadd.s32 $0xFFFFE000  }
0x5c: {  	[hbm4b:s15+s30] =	stream.linear.scatter [tilespmem:s18], [sflag:$0x5], $0x2000, $0x38;
	[tilespmem:$0x1E300] =	vst v63  }
0x5d: {  	_ =	swait.ge [sflag:s29], $0x2000  }
0x5e: {  	s1 =	simm.s32 @!p0 $0x1E280;
	[sflag:s29] =	ssyncset.done $0x0  }
0x5f: {  	s7 =	simm.s32 @!p0 $0x5;
	s31 =	rddreg [dreg:$0x16];
	[sflag:s29] =	ssyncadd.s32 $0xFFFFE000  }
0x60: {  	[tilespmem:s1], [sflag:$0x5] =	stream.linear.gather @!p0 [spmem:s31], $0x80, $0x38;
	[tilespmem:$0x1E300] =	vst v63  }
0x61: {  	_ =	swait.ge @!p0 [sflag:s7], $0x80  }
0x62: {  	[sflag:s7] =	ssyncset.done @!p0 $0x0  }
0x63: {  	s9 =	simm.s32 @!p0 $0x0;
	s10 =	rddreg [dreg:$0xe];
	[sflag:s7] =	ssyncadd.s32 @!p0 $0xFFFFFF80  }
0x64: {  	[hbm4b:s10+s9] =	stream.linear.scatter @!p0 [tilespmem:s1], [sflag:$0x5], $0x80, $0x38;
	[tilespmem:$0x1E300] =	vst v63  }
0x65: {  	_ =	swait.ge @!p0 [sflag:s7], $0x80  }
0x66: {  	[sflag:s7] =	ssyncset.done @!p0 $0x0  }
0x67: {  	[sflag:s7] =	ssyncadd.s32 @!p0 $0xFFFFFF80  }
0x68: {  	[tilespmem:s1], [sflag:$0x5] =	stream.linear.gather @!p0 [spmem:s0], $0x80, $0x38;
	[tilespmem:$0x1E300] =	vst v63  }
0x69: {  	_ =	swait.ge @!p0 [sflag:s7], $0x80  }
0x6a: {  	[sflag:s7] =	ssyncset.done @!p0 $0x0  }
0x6b: {  	s10 =	rddreg [dreg:$0xf];
	[sflag:s7] =	ssyncadd.s32 @!p0 $0xFFFFFF80  }
0x6c: {  	[hbm4b:s10+s9] =	stream.linear.scatter @!p0 [tilespmem:s1], [sflag:$0x5], $0x80, $0x38;
	[tilespmem:$0x1E300] =	vst v63  }
0x6d: {  	_ =	swait.ge @!p0 [sflag:s7], $0x80  }
0x6e: {  	[sflag:s7] =	ssyncset.done @!p0 $0x0  }
0x6f: {  	s0 =	rddreg [dreg:$0x1d];
	[sflag:s7] =	ssyncadd.s32 @!p0 $0xFFFFFF80  }
0x70: {  	[tilespmem:s1], [sflag:$0x5] =	stream.linear.gather @!p0 [spmem:s0], $0x40, $0x38;
	[tilespmem:$0x1E300] =	vst v63  }
0x71: {  	_ =	swait.ge @!p0 [sflag:s7], $0x40  }
0x72: {  	[sflag:s7] =	ssyncset.done @!p0 $0x0  }
0x73: {  	s10 =	rddreg [dreg:$0x10];
	[sflag:s7] =	ssyncadd.s32 @!p0 $0xFFFFFFC0  }
0x74: {  	[hbm4b:s10+s9] =	stream.linear.scatter @!p0 [tilespmem:s1], [sflag:$0x5], $0x40, $0x38;
	[tilespmem:$0x1E300] =	vst v63  }
0x75: {  	_ =	swait.ge @!p0 [sflag:s7], $0x40  }
0x76: {  	[sflag:s7] =	ssyncset.done @!p0 $0x0  }
0x77: {  	s15 =	rddreg [dreg:$0x17];
	[sflag:s7] =	ssyncadd.s32 @!p0 $0xFFFFFFC0  }
0x78: {  	[tilespmem:s1], [sflag:$0x5] =	stream.linear.gather @!p0 [spmem:s15], $0x80, $0x38;
	[tilespmem:$0x1E300] =	vst v63  }
0x79: {  	_ =	swait.ge @!p0 [sflag:s7], $0x80  }
0x7a: {  	[sflag:s7] =	ssyncset.done @!p0 $0x0  }
0x7b: {  	s10 =	rddreg [dreg:$0x11];
	[sflag:s7] =	ssyncadd.s32 @!p0 $0xFFFFFF80  }
0x7c: {  	[hbm4b:s10+s9] =	stream.linear.scatter @!p0 [tilespmem:s1], [sflag:$0x5], $0x80, $0x38;
	[tilespmem:$0x1E300] =	vst v63  }
0x7d: {  	_ =	swait.ge @!p0 [sflag:s7], $0x80  }
0x7e: {  	[sflag:s7] =	ssyncset.done @!p0 $0x0  }
0x7f: {  	s6 =	rddreg [dreg:$0x1a];
	[sflag:s7] =	ssyncadd.s32 @!p0 $0xFFFFFF80  }
0x80: {  	[tilespmem:s1], [sflag:$0x5] =	stream.linear.gather @!p0 [spmem:s6], $0x80, $0x38;
	[tilespmem:$0x1E300] =	vst v63  }
0x81: {  	_ =	swait.ge @!p0 [sflag:s7], $0x80  }
0x82: {  	[sflag:s7] =	ssyncset.done @!p0 $0x0  }
0x83: {  	s10 =	rddreg [dreg:$0x12];
	[sflag:s7] =	ssyncadd.s32 @!p0 $0xFFFFFF80  }
0x84: {  	[hbm4b:s10+s9] =	stream.linear.scatter @!p0 [tilespmem:s1], [sflag:$0x5], $0x80, $0x38;
	[tilespmem:$0x1E300] =	vst v63  }
0x85: {  	_ =	swait.ge @!p0 [sflag:s7], $0x80  }
0x86: {  	[sflag:s7] =	ssyncset.done @!p0 $0x0  }
0x87: {  	s12 =	rddreg [dreg:$0x1e];
	[sflag:s7] =	ssyncadd.s32 @!p0 $0xFFFFFF80  }
0x88: {  	[tilespmem:s1], [sflag:$0x5] =	stream.linear.gather @!p0 [spmem:s12], $0x40, $0x38;
	[tilespmem:$0x1E300] =	vst v63  }
0x89: {  	_ =	swait.ge @!p0 [sflag:s7], $0x40  }
0x8a: {  	[sflag:s7] =	ssyncset.done @!p0 $0x0  }
0x8b: {  	s10 =	rddreg [dreg:$0x13];
	[sflag:s7] =	ssyncadd.s32 @!p0 $0xFFFFFFC0  }
0x8c: {  	[hbm4b:s10+s9] =	stream.linear.scatter @!p0 [tilespmem:s1], [sflag:$0x5], $0x40, $0x38;
	[tilespmem:$0x1E300] =	vst v63  }
0x8d: {  	s9 =	sld [smem:$0x7FD];
	_ =	swait.ge @!p0 [sflag:s7], $0x40  }
0x8e: {  	s1 =	sld [smem:$0x7F6];
	_ =	sdelay $0x2  }
0x8f: {  	s10 =	smov.u32 s15;
	s15 =	sadd.s32 $0x1, s1;
	s1 =	sld [smem:$0x7FC]  }
0x90: {  	_ =	sdelay $0x1  }
0x91: {  	p2 =	sne.s32 s15, s1  }
.Ltmp1:
0x92: {  	_ = 	snop;
	(pc) =	sbr.rel @!p2 .LBB2_12-.Ltmp1, $3  }
0x93: {  	_ =	sdelay $0x1  }
0x94: {  	[sflag:s7] =	ssyncset.done @!p0 $0x0  }
0x95: {  	[sflag:s7] =	ssyncadd.s32 @!p0 $0xFFFFFFC0  }
.LBB2_1:
0x96: {  	[smem:$0x7F6] =	sst s15  }
0x97: {  	s1 =	rddreg [dreg:$0x14]  }
0x98: {  	[tilespmem:s18], [sflag:$0x5] =	stream.linear.gather [hbm4b:s1+s30], $0x4000, $0x38;
	[tilespmem:$0x1E300] =	vst v63  }
0x99: {  	_ =	swait.ge [sflag:s29], $0x4000  }
0x9a: {  	[sflag:s29] =	ssyncset.done $0x0  }
0x9b: {  	[sflag:s29] =	ssyncadd.s32 $0xFFFFC000  }
0x9c: {  	s7 =	simm.s32 $0x1E280;
	s15 =	rddreg [dreg:$0x2]  }
0x9d: {  	[tilespmem:s7], [sflag:$0x5] =	stream.linear.gather [hbm4b:s15+s30], $0x80, $0x38;
	[tilespmem:$0x1E300] =	vst v63  }
0x9e: {  	_ =	swait.ge [sflag:s29], $0x80  }
0x9f: {  	[sflag:s29] =	ssyncset.done $0x0  }
0xa0: {  	s15 =	rddreg [dreg:$0x1b];
	[sflag:s29] =	ssyncadd.s32 $0xFFFFFF80  }
0xa1: {  	[spmem:s15] =	stream.linear.scatter [tilespmem:s18], [sflag:$0x5], $0x4000, $0x38;
	[tilespmem:$0x1E300] =	vst v63  }
0xa2: {  	_ =	swait.ge [sflag:s29], $0x4000  }
0xa3: {  	[sflag:s29] =	ssyncset.done $0x0  }
0xa4: {  	[sflag:s29] =	ssyncadd.s32 $0xFFFFC000  }
0xa5: {  	[spmem:s14] =	stream.linear.scatter [tilespmem:s18], [sflag:$0x5], $0x4000, $0x38;
	[tilespmem:$0x1E300] =	vst v63  }
0xa6: {  	_ =	swait.ge [sflag:s29], $0x4000  }
0xa7: {  	[sflag:s29] =	ssyncset.done $0x0  }
0xa8: {  	[sflag:s29] =	ssyncadd.s32 $0xFFFFC000  }
0xa9: {  	[spmem:s31] =	stream.linear.scatter [tilespmem:s7], [sflag:$0x5], $0x80, $0x38;
	[tilespmem:$0x1E300] =	vst v63  }
0xaa: {  	_ =	swait.ge [sflag:s29], $0x80  }
0xab: {  	[sflag:s29] =	ssyncset.done $0x0  }
0xac: {  	[sflag:s29] =	ssyncadd.s32 $0xFFFFFF80  }
0xad: {  	[spmem:s10] =	stream.linear.scatter [tilespmem:s7], [sflag:$0x5], $0x80, $0x38;
	[tilespmem:$0x1E300] =	vst v63  }
0xae: {  	_ =	swait.ge [sflag:s29], $0x80  }
0xaf: {  	[sflag:s29] =	ssyncset.done $0x0  }
0xb0: {  	[sflag:s29] =	ssyncadd.s32 $0xFFFFFF80  }
0xb1: {  	[spmem:s9] =	stream.linear.scatter [tilespmem:s18], [sflag:$0x5], $0x4000, $0x38;
	[tilespmem:$0x1E300] =	vst v63  }
0xb2: {  	_ =	swait.ge [sflag:s29], $0x4000  }
0xb3: {  	[sflag:s29] =	ssyncset.done $0x0  }
0xb4: {  	[sflag:s29] =	ssyncadd.s32 $0xFFFFC000  }
0xb5: {  	[spmem:s19] =	stream.linear.scatter [tilespmem:s18], [sflag:$0x5], $0x4000, $0x38;
	[tilespmem:$0x1E300] =	vst v63  }
0xb6: {  	_ =	swait.ge [sflag:s29], $0x4000  }
0xb7: {  	s19 =	sld [smem:$0x7F7]  }
0xb8: {  	[sflag:s29] =	ssyncset.done $0x0  }
0xb9: {  	[sflag:s29] =	ssyncadd.s32 $0xFFFFC000  }
0xba: {  	[spmem:s19] =	stream.linear.scatter [tilespmem:s7], [sflag:$0x5], $0x80, $0x38;
	[tilespmem:$0x1E300] =	vst v63  }
0xbb: {  	_ =	swait.ge [sflag:s29], $0x80  }
0xbc: {  	[sflag:s29] =	ssyncset.done $0x0  }
0xbd: {  	[sflag:s29] =	ssyncadd.s32 $0xFFFFFF80  }
0xbe: {  	[spmem:s6] =	stream.linear.scatter [tilespmem:s7], [sflag:$0x5], $0x80, $0x38;
	[tilespmem:$0x1E300] =	vst v63  }
0xbf: {  	_ =	swait.ge [sflag:s29], $0x80  }
0xc0: {  	s15 =	smov.u32 s9;
	s9 =	sld [smem:$0x7F8]  }
0xc1: {  	[sflag:s29] =	ssyncset.done $0x0  }
0xc2: {  	[sflag:s29] =	ssyncadd.s32 $0xFFFFFF80  }
0xc3: {  	[spmem:s9] =	stream.linear.scatter [tilespmem:s18], [sflag:$0x5], $0x2000, $0x38;
	[tilespmem:$0x1E300] =	vst v63  }
0xc4: {  	_ =	swait.ge [sflag:s29], $0x2000  }
0xc5: {  	[sflag:s29] =	ssyncset.done $0x0  }
0xc6: {  	[sflag:s29] =	ssyncadd.s32 $0xFFFFE000  }
0xc7: {  	[spmem:s16] =	stream.linear.scatter [tilespmem:s18], [sflag:$0x5], $0x2000, $0x38;
	[tilespmem:$0x1E300] =	vst v63  }
0xc8: {  	_ =	swait.ge [sflag:s29], $0x2000  }
0xc9: {  	[sflag:s29] =	ssyncset.done $0x0  }
0xca: {  	[sflag:s29] =	ssyncadd.s32 $0xFFFFE000  }
0xcb: {  	[spmem:s0] =	stream.linear.scatter [tilespmem:s7], [sflag:$0x5], $0x40, $0x38;
	[tilespmem:$0x1E300] =	vst v63  }
0xcc: {  	_ =	swait.ge [sflag:s29], $0x40  }
0xcd: {  	[sflag:s29] =	ssyncset.done $0x0  }
0xce: {  	[sflag:s29] =	ssyncadd.s32 $0xFFFFFFC0  }
0xcf: {  	[spmem:s12] =	stream.linear.scatter [tilespmem:s7], [sflag:$0x5], $0x40, $0x38;
	[tilespmem:$0x1E300] =	vst v63  }
0xd0: {  	_ =	swait.ge [sflag:s29], $0x40  }
0xd1: {  	[sflag:s29] =	ssyncset.done $0x0  }
0xd2: {  	s6 =	rddreg [dreg:$0x15];
	[sflag:s29] =	ssyncadd.s32 $0xFFFFFFC0  }
0xd3: {  	[tilespmem:s7], [sflag:$0x5] =	stream.linear.gather [hbm4b:s6+s30], $0x80, $0x38;
	[tilespmem:$0x1E300] =	vst v63  }
0xd4: {  	_ =	swait.ge [sflag:s29], $0x80  }
0xd5: {  	[sflag:s29] =	ssyncset.done $0x0  }
0xd6: {  	[sflag:s29] =	ssyncadd.s32 $0xFFFFFF80  }
0xd7: {  	[bflag:$0x0] =	sbarrier.arrive $0xFFFF  }
0xd8: {  	s12 =	simm.s32 $0x14280;
	s10 =	rddreg [dreg:$0x1f]  }
0xd9: {  	[tilespmem:s12], [sflag:$0x5] =	stream.linear.gather [hbm4b:s10+s30], $0x800, $0x38;
	[tilespmem:$0x1E300] =	vst v63  }
0xda: {  	_ =	swait.ge [sflag:s29], $0x800  }
0xdb: {  	s14 =	sld [smem:$0x7F9]  }
0xdc: {  	p2 =	por $0x0, $0x0;
	s1 =	simm.s32 $0x5;
	[sflag:s29] =	ssyncset.done $0x0  }
0xdd: {  	s31 =	simm.s32 $0x0;
	s16 =	simm.s32 $0x15280;
	[sflag:s29] =	ssyncadd.s32 $0xFFFFF800  }
0xde: {  	[tilespmem:s16], [sflag:$0x5] =	stream.linear.gather [hbm4b:s14+s30], $0x800, $0x38;
	[tilespmem:$0x1E300] =	vst v63  }
0xdf: {  	s6 =	simm.s32 $0x0;
	s0 =	rddreg [dreg:$0x1];
	s16 =	smov.u32 s9  }
.LBB2_2:
0xe0: {  	s7 =	smov.u32 s31  }
0xe1: {  	s31 =	sadd.s32 $0x1, s31;
	p3 =	seq.s32 s7, $0x9  }
0xe2: {  	_ =	swait.ge [sflag:s1], $0x800;
	s14 =	sshll.u32 @!p3 s31, $0xB  }
0xe3: {  	[sflag:s1] =	ssyncset.done $0x0;
	s9 =	sadd.s32 @!p3 s13, s14  }
0xe4: {  	[sflag:s1] =	ssyncadd.s32 $0xFFFFF800;
	s1 =	sand.u32 @!p3 $0x800, s14;
	s9 =	sshrl.u32 @!p3 s9, $0x3  }
0xe5: {  	s12 =	simm.s32 @!p3 $0x0;
	s10 =	sor.u32 @!p3 $0x14280, s1;
	s9 =	sadd.s32 @!p3 s21, s9  }
0xe6: {  	[tilespmem:s10], [sflag:$0x4] =	stream.linear.gather @!p3 [hbm4b:s9+s12], $0x800, $0x38;
	[tilespmem:$0x1E300] =	vst v63  }
0xe7: {  	s9 =	sadd.s32 @!p3 s8, s14  }
0xe8: {  	s9 =	sshrl.u32 @!p3 s9, $0x3  }
0xe9: {  	s1 =	sor.u32 @!p3 $0x15280, s1;
	s9 =	sadd.s32 @!p3 s0, s9  }
0xea: {  	[tilespmem:s1], [sflag:$0x4] =	stream.linear.gather @!p3 [hbm4b:s9+s12], $0x800, $0x38;
	[tilespmem:$0x1E300] =	vst v63  }
0xeb: {  	s12 =	sshll.u32 s7, $0xB  }
0xec: {  	s1 =	sand.u32 $0x800, s12  }
0xed: {  	s14 =	sor.u32 $0x14280, s1  }
0xee: {  	[tilespmem:s18], [sflag:$0x1] =	stream.indirect.gather [hbm4b:s24+s25], $0x80, s14, s25, $0xb8;
	[tilespmem:$0x1E300] =	vst v63  }
0xef: {  	_ =	swait.ge [sflag:s20], $0x4000  }
0xf0: {  	[sflag:s20] =	ssyncset.done $0x0  }
0xf1: {  	s9 =	simm.s32 $0x1;
	s7 =	sor.u32 $0x15280, s1;
	[sflag:s20] =	ssyncadd.s32 $0xFFFFC000  }
0xf2: {  	[spmem:s2] =	stream.indirect.scatter.add.f32 [tilespmem:s18], [sflag:$0x2], $0x80, s7, s25, $0xb8;
	[tilespmem:$0x1E300] =	vst v63  }
0xf3: {  	s10 =	simm.s32 @!p0 $0x80;
	s12 =	simm.s32 @!p0 $0x1E280;
	s9 =	simm.s32 @!p2 $0x0  }
0xf4: {  	[spmem:s4] =	stream.indirect.scatter.add.f32 @!p0 [tilespmem:s12], [sflag:$0x3], $0x1, s7, s10, $0xb8;
	[tilespmem:$0x1E300] =	vst v63  }
0xf5: {  	s1 =	sadd.s32 $0x14300, s1;
	s30 =	sshll.u32 s9, $0xB  }
0xf6: {  	[tilespmem:s26], [sflag:$0x1] =	stream.indirect.gather [hbm4b:s24+s25], $0x80, s1, s25, $0xb8;
	[tilespmem:$0x1E300] =	vst v63  }
0xf7: {  	s14 =	sor.u32 $0x15300, s30;
	s7 =	sor.u32 $0x14380, s30;
	s1 =	simm.s32 $0x20000  }
.LBB2_3:
0xf8: {  	s9 =	sadd.s32 $0xFFFF0000, s1  }
0xf9: {  	_ =	swait.ge [sflag:s20], $0x4000;
	s9 =	sand.u32 $0x10000, s9  }
0xfa: {  	[sflag:s20] =	ssyncset.done $0x0;
	s9 =	sshrl.u32 s9, $0x2  }
0xfb: {  	[sflag:s20] =	ssyncadd.s32 $0xFFFFC000;
	s9 =	sadd.s32 $0x16280, s9  }
0xfc: {  	[spmem:s2] =	stream.indirect.scatter.add.f32 [tilespmem:s9], [sflag:$0x2], $0x80, s14, s25, $0xb8;
	[tilespmem:$0x1E300] =	vst v63  }
0xfd: {  	s10 =	simm.s32 @p1 $0x1E280;
	s9 =	simm.s32 @p1 $0x80  }
0xfe: {  	[spmem:s4] =	stream.indirect.scatter.add.f32 @p1 [tilespmem:s10], [sflag:$0x3], $0x1, s14, s9, $0xb8;
	[tilespmem:$0x1E300] =	vst v63  }
0xff: {  	s9 =	simm.s32 @p1 $0x2  }
0x100: {  	_ =	swait.ge @p1 [sflag:s9], $0x800  }
0x101: {  	[sflag:s9] =	ssyncset.done @p1 $0x0  }
0x102: {  	p4 =	seq.s32 s1, $0x100000;
	[sflag:s9] =	ssyncadd.s32 @p1 $0xFFFFF800;
	s9 =	simm.s32 @p1 $0x3  }
0x103: {  	s10 =	sand.u32 @!p4 $0x10000, s1;
	s1 =	sadd.s32 @!p4 $0x10000, s1;
	_ =	swait.ge @p1 [sflag:s9], $0x10  }
0x104: {  	p5 =	sne.s32 @!p4 s1, $0x110000;
	[sflag:s9] =	ssyncset.done @p1 $0x0  }
0x105: {  	p5 =	por p4, !p5;
	[sflag:s9] =	ssyncadd.s32 @p1 $0xFFFFFFF0;
	s9 =	simm.s32 @!p1 $0x2  }
.Ltmp2:
0x106: {  	_ =	swait.ge @!p1 [sflag:s9], $0x800;
	(pc) =	sbr.rel @!p5 .LBB2_3-.Ltmp2, $4  }
0x107: {  	s10 =	sshrl.u32 @!p4 s10, $0x2;
	[sflag:s9] =	ssyncset.done @!p1 $0x0  }
0x108: {  	[sflag:s9] =	ssyncadd.s32 @!p1 $0xFFFFF800;
	s9 =	sadd.s32 @!p4 $0x16280, s10;
	s10 =	simm.s32 @!p4 $0x80  }
0x109: {  	[tilespmem:s9], [sflag:$0x1] =	stream.indirect.gather @!p4 [hbm4b:s24+s10], $0x80, s7, s10, $0xb8;
	[tilespmem:$0x1E300] =	vst v63  }
0x10a: {  	s14 =	sadd.s32 @!p4 $0x80, s14;
	s7 =	sadd.s32 @!p4 $0x80, s7  }
0x10b: {  	_ =	swait.ge [sflag:s28], $0x800  }
.Ltmp3:
0x10c: {  	[sflag:s28] =	ssyncset.done $0x0;
	(pc) =	sbr.rel @p3 .LBB2_6-.Ltmp3, $4  }
0x10d: {  	s1 =	simm.s32 @!p0 $0x3;
	[sflag:s28] =	ssyncadd.s32 $0xFFFFF800  }
0x10e: {  	_ =	swait.ge @!p0 [sflag:s1], $0x10  }
0x10f: {  	[sflag:s1] =	ssyncset.done @!p0 $0x0  }
0x110: {  	[sflag:s1] =	ssyncadd.s32 @!p0 $0xFFFFFFF0  }
.Ltmp4:
0x111: {  	(pc) =	sbr.rel .LBB2_2-.Ltmp4, $4  }
0x112: {  	s1 =	simm.s32 $0x4  }
0x113: {  	_ =	swait.ge [sflag:s1], $0x800  }
0x114: {  	[sflag:s1] =	ssyncset.done $0x0  }
0x115: {  	p2 =	por !p2, !p2;
	[sflag:s1] =	ssyncadd.s32 $0xFFFFF800  }
.LBB2_6:
0x116: {  	s0 =	sld [smem:$0x7FA];
	_ =	sdelay $0x1  }
0x117: {  	s31 =	simm.s32 $0x0;
	s1 =	simm.s32 $0x14280  }
0x118: {  	[tilespmem:s1], [sflag:$0x5] =	stream.linear.gather [hbm4b:s0+s31], $0x800, $0x38;
	[tilespmem:$0x1E300] =	vst v63  }
0x119: {  	s1 =	simm.s32 $0x5  }
0x11a: {  	_ =	swait.ge [sflag:s1], $0x800  }
0x11b: {  	s30 =	sld [smem:$0x7FB]  }
0x11c: {  	[sflag:s1] =	ssyncset.done $0x0  }
0x11d: {  	s7 =	simm.s32 $0x15280;
	p2 =	por $0x0, $0x0;
	[sflag:s1] =	ssyncadd.s32 $0xFFFFF800  }
0x11e: {  	[tilespmem:s7], [sflag:$0x5] =	stream.linear.gather [hbm4b:s30+s31], $0x800, $0x38;
	[tilespmem:$0x1E300] =	vst v63  }
.LBB2_7:
0x11f: {  	s7 =	smov.u32 s31  }
0x120: {  	s31 =	sadd.s32 $0x1, s31;
	_ =	swait.ge [sflag:s1], $0x800;
	p3 =	seq.s32 s7, $0x4  }
0x121: {  	[sflag:s1] =	ssyncset.done $0x0;
	s9 =	sshll.u32 @!p3 s31, $0xB  }
0x122: {  	[sflag:s1] =	ssyncadd.s32 $0xFFFFF800;
	s14 =	simm.s32 @!p3 $0x0;
	s10 =	sadd.s32 @!p3 s17, s9  }
0x123: {  	s1 =	sand.u32 @!p3 $0x800, s9;
	s9 =	sadd.s32 @!p3 s11, s9;
	s10 =	sshrl.u32 @!p3 s10, $0x3  }
0x124: {  	s12 =	sor.u32 @!p3 $0x14280, s1;
	s9 =	sshrl.u32 @!p3 s9, $0x3;
	s10 =	sadd.s32 @!p3 s22, s10  }
0x125: {  	[tilespmem:s12], [sflag:$0x4] =	stream.linear.gather @!p3 [hbm4b:s10+s14], $0x800, $0x38;
	[tilespmem:$0x1E300] =	vst v63  }
0x126: {  	s1 =	sor.u32 @!p3 $0x15280, s1;
	s9 =	sadd.s32 @!p3 s23, s9;
	s12 =	sshll.u32 s7, $0xB  }
0x127: {  	[tilespmem:s1], [sflag:$0x4] =	stream.linear.gather @!p3 [hbm4b:s9+s14], $0x800, $0x38;
	[tilespmem:$0x1E300] =	vst v63  }
0x128: {  	s1 =	sand.u32 $0x800, s12  }
0x129: {  	s14 =	sor.u32 $0x14280, s1  }
0x12a: {  	[tilespmem:s18], [sflag:$0x1] =	stream.indirect.gather [hbm4b:s24+s25], $0x80, s14, s25, $0xb8;
	[tilespmem:$0x1E300] =	vst v63  }
0x12b: {  	_ =	swait.ge [sflag:s20], $0x4000  }
0x12c: {  	[sflag:s20] =	ssyncset.done $0x0  }
0x12d: {  	s9 =	simm.s32 $0x1;
	s7 =	sor.u32 $0x15280, s1;
	[sflag:s20] =	ssyncadd.s32 $0xFFFFC000  }
0x12e: {  	[spmem:s3] =	stream.indirect.scatter.add.f32 [tilespmem:s18], [sflag:$0x2], $0x80, s7, s25, $0xb8;
	[tilespmem:$0x1E300] =	vst v63  }
0x12f: {  	s10 =	simm.s32 @!p0 $0x80;
	s12 =	simm.s32 @!p0 $0x1E280;
	s9 =	simm.s32 @!p2 $0x0  }
0x130: {  	[spmem:s5] =	stream.indirect.scatter.add.f32 @!p0 [tilespmem:s12], [sflag:$0x3], $0x1, s7, s10, $0xb8;
	[tilespmem:$0x1E300] =	vst v63  }
0x131: {  	s1 =	sadd.s32 $0x14300, s1;
	s30 =	sshll.u32 s9, $0xB  }
0x132: {  	[tilespmem:s26], [sflag:$0x1] =	stream.indirect.gather [hbm4b:s24+s25], $0x80, s1, s25, $0xb8;
	[tilespmem:$0x1E300] =	vst v63  }
0x133: {  	s14 =	sor.u32 $0x15300, s30;
	s7 =	sor.u32 $0x14380, s30;
	s1 =	simm.s32 $0x20000  }
.LBB2_8:
0x134: {  	s9 =	sadd.s32 $0xFFFF0000, s1  }
0x135: {  	_ =	swait.ge [sflag:s20], $0x4000;
	s9 =	sand.u32 $0x10000, s9  }
0x136: {  	[sflag:s20] =	ssyncset.done $0x0;
	s9 =	sshrl.u32 s9, $0x2  }
0x137: {  	[sflag:s20] =	ssyncadd.s32 $0xFFFFC000;
	s9 =	sadd.s32 $0x16280, s9  }
0x138: {  	[spmem:s3] =	stream.indirect.scatter.add.f32 [tilespmem:s9], [sflag:$0x2], $0x80, s14, s25, $0xb8;
	[tilespmem:$0x1E300] =	vst v63  }
0x139: {  	s10 =	simm.s32 @p1 $0x1E280;
	s9 =	simm.s32 @p1 $0x80  }
0x13a: {  	[spmem:s5] =	stream.indirect.scatter.add.f32 @p1 [tilespmem:s10], [sflag:$0x3], $0x1, s14, s9, $0xb8;
	[tilespmem:$0x1E300] =	vst v63  }
0x13b: {  	s9 =	simm.s32 @p1 $0x2  }
0x13c: {  	_ =	swait.ge @p1 [sflag:s9], $0x800  }
0x13d: {  	[sflag:s9] =	ssyncset.done @p1 $0x0  }
0x13e: {  	p4 =	seq.s32 s1, $0x100000;
	[sflag:s9] =	ssyncadd.s32 @p1 $0xFFFFF800;
	s9 =	simm.s32 @p1 $0x3  }
0x13f: {  	s10 =	sand.u32 @!p4 $0x10000, s1;
	s1 =	sadd.s32 @!p4 $0x10000, s1;
	_ =	swait.ge @p1 [sflag:s9], $0x10  }
0x140: {  	p5 =	sne.s32 @!p4 s1, $0x110000;
	[sflag:s9] =	ssyncset.done @p1 $0x0  }
0x141: {  	p5 =	por p4, !p5;
	[sflag:s9] =	ssyncadd.s32 @p1 $0xFFFFFFF0;
	s9 =	simm.s32 @!p1 $0x2  }
.Ltmp5:
0x142: {  	_ =	swait.ge @!p1 [sflag:s9], $0x800;
	(pc) =	sbr.rel @!p5 .LBB2_8-.Ltmp5, $4  }
0x143: {  	s10 =	sshrl.u32 @!p4 s10, $0x2;
	[sflag:s9] =	ssyncset.done @!p1 $0x0  }
0x144: {  	[sflag:s9] =	ssyncadd.s32 @!p1 $0xFFFFF800;
	s9 =	sadd.s32 @!p4 $0x16280, s10;
	s10 =	simm.s32 @!p4 $0x80  }
0x145: {  	[tilespmem:s9], [sflag:$0x1] =	stream.indirect.gather @!p4 [hbm4b:s24+s10], $0x80, s7, s10, $0xb8;
	[tilespmem:$0x1E300] =	vst v63  }
0x146: {  	s14 =	sadd.s32 @!p4 $0x80, s14;
	s7 =	sadd.s32 @!p4 $0x80, s7  }
0x147: {  	_ =	swait.ge [sflag:s28], $0x800  }
.Ltmp6:
0x148: {  	[sflag:s28] =	ssyncset.done $0x0;
	(pc) =	sbr.rel @p3 .LBB2_11-.Ltmp6, $4  }
0x149: {  	s1 =	simm.s32 @!p0 $0x3;
	[sflag:s28] =	ssyncadd.s32 $0xFFFFF800  }
0x14a: {  	_ =	swait.ge @!p0 [sflag:s1], $0x10  }
0x14b: {  	[sflag:s1] =	ssyncset.done @!p0 $0x0  }
0x14c: {  	[sflag:s1] =	ssyncadd.s32 @!p0 $0xFFFFFFF0  }
.Ltmp7:
0x14d: {  	(pc) =	sbr.rel .LBB2_7-.Ltmp7, $4  }
0x14e: {  	s1 =	simm.s32 $0x4  }
0x14f: {  	_ =	swait.ge [sflag:s1], $0x800  }
0x150: {  	[sflag:s1] =	ssyncset.done $0x0  }
0x151: {  	p2 =	por !p2, !p2;
	[sflag:s1] =	ssyncadd.s32 $0xFFFFF800  }
.LBB2_12:
0x152: {  	_ =	sfence.sel $0x180000  }
0x153: {  	[bflag:$0x0] =	sbarrier.arrive $0xFFFF  }
0x154: {  	_ =	strace $0x90000047  }
0x155: {  	s0 =	stileid.u32;
	[bflag:$0x2] =	sbarrier.arrive $0xFFFF  }
0x156: {  	p0 =	sne.s32 s0, $0x0;
	s0 =	rddreg [dreg:$0x7]  }
0x157: {  	s0 =	sadd.s32 @!p0 $0x100000, s0  }
0x158: {  	[sflag:s0] =	ssyncadd.tile.s32 @!p0 $0x1;
	_ =	shalt  }
.Lfunc_end2:
_tile_overlayer_lowered:
.L_overlay_start_2:
0x159: {  	(tag) =	ssettag $0x2  }
0x15a: {  	s0 =	rddreg [dreg:$0x0];
	s2 =	stileid.u32  }
0x15b: {  	s1 =	rddreg [dreg:$0x1];
	p0 =	sne.s32 s2, $0x0  }
0x15c: {  	s3 =	rddreg [dreg:$0x2];
	[bflag:$0x3] =	sbarrier.arrive $0xFFFF;
	s2 =	simm.s32 @!p0 $0x1C05  }
0x15d: {  	[timem:s3], [sflag:s2] =	dma.local @!p0 [hbm:s0], s1  }
0x15e: {  	s0 =	simm.s32 @!p0 $0x5  }
0x15f: {  	_ =	swait.ge @!p0 [sflag:s0], s1  }
0x160: {  	s1 =	ssub.s32 @!p0 $0x0, s1;
	[sflag:s0] =	ssyncset.done @!p0 $0x0  }
0x161: {  	[sflag:s0] =	ssyncadd.s32 @!p0 s1  }
0x162: {  	[bflag:$0x3] =	sbarrier.arrive $0xFFFF  }
0x163: {  	_ =	shalt  }

</sc_bundles>
